<compile_context>
chip_gen: v7x
topology: tpu7x:2x2x1
jax: 0.10.2.dev20260603
libtpu: 0.0.44.dev20260713+nightly
codegen_flags: <defaults>
</compile_context>

<pallas_src>
import functools

import jax
import jax.numpy as jnp
from jax import lax
from jax.experimental import pallas as pl
from jax.experimental.pallas import tpu as pltpu
from jax.experimental.pallas import tpu_sc as plsc

N = 10000
H = 128
E = 320000
EL = 200000

NW = 32
CH = 128
NPAD = 10112
RPT = NPAD // 16
EPAD = 80 * NW * CH
ELPAD = 50 * NW * CH

BN = 1000


def _dot_t(a, b):
    return lax.dot_general(a, b, (((1,), (1,)), ((), ())),
                           preferred_element_type=jnp.float32)


def _enc_body(x_ref, w_ref, o_ref):
    o_ref[...] = _dot_t(x_ref[...], w_ref[...])


_enc = pl.pallas_call(
    _enc_body,
    grid=(N // BN,),
    in_specs=[pl.BlockSpec((BN, H), lambda i: (i, 0)),
              pl.BlockSpec((H, H), lambda i: (0, 0))],
    out_specs=pl.BlockSpec((BN, H), lambda i: (i, 0)),
    out_shape=jax.ShapeDtypeStruct((N, H), jnp.float32),
)


def _mid_body(aa_ref, ab_ref, deg_ref, x_ref, w1r_ref, b1_ref, w2l_ref,
              w2r_ref, b2_ref, t2_ref, r2_ref):
    agg = aa_ref[...] + ab_ref[...]
    inv = 1.0 / jnp.maximum(deg_ref[...], 1.0)
    h = jnp.maximum(agg * inv + _dot_t(x_ref[...], w1r_ref[...])
                    + b1_ref[...], 0.0)
    t2_ref[...] = _dot_t(h, w2l_ref[...])
    r2_ref[...] = _dot_t(h, w2r_ref[...]) + b2_ref[...]


_mid = pl.pallas_call(
    _mid_body,
    grid=(N // BN,),
    in_specs=[pl.BlockSpec((BN, H), lambda i: (i, 0)),
              pl.BlockSpec((BN, H), lambda i: (i, 0)),
              pl.BlockSpec((BN, 1), lambda i: (i, 0)),
              pl.BlockSpec((BN, H), lambda i: (i, 0)),
              pl.BlockSpec((H, H), lambda i: (0, 0)),
              pl.BlockSpec((1, H), lambda i: (0, 0)),
              pl.BlockSpec((H, H), lambda i: (0, 0)),
              pl.BlockSpec((H, H), lambda i: (0, 0)),
              pl.BlockSpec((1, H), lambda i: (0, 0))],
    out_specs=[pl.BlockSpec((BN, H), lambda i: (i, 0)),
               pl.BlockSpec((BN, H), lambda i: (i, 0))],
    out_shape=[jax.ShapeDtypeStruct((N, H), jnp.float32)] * 2,
)


def _dec_prep_body(aa_ref, ab_ref, deg_ref, r2_ref, wdl_ref, wdr_ref,
                   bd1_ref, u_ref, v_ref):
    inv = 1.0 / jnp.maximum(deg_ref[...], 1.0)
    z = (aa_ref[...] + ab_ref[...]) * inv + r2_ref[...]
    u_ref[...] = _dot_t(z, wdl_ref[...]) + bd1_ref[...]
    v_ref[...] = _dot_t(z, wdr_ref[...])


_dec_prep = pl.pallas_call(
    _dec_prep_body,
    grid=(N // BN,),
    in_specs=[pl.BlockSpec((BN, H), lambda i: (i, 0)),
              pl.BlockSpec((BN, H), lambda i: (i, 0)),
              pl.BlockSpec((BN, 1), lambda i: (i, 0)),
              pl.BlockSpec((BN, H), lambda i: (i, 0)),
              pl.BlockSpec((H, H), lambda i: (0, 0)),
              pl.BlockSpec((H, H), lambda i: (0, 0)),
              pl.BlockSpec((1, H), lambda i: (0, 0))],
    out_specs=[pl.BlockSpec((BN, H), lambda i: (i, 0)),
               pl.BlockSpec((BN, H), lambda i: (i, 0))],
    out_shape=[jax.ShapeDtypeStruct((N, H), jnp.float32)] * 2,
)


_BF = 1024


def _fin_body(p_ref, bd2_ref, o_ref):
    s = jnp.sum(p_ref[...], axis=1)
    o_ref[...] = s.reshape(_BF // H, H) + bd2_ref[...]


_fin = pl.pallas_call(
    _fin_body,
    grid=(ELPAD // _BF,),
    in_specs=[pl.BlockSpec((_BF, 16), lambda i: (i, 0)),
              pl.BlockSpec((1, H), lambda i: (0, 0))],
    out_specs=pl.BlockSpec((_BF // H, H), lambda i: (i, 0)),
    out_shape=jax.ShapeDtypeStruct((ELPAD // H, H), jnp.float32),
)


_EW = EPAD // NW
_NCHUNKS = _EW // CH
_sc_mesh = plsc.VectorSubcoreMesh(core_axis_name="c", subcore_axis_name="s")


@functools.partial(
    pl.kernel,
    out_type=jax.ShapeDtypeStruct((2 * NPAD, H), jnp.float32),
    mesh=_sc_mesh,
    scratch_types=[
        pltpu.VMEM((2, CH), jnp.int32),
        pltpu.VMEM((2, CH), jnp.int32),
        pltpu.VMEM((2, CH, H), jnp.float32),
        pltpu.VMEM_SHARED((NPAD, H), jnp.float32),
        pltpu.SemaphoreType.DMA,
        pltpu.SemaphoreType.DMA,
    ],
)
def _scatter_h(t_hbm, src_hbm, dst_hbm, zero_hbm,
               out_hbm, sidx, didx, rows, acc, sem0, sem1):
    cid = lax.axis_index("c")
    sid = lax.axis_index("s")
    wid = sid * 2 + cid
    r0 = sid * RPT
    pltpu.sync_copy(zero_hbm.at[pl.ds(r0, RPT)], acc.at[pl.ds(r0, RPT)])
    plsc.subcore_barrier()

    sems = (sem0, sem1)

    def loadfire(g, b):
        base = wid * _EW + g * CH
        pltpu.sync_copy(src_hbm.at[pl.ds(base, CH)], sidx.at[b])
        pltpu.sync_copy(dst_hbm.at[pl.ds(base, CH)], didx.at[b])
        pltpu.async_copy(t_hbm.at[sidx.at[b]], rows.at[b], sems[b])

    def drain_g(b):
        pltpu.make_async_copy(t_hbm.at[pl.ds(0, CH)], rows.at[b],
                              sems[b]).wait()

    def fire_s(b):
        pltpu.async_copy(rows.at[b], acc.at[didx.at[b]], sems[b], add=True)

    def drain_s(b):
        pltpu.make_async_copy(rows.at[b], acc.at[didx.at[b]],
                              sems[b]).wait()

    loadfire(0, 0)

    def outer(gg, carry):
        g0 = 2 * gg
        drain_g(0)
        fire_s(0)

        @pl.when(gg > 0)
        def _():
            drain_s(1)

        loadfire(g0 + 1, 1)
        drain_g(1)
        fire_s(1)
        drain_s(0)

        @pl.when(gg < _NCHUNKS // 2 - 1)
        def _():
            loadfire(g0 + 2, 0)

        return carry

    lax.fori_loop(0, _NCHUNKS // 2, outer, 0)
    drain_s(1)
    plsc.subcore_barrier()
    pltpu.sync_copy(acc.at[pl.ds(r0, RPT)],
                    out_hbm.at[pl.ds(cid * NPAD + r0, RPT)])


@functools.partial(
    pl.kernel,
    out_type=jax.ShapeDtypeStruct((2 * NPAD, H), jnp.float32),
    mesh=_sc_mesh,
    scratch_types=[
        pltpu.VMEM((CH,), jnp.int32),
        pltpu.VMEM((CH, H), jnp.float32),
        pltpu.VMEM_SHARED((NPAD, H), jnp.float32),
    ],
)
def _deg_kernel(dst_hbm, zero_hbm, ones_hbm, out_hbm, didx, onesv, acc):
    cid = lax.axis_index("c")
    sid = lax.axis_index("s")
    wid = sid * 2 + cid
    r0 = sid * RPT
    pltpu.sync_copy(zero_hbm.at[pl.ds(r0, RPT)], acc.at[pl.ds(r0, RPT)])
    pltpu.sync_copy(ones_hbm, onesv)
    plsc.subcore_barrier()

    def body(g, carry):
        base = wid * _EW + g * CH
        pltpu.sync_copy(dst_hbm.at[pl.ds(base, CH)], didx)
        pltpu.sync_copy(onesv, acc.at[didx], add=True)
        return carry

    lax.fori_loop(0, _NCHUNKS, body, 0)
    plsc.subcore_barrier()
    pltpu.sync_copy(acc.at[pl.ds(r0, RPT)],
                    out_hbm.at[pl.ds(cid * NPAD + r0, RPT)])


_elw = ELPAD // NW
_elchunks = _elw // CH
_dec_mesh = plsc.VectorSubcoreMesh(core_axis_name="c", subcore_axis_name="s")


@functools.partial(
    pl.kernel,
    out_type=jax.ShapeDtypeStruct((ELPAD, 16), jnp.float32),
    mesh=_dec_mesh,
    scratch_types=[
        pltpu.VMEM((2, CH), jnp.int32),
        pltpu.VMEM((2, CH), jnp.int32),
        pltpu.VMEM((2, CH, H), jnp.float32),
        pltpu.VMEM((2, CH, H), jnp.float32),
        pltpu.VMEM((CH, 16), jnp.float32),
        pltpu.VMEM((H,), jnp.float32),
        pltpu.SemaphoreType.DMA,
        pltpu.SemaphoreType.DMA,
    ],
)
def _decode(u_hbm, v_hbm, i0_hbm, i1_hbm, w_hbm, out_hbm,
            i0v, i1v, ur, vr, pr, wv, sem0, sem1):
    cid = lax.axis_index("c")
    sid = lax.axis_index("s")
    wid = sid * 2 + cid
    pltpu.sync_copy(w_hbm, wv)
    wr = [wv[pl.ds(j * 16, 16)] for j in range(H // 16)]
    sems = (sem0, sem1)

    def loadfire(g, b):
        base = wid * _elw + g * CH
        pltpu.sync_copy(i0_hbm.at[pl.ds(base, CH)], i0v.at[b])
        pltpu.sync_copy(i1_hbm.at[pl.ds(base, CH)], i1v.at[b])
        pltpu.async_copy(u_hbm.at[i0v.at[b]], ur.at[b], sems[b])
        pltpu.async_copy(v_hbm.at[i1v.at[b]], vr.at[b], sems[b])

    def drain(b):
        pltpu.make_async_copy(u_hbm.at[pl.ds(0, CH)], ur.at[b],
                              sems[b]).wait()
        pltpu.make_async_copy(v_hbm.at[pl.ds(0, CH)], vr.at[b],
                              sems[b]).wait()

    def compute(g, b):
        def edge(e, c2):
            acc = jnp.zeros((16,), jnp.float32)
            for j in range(H // 16):
                u = ur[b, e, pl.ds(j * 16, 16)]
                v = vr[b, e, pl.ds(j * 16, 16)]
                acc = acc + jnp.maximum(u + v, 0.0) * wr[j]
            pr[e, :] = acc
            return c2

        lax.fori_loop(0, CH, edge, 0)
        base = wid * _elw + g * CH
        pltpu.sync_copy(pr, out_hbm.at[pl.ds(base, CH)])

    loadfire(0, 0)

    def outer(gg, carry):
        g0 = 2 * gg
        loadfire(g0 + 1, 1)
        drain(0)
        compute(g0, 0)

        @pl.when(gg < _elchunks // 2 - 1)
        def _():
            loadfire(g0 + 2, 0)

        drain(1)
        compute(g0 + 1, 1)
        return carry

    lax.fori_loop(0, _elchunks // 2, outer, 0)


def kernel(x, edge_index, edge_label_index, W1_l, b1, W1_r, W2_l, b2, W2_r,
           Wd1, bd1, Wd2, bd2):
    src = edge_index[0].astype(jnp.int32)
    dst = edge_index[1].astype(jnp.int32)
    srcp = jnp.concatenate([src, jnp.zeros((EPAD - E,), jnp.int32)])
    dstp = jnp.concatenate([dst, jnp.full((EPAD - E,), N, jnp.int32)])
    i0 = jnp.concatenate([edge_label_index[0].astype(jnp.int32),
                          jnp.zeros((ELPAD - EL,), jnp.int32)])
    i1 = jnp.concatenate([edge_label_index[1].astype(jnp.int32),
                          jnp.zeros((ELPAD - EL,), jnp.int32)])
    zeros = jnp.zeros((NPAD, H), jnp.float32)
    onesb = jnp.ones((CH, H), jnp.float32)
    b1r = b1.reshape(1, H)
    b2r = b2.reshape(1, H)
    bd1r = bd1.reshape(1, H)
    bd2r = jnp.broadcast_to(bd2.reshape(1, 1), (1, H))

    t1 = _enc(x, W1_l)
    degs = _deg_kernel(dstp, zeros, onesb)
    s1 = _scatter_h(t1, srcp, dstp, zeros)
    deg = (degs[:NPAD] + degs[NPAD:])[:N, :1]
    t2, r2b = _mid(s1[:N], s1[NPAD:NPAD + N], deg, x, W1_r, b1r, W2_l,
                   W2_r, b2r)
    s2 = _scatter_h(t2, srcp, dstp, zeros)
    u, v = _dec_prep(s2[:N], s2[NPAD:NPAD + N], deg, r2b,
                     Wd1[:, :H], Wd1[:, H:], bd1r)
    partial = _decode(u, v, i0, i1, Wd2[0])
    out2d = _fin(partial, bd2r)
    return out2d.reshape(-1)[:EL]

# --- scband reference (transcript-rebuilt; emitter-appended) ---
"""Pipeline reference for scband-link-predictor-10651518894409 (READ-ONLY COPY).

The authoritative reference and input builder live on the scoring server;
editing this copy changes nothing except your own understanding.
"""

import jax, jax.numpy as jnp
import numpy as np

N, E, EL, F, H = 10000, 320000, 200000, 128, 128

def _glorot(k, shape):
    fan_in = shape[1]
    return (jax.random.normal(k, shape, dtype=jnp.float32) / np.sqrt(fan_in)).astype(jnp.float32)

def setup_inputs(seed: int = 0):
    key = jax.random.key(seed)
    ks = jax.random.split(key, 12)
    x = jax.random.normal(ks[0], (N, F), dtype=jnp.float32)
    edge_index = jax.random.randint(ks[1], (2, E), 0, N, dtype=jnp.int64) if jax.config.jax_enable_x64 else jax.random.randint(ks[1], (2, E), 0, N).astype(jnp.int32)
    edge_label_index = jax.random.randint(ks[2], (2, EL), 0, N, dtype=jnp.int64) if jax.config.jax_enable_x64 else jax.random.randint(ks[2], (2, EL), 0, N).astype(jnp.int32)
    W1_l = _glorot(ks[3], (H, F)); b1 = jnp.zeros((H,), dtype=jnp.float32)
    W1_r = _glorot(ks[4], (H, F))
    W2_l = _glorot(ks[5], (H, H)); b2 = jnp.zeros((H,), dtype=jnp.float32)
    W2_r = _glorot(ks[6], (H, H))
    Wd1 = _glorot(ks[7], (H, 2 * H)); bd1 = jnp.zeros((H,), dtype=jnp.float32)
    Wd2 = _glorot(ks[8], (1, H)); bd2 = jnp.zeros((1,), dtype=jnp.float32)
    return dict(x=x, edge_index=edge_index, edge_label_index=edge_label_index,
                W1_l=W1_l, b1=b1, W1_r=W1_r, W2_l=W2_l, b2=b2, W2_r=W2_r,
                Wd1=Wd1, bd1=bd1, Wd2=Wd2, bd2=bd2)

def _sage_layer(h, src, dst, n_nodes, W_l, b_l, W_r):
    # mean aggregation of source messages into destination nodes
    msgs = jnp.take(h, src, axis=0)
    agg = jax.ops.segment_sum(msgs, dst, num_segments=n_nodes)
    deg = jax.ops.segment_sum(jnp.ones((src.shape[0],), dtype=h.dtype), dst, num_segments=n_nodes)
    mean = agg / jnp.clip(deg, 1.0)[:, None]
    return mean @ W_l.T + b_l + h @ W_r.T

def reference(x, edge_index, edge_label_index, W1_l, b1, W1_r, W2_l, b2, W2_r, Wd1, bd1, Wd2, bd2):
    n_nodes = x.shape[0]
    src, dst = edge_index[0], edge_index[1]
    # GraphSAGE encoder: num_layers=2, mean aggr, ReLU between layers, dropout=0
    h = _sage_layer(x, src, dst, n_nodes, W1_l, b1, W1_r)
    h = jax.nn.relu(h)
    z = _sage_layer(h, src, dst, n_nodes, W2_l, b2, W2_r)
    # edge decoder
    src_emb = jnp.take(z, edge_label_index[0], axis=0)
    dst_emb = jnp.take(z, edge_label_index[1], axis=0)
    edge_emb = jnp.concatenate([src_emb, dst_emb], axis=-1)
    hd = jax.nn.relu(edge_emb @ Wd1.T + bd1)
    out = hd @ Wd2.T + bd2
    return out.squeeze(-1)

if __name__ == "__main__":
    import jax
    _d = setup_inputs()
    print(jax.jit(kernel)(*tuple(_d.values())))

</pallas_src>

<mosaic_0001>
#map = affine_map<(d0, d1) -> (0)>
#map1 = affine_map<(d0, d1) -> (0, 0)>
module attributes {stable_mosaic.version = 14 : i64} {
  func.func @_deg_kernel(%arg0: i32, %arg1: i32, %arg2: memref<327680xi32, #tpu.memory_space<hbm>>, %arg3: memref<10112x128xf32, #tpu.memory_space<hbm>>, %arg4: memref<128x128xf32, #tpu.memory_space<hbm>>, %arg5: memref<20224x128xf32, #tpu.memory_space<hbm>>, %arg6: memref<128xi32, #tpu.memory_space<vmem>>, %arg7: memref<128x128xf32, #tpu.memory_space<vmem>>, %arg8: memref<10112x128xf32, #tpu.memory_space<vmem_shared>>) attributes {dimension_semantics = [#tpu.dimension_semantics<core_parallel>, #tpu.dimension_semantics<subcore_parallel>], iteration_bounds = array<i64: 2, 16>, scalar_prefetch = 0 : i64, scratch_operands = 3 : i64, tpu.core_type = #tpu.core_type<sc_vector_subcore>, window_params = [{transform_indices = #map}, {transform_indices = #map1}, {transform_indices = #map1}, {transform_indices = #map1}]} {
    %mul3A = arith.constant 2 : i32
    %mul3A_0 = arith.muli %arg1, %mul3A : i32
    %add3A = arith.addi %mul3A_0, %arg0 : i32
    %mul3A_1 = arith.constant 632 : i32
    %mul3A_2 = arith.muli %arg1, %mul3A_1 : i32
    "tpu.region"() ({
      %run_scoped3A = tpu.sem_alloc : memref<!tpu.dma_semaphore, #tpu.memory_space<semaphore_mem>>
      %dma_start3A = arith.constant 0 : i32
      %dma_start3A_12 = tpu.memref_slice %arg8[%mul3A_2, %dma_start3A] : memref<10112x128xf32, #tpu.memory_space<vmem_shared>> -> memref<632x128xf32, #tpu.memory_space<vmem_shared>>
      %dma_start3A_13 = arith.constant 0 : i32
      %dma_start3A_14 = tpu.memref_slice %arg3[%mul3A_2, %dma_start3A_13] : memref<10112x128xf32, #tpu.memory_space<hbm>> -> memref<632x128xf32, #tpu.memory_space<hbm>>
      tpu.enqueue_dma source(%dma_start3A_14 : memref<632x128xf32, #tpu.memory_space<hbm>>) target(%dma_start3A_12 : memref<632x128xf32, #tpu.memory_space<vmem_shared>>) target_semaphore(%run_scoped3A : memref<!tpu.dma_semaphore, #tpu.memory_space<semaphore_mem>>)
      %dma_wait3A = arith.constant 0 : i32
      %dma_wait3A_15 = tpu.memref_slice %arg8[%mul3A_2, %dma_wait3A] : memref<10112x128xf32, #tpu.memory_space<vmem_shared>> -> memref<632x128xf32, #tpu.memory_space<vmem_shared>>
      %dma_wait3A_16 = arith.constant 0 : i32
      %dma_wait3A_17 = tpu.memref_slice %arg3[%mul3A_2, %dma_wait3A_16] : memref<10112x128xf32, #tpu.memory_space<hbm>> -> memref<632x128xf32, #tpu.memory_space<hbm>>
      tpu.wait_dma2 semaphore(%run_scoped3A : memref<!tpu.dma_semaphore, #tpu.memory_space<semaphore_mem>>) src(%dma_wait3A_17 : memref<632x128xf32, #tpu.memory_space<hbm>>) dst(%dma_wait3A_15 : memref<632x128xf32, #tpu.memory_space<vmem_shared>>)
      tpu.yield
    }) : () -> ()
    "tpu.region"() ({
      %run_scoped3A = tpu.sem_alloc : memref<!tpu.dma_semaphore, #tpu.memory_space<semaphore_mem>>
      tpu.enqueue_dma source(%arg4 : memref<128x128xf32, #tpu.memory_space<hbm>>) target(%arg7 : memref<128x128xf32, #tpu.memory_space<vmem>>) target_semaphore(%run_scoped3A : memref<!tpu.dma_semaphore, #tpu.memory_space<semaphore_mem>>)
      tpu.wait_dma2 semaphore(%run_scoped3A : memref<!tpu.dma_semaphore, #tpu.memory_space<semaphore_mem>>) src(%arg4 : memref<128x128xf32, #tpu.memory_space<hbm>>) dst(%arg7 : memref<128x128xf32, #tpu.memory_space<vmem>>)
      tpu.yield
    }) : () -> ()
    %barrier3A = arith.constant 0 : index
    tpu.barrier barrier_id(%barrier3A)
    %scan3A = arith.constant 0 : i32
    %scan3A_3 = arith.constant 0 : i32
    %scan3A_4 = arith.constant 80 : i32
    %scan3A_5 = arith.addi %scan3A_3, %scan3A_4 : i32
    %scan3A_6 = arith.constant 1 : i32
    scf.for %scan3A_12 = %scan3A_3 to %scan3A_5 step %scan3A_6  : i32 {
      %mul3A_13 = arith.constant 10240 : i32
      %mul3A_14 = arith.muli %add3A, %mul3A_13 : i32
      %mul3A_15 = arith.constant 128 : i32
      %mul3A_16 = arith.muli %scan3A_12, %mul3A_15 : i32
      %add3A_17 = arith.addi %mul3A_14, %mul3A_16 : i32
      "tpu.region"() ({
        %run_scoped3A = tpu.sem_alloc : memref<!tpu.dma_semaphore, #tpu.memory_space<semaphore_mem>>
        %dma_start3A = tpu.memref_slice %arg2[%add3A_17] : memref<327680xi32, #tpu.memory_space<hbm>> -> memref<128xi32, #tpu.memory_space<hbm>>
        %dma_start3A_18 = tpu.memref_slice %arg2[%add3A_17] : memref<327680xi32, #tpu.memory_space<hbm>> -> memref<128xi32, #tpu.memory_space<hbm>>
        tpu.enqueue_dma source(%dma_start3A_18 : memref<128xi32, #tpu.memory_space<hbm>>) target(%arg6 : memref<128xi32, #tpu.memory_space<vmem>>) target_semaphore(%run_scoped3A : memref<!tpu.dma_semaphore, #tpu.memory_space<semaphore_mem>>)
        %dma_wait3A = tpu.memref_slice %arg2[%add3A_17] : memref<327680xi32, #tpu.memory_space<hbm>> -> memref<128xi32, #tpu.memory_space<hbm>>
        %dma_wait3A_19 = tpu.memref_slice %arg2[%add3A_17] : memref<327680xi32, #tpu.memory_space<hbm>> -> memref<128xi32, #tpu.memory_space<hbm>>
        tpu.wait_dma2 semaphore(%run_scoped3A : memref<!tpu.dma_semaphore, #tpu.memory_space<semaphore_mem>>) src(%dma_wait3A_19 : memref<128xi32, #tpu.memory_space<hbm>>) dst(%arg6 : memref<128xi32, #tpu.memory_space<vmem>>)
        tpu.yield
      }) : () -> ()
      "tpu.region"() ({
        %run_scoped3A = tpu.sem_alloc : memref<!tpu.dma_semaphore, #tpu.memory_space<semaphore_mem>>
        %dma_start3A = arith.constant 0 : i32
        %dma_start3A_18 = arith.constant 0 : i32
        %dma_start3A_19 = tpu.memref_slice %arg8[%dma_start3A, %dma_start3A_18] : memref<10112x128xf32, #tpu.memory_space<vmem_shared>> -> memref<10112x128xf32, #tpu.memory_space<vmem_shared>>
        tpu.enqueue_indirect_dma source(%arg7 : memref<128x128xf32, #tpu.memory_space<vmem>>) target(%dma_start3A_19 : memref<10112x128xf32, #tpu.memory_space<vmem_shared>>) offsets(%arg6 : memref<128xi32, #tpu.memory_space<vmem>>) semaphore(%run_scoped3A : memref<!tpu.dma_semaphore, #tpu.memory_space<semaphore_mem>>) {add = true}
        %dma_wait3A = arith.constant 0 : i32
        %dma_wait3A_20 = arith.constant 0 : i32
        %dma_wait3A_21 = tpu.memref_slice %arg8[%dma_wait3A, %dma_wait3A_20] : memref<10112x128xf32, #tpu.memory_space<vmem_shared>> -> memref<10112x128xf32, #tpu.memory_space<vmem_shared>>
        tpu.wait_indirect_dma semaphore(%run_scoped3A : memref<!tpu.dma_semaphore, #tpu.memory_space<semaphore_mem>>) src(%arg7 : memref<128x128xf32, #tpu.memory_space<vmem>>) dst(%dma_wait3A_21 : memref<10112x128xf32, #tpu.memory_space<vmem_shared>>)
        tpu.yield
      }) : () -> ()
    }
    %scan3A_7 = arith.constant 80 : i32
    %barrier3A_8 = arith.constant 0 : index
    tpu.barrier barrier_id(%barrier3A_8)
    %mul3A_9 = arith.constant 10112 : i32
    %mul3A_10 = arith.muli %arg0, %mul3A_9 : i32
    %add3A_11 = arith.addi %mul3A_10, %mul3A_2 : i32
    "tpu.region"() ({
      %run_scoped3A = tpu.sem_alloc : memref<!tpu.dma_semaphore, #tpu.memory_space<semaphore_mem>>
      %dma_start3A = arith.constant 0 : i32
      %dma_start3A_12 = tpu.memref_slice %arg5[%add3A_11, %dma_start3A] : memref<20224x128xf32, #tpu.memory_space<hbm>> -> memref<632x128xf32, #tpu.memory_space<hbm>>
      %dma_start3A_13 = arith.constant 0 : i32
      %dma_start3A_14 = tpu.memref_slice %arg8[%mul3A_2, %dma_start3A_13] : memref<10112x128xf32, #tpu.memory_space<vmem_shared>> -> memref<632x128xf32, #tpu.memory_space<vmem_shared>>
      tpu.enqueue_dma source(%dma_start3A_14 : memref<632x128xf32, #tpu.memory_space<vmem_shared>>) target(%dma_start3A_12 : memref<632x128xf32, #tpu.memory_space<hbm>>) target_semaphore(%run_scoped3A : memref<!tpu.dma_semaphore, #tpu.memory_space<semaphore_mem>>)
      %dma_wait3A = arith.constant 0 : i32
      %dma_wait3A_15 = tpu.memref_slice %arg5[%add3A_11, %dma_wait3A] : memref<20224x128xf32, #tpu.memory_space<hbm>> -> memref<632x128xf32, #tpu.memory_space<hbm>>
      %dma_wait3A_16 = arith.constant 0 : i32
      %dma_wait3A_17 = tpu.memref_slice %arg8[%mul3A_2, %dma_wait3A_16] : memref<10112x128xf32, #tpu.memory_space<vmem_shared>> -> memref<632x128xf32, #tpu.memory_space<vmem_shared>>
      tpu.wait_dma2 semaphore(%run_scoped3A : memref<!tpu.dma_semaphore, #tpu.memory_space<semaphore_mem>>) src(%dma_wait3A_17 : memref<632x128xf32, #tpu.memory_space<vmem_shared>>) dst(%dma_wait3A_15 : memref<632x128xf32, #tpu.memory_space<hbm>>)
      tpu.yield
    }) : () -> ()
    return
  }
}

#map = affine_map<(d0, d1) -> (0, 0)>
#map1 = affine_map<(d0, d1) -> (0)>
module attributes {stable_mosaic.version = 14 : i64} {
  func.func @_scatter_h(%arg0: i32, %arg1: i32, %arg2: memref<10000x128xf32, #tpu.memory_space<hbm>>, %arg3: memref<327680xi32, #tpu.memory_space<hbm>>, %arg4: memref<327680xi32, #tpu.memory_space<hbm>>, %arg5: memref<10112x128xf32, #tpu.memory_space<hbm>>, %arg6: memref<20224x128xf32, #tpu.memory_space<hbm>>, %arg7: memref<2x128xi32, #tpu.memory_space<vmem>>, %arg8: memref<2x128xi32, #tpu.memory_space<vmem>>, %arg9: memref<2x128x128xf32, #tpu.memory_space<vmem>>, %arg10: memref<10112x128xf32, #tpu.memory_space<vmem_shared>>, %arg11: memref<!tpu.dma_semaphore, #tpu.memory_space<semaphore_mem>>, %arg12: memref<!tpu.dma_semaphore, #tpu.memory_space<semaphore_mem>>) attributes {dimension_semantics = [#tpu.dimension_semantics<core_parallel>, #tpu.dimension_semantics<subcore_parallel>], iteration_bounds = array<i64: 2, 16>, scalar_prefetch = 0 : i64, scratch_operands = 6 : i64, tpu.core_type = #tpu.core_type<sc_vector_subcore>, window_params = [{transform_indices = #map}, {transform_indices = #map1}, {transform_indices = #map1}, {transform_indices = #map}, {transform_indices = #map}]} {
    %mul3A = arith.constant 2 : i32
    %mul3A_0 = arith.muli %arg1, %mul3A : i32
    %add3A = arith.addi %mul3A_0, %arg0 : i32
    %mul3A_1 = arith.constant 632 : i32
    %mul3A_2 = arith.muli %arg1, %mul3A_1 : i32
    "tpu.region"() ({
      %run_scoped3A_39 = tpu.sem_alloc : memref<!tpu.dma_semaphore, #tpu.memory_space<semaphore_mem>>
      %dma_start3A_40 = arith.constant 0 : i32
      %dma_start3A_41 = tpu.memref_slice %arg10[%mul3A_2, %dma_start3A_40] : memref<10112x128xf32, #tpu.memory_space<vmem_shared>> -> memref<632x128xf32, #tpu.memory_space<vmem_shared>>
      %dma_start3A_42 = arith.constant 0 : i32
      %dma_start3A_43 = tpu.memref_slice %arg5[%mul3A_2, %dma_start3A_42] : memref<10112x128xf32, #tpu.memory_space<hbm>> -> memref<632x128xf32, #tpu.memory_space<hbm>>
      tpu.enqueue_dma source(%dma_start3A_43 : memref<632x128xf32, #tpu.memory_space<hbm>>) target(%dma_start3A_41 : memref<632x128xf32, #tpu.memory_space<vmem_shared>>) target_semaphore(%run_scoped3A_39 : memref<!tpu.dma_semaphore, #tpu.memory_space<semaphore_mem>>)
      %dma_wait3A_44 = arith.constant 0 : i32
      %dma_wait3A_45 = tpu.memref_slice %arg10[%mul3A_2, %dma_wait3A_44] : memref<10112x128xf32, #tpu.memory_space<vmem_shared>> -> memref<632x128xf32, #tpu.memory_space<vmem_shared>>
      %dma_wait3A_46 = arith.constant 0 : i32
      %dma_wait3A_47 = tpu.memref_slice %arg5[%mul3A_2, %dma_wait3A_46] : memref<10112x128xf32, #tpu.memory_space<hbm>> -> memref<632x128xf32, #tpu.memory_space<hbm>>
      tpu.wait_dma2 semaphore(%run_scoped3A_39 : memref<!tpu.dma_semaphore, #tpu.memory_space<semaphore_mem>>) src(%dma_wait3A_47 : memref<632x128xf32, #tpu.memory_space<hbm>>) dst(%dma_wait3A_45 : memref<632x128xf32, #tpu.memory_space<vmem_shared>>)
      tpu.yield
    }) : () -> ()
    %barrier3A = arith.constant 0 : index
    tpu.barrier barrier_id(%barrier3A)
    %mul3A_3 = arith.constant 10240 : i32
    %mul3A_4 = arith.muli %add3A, %mul3A_3 : i32
    %add3A_5 = arith.constant 0 : i32
    %add3A_6 = arith.addi %mul3A_4, %add3A_5 : i32
    %run_scoped3A = arith.constant 0 : i32
    "tpu.region"() ({
      %run_scoped3A_39 = tpu.sem_alloc : memref<!tpu.dma_semaphore, #tpu.memory_space<semaphore_mem>>
      %dma_start3A_40 = arith.constant 0 : i32
      %dma_start3A_41 = tpu.memref_slice %arg7[%run_scoped3A, %dma_start3A_40] : memref<2x128xi32, #tpu.memory_space<vmem>> -> memref<1x128xi32, #tpu.memory_space<vmem>>
      %dma_start3A_42 = tpu.memref_squeeze %dma_start3A_41 : memref<1x128xi32, #tpu.memory_space<vmem>> -> memref<128xi32, #tpu.memory_space<vmem>>
      %dma_start3A_43 = tpu.memref_slice %arg3[%add3A_6] : memref<327680xi32, #tpu.memory_space<hbm>> -> memref<128xi32, #tpu.memory_space<hbm>>
      %dma_start3A_44 = arith.constant 0 : i32
      %dma_start3A_45 = tpu.memref_slice %arg7[%run_scoped3A, %dma_start3A_44] : memref<2x128xi32, #tpu.memory_space<vmem>> -> memref<1x128xi32, #tpu.memory_space<vmem>>
      %dma_start3A_46 = tpu.memref_squeeze %dma_start3A_45 : memref<1x128xi32, #tpu.memory_space<vmem>> -> memref<128xi32, #tpu.memory_space<vmem>>
      %dma_start3A_47 = tpu.memref_slice %arg3[%add3A_6] : memref<327680xi32, #tpu.memory_space<hbm>> -> memref<128xi32, #tpu.memory_space<hbm>>
      tpu.enqueue_dma source(%dma_start3A_47 : memref<128xi32, #tpu.memory_space<hbm>>) target(%dma_start3A_46 : memref<128xi32, #tpu.memory_space<vmem>>) target_semaphore(%run_scoped3A_39 : memref<!tpu.dma_semaphore, #tpu.memory_space<semaphore_mem>>)
      %dma_wait3A_48 = arith.constant 0 : i32
      %dma_wait3A_49 = tpu.memref_slice %arg7[%run_scoped3A, %dma_wait3A_48] : memref<2x128xi32, #tpu.memory_space<vmem>> -> memref<1x128xi32, #tpu.memory_space<vmem>>
      %dma_wait3A_50 = tpu.memref_squeeze %dma_wait3A_49 : memref<1x128xi32, #tpu.memory_space<vmem>> -> memref<128xi32, #tpu.memory_space<vmem>>
      %dma_wait3A_51 = tpu.memref_slice %arg3[%add3A_6] : memref<327680xi32, #tpu.memory_space<hbm>> -> memref<128xi32, #tpu.memory_space<hbm>>
      %dma_wait3A_52 = arith.constant 0 : i32
      %dma_wait3A_53 = tpu.memref_slice %arg7[%run_scoped3A, %dma_wait3A_52] : memref<2x128xi32, #tpu.memory_space<vmem>> -> memref<1x128xi32, #tpu.memory_space<vmem>>
      %dma_wait3A_54 = tpu.memref_squeeze %dma_wait3A_53 : memref<1x128xi32, #tpu.memory_space<vmem>> -> memref<128xi32, #tpu.memory_space<vmem>>
      %dma_wait3A_55 = tpu.memref_slice %arg3[%add3A_6] : memref<327680xi32, #tpu.memory_space<hbm>> -> memref<128xi32, #tpu.memory_space<hbm>>
      tpu.wait_dma2 semaphore(%run_scoped3A_39 : memref<!tpu.dma_semaphore, #tpu.memory_space<semaphore_mem>>) src(%dma_wait3A_55 : memref<128xi32, #tpu.memory_space<hbm>>) dst(%dma_wait3A_54 : memref<128xi32, #tpu.memory_space<vmem>>)
      tpu.yield
    }) : () -> ()
    %run_scoped3A_7 = arith.constant 0 : i32
    "tpu.region"() ({
      %run_scoped3A_39 = tpu.sem_alloc : memref<!tpu.dma_semaphore, #tpu.memory_space<semaphore_mem>>
      %dma_start3A_40 = arith.constant 0 : i32
      %dma_start3A_41 = tpu.memref_slice %arg8[%run_scoped3A_7, %dma_start3A_40] : memref<2x128xi32, #tpu.memory_space<vmem>> -> memref<1x128xi32, #tpu.memory_space<vmem>>
      %dma_start3A_42 = tpu.memref_squeeze %dma_start3A_41 : memref<1x128xi32, #tpu.memory_space<vmem>> -> memref<128xi32, #tpu.memory_space<vmem>>
      %dma_start3A_43 = tpu.memref_slice %arg4[%add3A_6] : memref<327680xi32, #tpu.memory_space<hbm>> -> memref<128xi32, #tpu.memory_space<hbm>>
      %dma_start3A_44 = arith.constant 0 : i32
      %dma_start3A_45 = tpu.memref_slice %arg8[%run_scoped3A_7, %dma_start3A_44] : memref<2x128xi32, #tpu.memory_space<vmem>> -> memref<1x128xi32, #tpu.memory_space<vmem>>
      %dma_start3A_46 = tpu.memref_squeeze %dma_start3A_45 : memref<1x128xi32, #tpu.memory_space<vmem>> -> memref<128xi32, #tpu.memory_space<vmem>>
      %dma_start3A_47 = tpu.memref_slice %arg4[%add3A_6] : memref<327680xi32, #tpu.memory_space<hbm>> -> memref<128xi32, #tpu.memory_space<hbm>>
      tpu.enqueue_dma source(%dma_start3A_47 : memref<128xi32, #tpu.memory_space<hbm>>) target(%dma_start3A_46 : memref<128xi32, #tpu.memory_space<vmem>>) target_semaphore(%run_scoped3A_39 : memref<!tpu.dma_semaphore, #tpu.memory_space<semaphore_mem>>)
      %dma_wait3A_48 = arith.constant 0 : i32
      %dma_wait3A_49 = tpu.memref_slice %arg8[%run_scoped3A_7, %dma_wait3A_48] : memref<2x128xi32, #tpu.memory_space<vmem>> -> memref<1x128xi32, #tpu.memory_space<vmem>>
      %dma_wait3A_50 = tpu.memref_squeeze %dma_wait3A_49 : memref<1x128xi32, #tpu.memory_space<vmem>> -> memref<128xi32, #tpu.memory_space<vmem>>
      %dma_wait3A_51 = tpu.memref_slice %arg4[%add3A_6] : memref<327680xi32, #tpu.memory_space<hbm>> -> memref<128xi32, #tpu.memory_space<hbm>>
      %dma_wait3A_52 = arith.constant 0 : i32
      %dma_wait3A_53 = tpu.memref_slice %arg8[%run_scoped3A_7, %dma_wait3A_52] : memref<2x128xi32, #tpu.memory_space<vmem>> -> memref<1x128xi32, #tpu.memory_space<vmem>>
      %dma_wait3A_54 = tpu.memref_squeeze %dma_wait3A_53 : memref<1x128xi32, #tpu.memory_space<vmem>> -> memref<128xi32, #tpu.memory_space<vmem>>
      %dma_wait3A_55 = tpu.memref_slice %arg4[%add3A_6] : memref<327680xi32, #tpu.memory_space<hbm>> -> memref<128xi32, #tpu.memory_space<hbm>>
      tpu.wait_dma2 semaphore(%run_scoped3A_39 : memref<!tpu.dma_semaphore, #tpu.memory_space<semaphore_mem>>) src(%dma_wait3A_55 : memref<128xi32, #tpu.memory_space<hbm>>) dst(%dma_wait3A_54 : memref<128xi32, #tpu.memory_space<vmem>>)
      tpu.yield
    }) : () -> ()
    %dma_start3A = arith.constant 0 : i32
    %dma_start3A_8 = arith.constant 0 : i32
    %dma_start3A_9 = arith.constant 0 : i32
    %dma_start3A_10 = arith.constant 0 : i32
    %dma_start3A_11 = tpu.memref_slice %arg9[%dma_start3A_8, %dma_start3A_9, %dma_start3A_10] : memref<2x128x128xf32, #tpu.memory_space<vmem>> -> memref<1x128x128xf32, #tpu.memory_space<vmem>>
    %dma_start3A_12 = tpu.memref_squeeze %dma_start3A_11 : memref<1x128x128xf32, #tpu.memory_space<vmem>> -> memref<128x128xf32, #tpu.memory_space<vmem>>
    %dma_start3A_13 = arith.constant 0 : i32
    %dma_start3A_14 = tpu.memref_slice %arg7[%dma_start3A, %dma_start3A_13] : memref<2x128xi32, #tpu.memory_space<vmem>> -> memref<1x128xi32, #tpu.memory_space<vmem>>
    %dma_start3A_15 = tpu.memref_squeeze %dma_start3A_14 : memref<1x128xi32, #tpu.memory_space<vmem>> -> memref<128xi32, #tpu.memory_space<vmem>>
    %dma_start3A_16 = arith.constant 0 : i32
    %dma_start3A_17 = arith.constant 0 : i32
    %dma_start3A_18 = tpu.memref_slice %arg2[%dma_start3A_16, %dma_start3A_17] : memref<10000x128xf32, #tpu.memory_space<hbm>> -> memref<10000x128xf32, #tpu.memory_space<hbm>>
    tpu.enqueue_indirect_dma source(%dma_start3A_18 : memref<10000x128xf32, #tpu.memory_space<hbm>>) target(%dma_start3A_12 : memref<128x128xf32, #tpu.memory_space<vmem>>) offsets(%dma_start3A_15 : memref<128xi32, #tpu.memory_space<vmem>>) semaphore(%arg11 : memref<!tpu.dma_semaphore, #tpu.memory_space<semaphore_mem>>)
    %scan3A = arith.constant 0 : i32
    %scan3A_19 = arith.constant 0 : i32
    %scan3A_20 = arith.constant 40 : i32
    %scan3A_21 = arith.addi %scan3A_19, %scan3A_20 : i32
    %scan3A_22 = arith.constant 1 : i32
    scf.for %scan3A_39 = %scan3A_19 to %scan3A_21 step %scan3A_22  : i32 {
      %mul3A_40 = arith.constant 2 : i32
      %mul3A_41 = arith.muli %mul3A_40, %scan3A_39 : i32
      %dma_wait3A_42 = arith.constant 0 : i32
      %dma_wait3A_43 = arith.constant 0 : i32
      %dma_wait3A_44 = arith.constant 0 : i32
      %dma_wait3A_45 = tpu.memref_slice %arg9[%dma_wait3A_42, %dma_wait3A_43, %dma_wait3A_44] : memref<2x128x128xf32, #tpu.memory_space<vmem>> -> memref<1x128x128xf32, #tpu.memory_space<vmem>>
      %dma_wait3A_46 = tpu.memref_squeeze %dma_wait3A_45 : memref<1x128x128xf32, #tpu.memory_space<vmem>> -> memref<128x128xf32, #tpu.memory_space<vmem>>
      %dma_wait3A_47 = arith.constant 0 : i32
      %dma_wait3A_48 = arith.constant 0 : i32
      %dma_wait3A_49 = tpu.memref_slice %arg2[%dma_wait3A_47, %dma_wait3A_48] : memref<10000x128xf32, #tpu.memory_space<hbm>> -> memref<128x128xf32, #tpu.memory_space<hbm>>
      %dma_wait3A_50 = arith.constant 0 : i32
      %dma_wait3A_51 = arith.constant 0 : i32
      %dma_wait3A_52 = tpu.memref_slice %arg9[%dma_wait3A_42, %dma_wait3A_50, %dma_wait3A_51] : memref<2x128x128xf32, #tpu.memory_space<vmem>> -> memref<1x128x128xf32, #tpu.memory_space<vmem>>
      %dma_wait3A_53 = tpu.memref_squeeze %dma_wait3A_52 : memref<1x128x128xf32, #tpu.memory_space<vmem>> -> memref<128x128xf32, #tpu.memory_space<vmem>>
      %dma_wait3A_54 = arith.constant 0 : i32
      %dma_wait3A_55 = arith.constant 0 : i32
      %dma_wait3A_56 = tpu.memref_slice %arg2[%dma_wait3A_54, %dma_wait3A_55] : memref<10000x128xf32, #tpu.memory_space<hbm>> -> memref<128x128xf32, #tpu.memory_space<hbm>>
      tpu.wait_dma2 semaphore(%arg11 : memref<!tpu.dma_semaphore, #tpu.memory_space<semaphore_mem>>) src(%dma_wait3A_56 : memref<128x128xf32, #tpu.memory_space<hbm>>) dst(%dma_wait3A_53 : memref<128x128xf32, #tpu.memory_space<vmem>>)
      %dma_start3A_57 = arith.constant 0 : i32
      %dma_start3A_58 = arith.constant 0 : i32
      %dma_start3A_59 = arith.constant 0 : i32
      %dma_start3A_60 = arith.constant 0 : i32
      %dma_start3A_61 = tpu.memref_slice %arg9[%dma_start3A_57, %dma_start3A_59, %dma_start3A_60] : memref<2x128x128xf32, #tpu.memory_space<vmem>> -> memref<1x128x128xf32, #tpu.memory_space<vmem>>
      %dma_start3A_62 = tpu.memref_squeeze %dma_start3A_61 : memref<1x128x128xf32, #tpu.memory_space<vmem>> -> memref<128x128xf32, #tpu.memory_space<vmem>>
      %dma_start3A_63 = arith.constant 0 : i32
      %dma_start3A_64 = tpu.memref_slice %arg8[%dma_start3A_58, %dma_start3A_63] : memref<2x128xi32, #tpu.memory_space<vmem>> -> memref<1x128xi32, #tpu.memory_space<vmem>>
      %dma_start3A_65 = tpu.memref_squeeze %dma_start3A_64 : memref<1x128xi32, #tpu.memory_space<vmem>> -> memref<128xi32, #tpu.memory_space<vmem>>
      %dma_start3A_66 = arith.constant 0 : i32
      %dma_start3A_67 = arith.constant 0 : i32
      %dma_start3A_68 = tpu.memref_slice %arg10[%dma_start3A_66, %dma_start3A_67] : memref<10112x128xf32, #tpu.memory_space<vmem_shared>> -> memref<10112x128xf32, #tpu.memory_space<vmem_shared>>
      tpu.enqueue_indirect_dma source(%dma_start3A_62 : memref<128x128xf32, #tpu.memory_space<vmem>>) target(%dma_start3A_68 : memref<10112x128xf32, #tpu.memory_space<vmem_shared>>) offsets(%dma_start3A_65 : memref<128xi32, #tpu.memory_space<vmem>>) semaphore(%arg11 : memref<!tpu.dma_semaphore, #tpu.memory_space<semaphore_mem>>) {add = true}
      %gt3A = arith.constant 0 : i32
      %gt3A_69 = arith.cmpi sgt, %scan3A_39, %gt3A : i32
      %convert_element_type3A = arith.extui %gt3A_69 : i1 to i32
      %cond3A = arith.constant 0 : i32
      %cond3A_70 = arith.cmpi ne, %convert_element_type3A, %cond3A : i32
      scf.if %cond3A_70 {
        %dma_wait3A_135 = arith.constant 1 : i32
        %dma_wait3A_136 = arith.constant 1 : i32
        %dma_wait3A_137 = arith.constant 0 : i32
        %dma_wait3A_138 = arith.constant 0 : i32
        %dma_wait3A_139 = tpu.memref_slice %arg9[%dma_wait3A_135, %dma_wait3A_137, %dma_wait3A_138] : memref<2x128x128xf32, #tpu.memory_space<vmem>> -> memref<1x128x128xf32, #tpu.memory_space<vmem>>
        %dma_wait3A_140 = tpu.memref_squeeze %dma_wait3A_139 : memref<1x128x128xf32, #tpu.memory_space<vmem>> -> memref<128x128xf32, #tpu.memory_space<vmem>>
        %dma_wait3A_141 = arith.constant 0 : i32
        %dma_wait3A_142 = tpu.memref_slice %arg8[%dma_wait3A_136, %dma_wait3A_141] : memref<2x128xi32, #tpu.memory_space<vmem>> -> memref<1x128xi32, #tpu.memory_space<vmem>>
        %dma_wait3A_143 = tpu.memref_squeeze %dma_wait3A_142 : memref<1x128xi32, #tpu.memory_space<vmem>> -> memref<128xi32, #tpu.memory_space<vmem>>
        %dma_wait3A_144 = arith.constant 0 : i32
        %dma_wait3A_145 = arith.constant 0 : i32
        %dma_wait3A_146 = tpu.memref_slice %arg10[%dma_wait3A_144, %dma_wait3A_145] : memref<10112x128xf32, #tpu.memory_space<vmem_shared>> -> memref<10112x128xf32, #tpu.memory_space<vmem_shared>>
        tpu.wait_indirect_dma semaphore(%arg12 : memref<!tpu.dma_semaphore, #tpu.memory_space<semaphore_mem>>) src(%dma_wait3A_140 : memref<128x128xf32, #tpu.memory_space<vmem>>) dst(%dma_wait3A_146 : memref<10112x128xf32, #tpu.memory_space<vmem_shared>>)
      } else {
      }
      %add3A_71 = arith.constant 1 : i32
      %add3A_72 = arith.addi %mul3A_41, %add3A_71 : i32
      %mul3A_73 = arith.constant 10240 : i32
      %mul3A_74 = arith.muli %add3A, %mul3A_73 : i32
      %mul3A_75 = arith.constant 128 : i32
      %mul3A_76 = arith.muli %add3A_72, %mul3A_75 : i32
      %add3A_77 = arith.addi %mul3A_74, %mul3A_76 : i32
      %run_scoped3A_78 = arith.constant 1 : i32
      "tpu.region"() ({
        %run_scoped3A_135 = tpu.sem_alloc : memref<!tpu.dma_semaphore, #tpu.memory_space<semaphore_mem>>
        %dma_start3A_136 = arith.constant 0 : i32
        %dma_start3A_137 = tpu.memref_slice %arg7[%run_scoped3A_78, %dma_start3A_136] : memref<2x128xi32, #tpu.memory_space<vmem>> -> memref<1x128xi32, #tpu.memory_space<vmem>>
        %dma_start3A_138 = tpu.memref_squeeze %dma_start3A_137 : memref<1x128xi32, #tpu.memory_space<vmem>> -> memref<128xi32, #tpu.memory_space<vmem>>
        %dma_start3A_139 = tpu.memref_slice %arg3[%add3A_77] : memref<327680xi32, #tpu.memory_space<hbm>> -> memref<128xi32, #tpu.memory_space<hbm>>
        %dma_start3A_140 = arith.constant 0 : i32
        %dma_start3A_141 = tpu.memref_slice %arg7[%run_scoped3A_78, %dma_start3A_140] : memref<2x128xi32, #tpu.memory_space<vmem>> -> memref<1x128xi32, #tpu.memory_space<vmem>>
        %dma_start3A_142 = tpu.memref_squeeze %dma_start3A_141 : memref<1x128xi32, #tpu.memory_space<vmem>> -> memref<128xi32, #tpu.memory_space<vmem>>
        %dma_start3A_143 = tpu.memref_slice %arg3[%add3A_77] : memref<327680xi32, #tpu.memory_space<hbm>> -> memref<128xi32, #tpu.memory_space<hbm>>
        tpu.enqueue_dma source(%dma_start3A_143 : memref<128xi32, #tpu.memory_space<hbm>>) target(%dma_start3A_142 : memref<128xi32, #tpu.memory_space<vmem>>) target_semaphore(%run_scoped3A_135 : memref<!tpu.dma_semaphore, #tpu.memory_space<semaphore_mem>>)
        %dma_wait3A_144 = arith.constant 0 : i32
        %dma_wait3A_145 = tpu.memref_slice %arg7[%run_scoped3A_78, %dma_wait3A_144] : memref<2x128xi32, #tpu.memory_space<vmem>> -> memref<1x128xi32, #tpu.memory_space<vmem>>
        %dma_wait3A_146 = tpu.memref_squeeze %dma_wait3A_145 : memref<1x128xi32, #tpu.memory_space<vmem>> -> memref<128xi32, #tpu.memory_space<vmem>>
        %dma_wait3A_147 = tpu.memref_slice %arg3[%add3A_77] : memref<327680xi32, #tpu.memory_space<hbm>> -> memref<128xi32, #tpu.memory_space<hbm>>
        %dma_wait3A_148 = arith.constant 0 : i32
        %dma_wait3A_149 = tpu.memref_slice %arg7[%run_scoped3A_78, %dma_wait3A_148] : memref<2x128xi32, #tpu.memory_space<vmem>> -> memref<1x128xi32, #tpu.memory_space<vmem>>
        %dma_wait3A_150 = tpu.memref_squeeze %dma_wait3A_149 : memref<1x128xi32, #tpu.memory_space<vmem>> -> memref<128xi32, #tpu.memory_space<vmem>>
        %dma_wait3A_151 = tpu.memref_slice %arg3[%add3A_77] : memref<327680xi32, #tpu.memory_space<hbm>> -> memref<128xi32, #tpu.memory_space<hbm>>
        tpu.wait_dma2 semaphore(%run_scoped3A_135 : memref<!tpu.dma_semaphore, #tpu.memory_space<semaphore_mem>>) src(%dma_wait3A_151 : memref<128xi32, #tpu.memory_space<hbm>>) dst(%dma_wait3A_150 : memref<128xi32, #tpu.memory_space<vmem>>)
        tpu.yield
      }) : () -> ()
      %run_scoped3A_79 = arith.constant 1 : i32
      "tpu.region"() ({
        %run_scoped3A_135 = tpu.sem_alloc : memref<!tpu.dma_semaphore, #tpu.memory_space<semaphore_mem>>
        %dma_start3A_136 = arith.constant 0 : i32
        %dma_start3A_137 = tpu.memref_slice %arg8[%run_scoped3A_79, %dma_start3A_136] : memref<2x128xi32, #tpu.memory_space<vmem>> -> memref<1x128xi32, #tpu.memory_space<vmem>>
        %dma_start3A_138 = tpu.memref_squeeze %dma_start3A_137 : memref<1x128xi32, #tpu.memory_space<vmem>> -> memref<128xi32, #tpu.memory_space<vmem>>
        %dma_start3A_139 = tpu.memref_slice %arg4[%add3A_77] : memref<327680xi32, #tpu.memory_space<hbm>> -> memref<128xi32, #tpu.memory_space<hbm>>
        %dma_start3A_140 = arith.constant 0 : i32
        %dma_start3A_141 = tpu.memref_slice %arg8[%run_scoped3A_79, %dma_start3A_140] : memref<2x128xi32, #tpu.memory_space<vmem>> -> memref<1x128xi32, #tpu.memory_space<vmem>>
        %dma_start3A_142 = tpu.memref_squeeze %dma_start3A_141 : memref<1x128xi32, #tpu.memory_space<vmem>> -> memref<128xi32, #tpu.memory_space<vmem>>
        %dma_start3A_143 = tpu.memref_slice %arg4[%add3A_77] : memref<327680xi32, #tpu.memory_space<hbm>> -> memref<128xi32, #tpu.memory_space<hbm>>
        tpu.enqueue_dma source(%dma_start3A_143 : memref<128xi32, #tpu.memory_space<hbm>>) target(%dma_start3A_142 : memref<128xi32, #tpu.memory_space<vmem>>) target_semaphore(%run_scoped3A_135 : memref<!tpu.dma_semaphore, #tpu.memory_space<semaphore_mem>>)
        %dma_wait3A_144 = arith.constant 0 : i32
        %dma_wait3A_145 = tpu.memref_slice %arg8[%run_scoped3A_79, %dma_wait3A_144] : memref<2x128xi32, #tpu.memory_space<vmem>> -> memref<1x128xi32, #tpu.memory_space<vmem>>
        %dma_wait3A_146 = tpu.memref_squeeze %dma_wait3A_145 : memref<1x128xi32, #tpu.memory_space<vmem>> -> memref<128xi32, #tpu.memory_space<vmem>>
        %dma_wait3A_147 = tpu.memref_slice %arg4[%add3A_77] : memref<327680xi32, #tpu.memory_space<hbm>> -> memref<128xi32, #tpu.memory_space<hbm>>
        %dma_wait3A_148 = arith.constant 0 : i32
        %dma_wait3A_149 = tpu.memref_slice %arg8[%run_scoped3A_79, %dma_wait3A_148] : memref<2x128xi32, #tpu.memory_space<vmem>> -> memref<1x128xi32, #tpu.memory_space<vmem>>
        %dma_wait3A_150 = tpu.memref_squeeze %dma_wait3A_149 : memref<1x128xi32, #tpu.memory_space<vmem>> -> memref<128xi32, #tpu.memory_space<vmem>>
        %dma_wait3A_151 = tpu.memref_slice %arg4[%add3A_77] : memref<327680xi32, #tpu.memory_space<hbm>> -> memref<128xi32, #tpu.memory_space<hbm>>
        tpu.wait_dma2 semaphore(%run_scoped3A_135 : memref<!tpu.dma_semaphore, #tpu.memory_space<semaphore_mem>>) src(%dma_wait3A_151 : memref<128xi32, #tpu.memory_space<hbm>>) dst(%dma_wait3A_150 : memref<128xi32, #tpu.memory_space<vmem>>)
        tpu.yield
      }) : () -> ()
      %dma_start3A_80 = arith.constant 1 : i32
      %dma_start3A_81 = arith.constant 1 : i32
      %dma_start3A_82 = arith.constant 0 : i32
      %dma_start3A_83 = arith.constant 0 : i32
      %dma_start3A_84 = tpu.memref_slice %arg9[%dma_start3A_81, %dma_start3A_82, %dma_start3A_83] : memref<2x128x128xf32, #tpu.memory_space<vmem>> -> memref<1x128x128xf32, #tpu.memory_space<vmem>>
      %dma_start3A_85 = tpu.memref_squeeze %dma_start3A_84 : memref<1x128x128xf32, #tpu.memory_space<vmem>> -> memref<128x128xf32, #tpu.memory_space<vmem>>
      %dma_start3A_86 = arith.constant 0 : i32
      %dma_start3A_87 = tpu.memref_slice %arg7[%dma_start3A_80, %dma_start3A_86] : memref<2x128xi32, #tpu.memory_space<vmem>> -> memref<1x128xi32, #tpu.memory_space<vmem>>
      %dma_start3A_88 = tpu.memref_squeeze %dma_start3A_87 : memref<1x128xi32, #tpu.memory_space<vmem>> -> memref<128xi32, #tpu.memory_space<vmem>>
      %dma_start3A_89 = arith.constant 0 : i32
      %dma_start3A_90 = arith.constant 0 : i32
      %dma_start3A_91 = tpu.memref_slice %arg2[%dma_start3A_89, %dma_start3A_90] : memref<10000x128xf32, #tpu.memory_space<hbm>> -> memref<10000x128xf32, #tpu.memory_space<hbm>>
      tpu.enqueue_indirect_dma source(%dma_start3A_91 : memref<10000x128xf32, #tpu.memory_space<hbm>>) target(%dma_start3A_85 : memref<128x128xf32, #tpu.memory_space<vmem>>) offsets(%dma_start3A_88 : memref<128xi32, #tpu.memory_space<vmem>>) semaphore(%arg12 : memref<!tpu.dma_semaphore, #tpu.memory_space<semaphore_mem>>)
      %dma_wait3A_92 = arith.constant 1 : i32
      %dma_wait3A_93 = arith.constant 0 : i32
      %dma_wait3A_94 = arith.constant 0 : i32
      %dma_wait3A_95 = tpu.memref_slice %arg9[%dma_wait3A_92, %dma_wait3A_93, %dma_wait3A_94] : memref<2x128x128xf32, #tpu.memory_space<vmem>> -> memref<1x128x128xf32, #tpu.memory_space<vmem>>
      %dma_wait3A_96 = tpu.memref_squeeze %dma_wait3A_95 : memref<1x128x128xf32, #tpu.memory_space<vmem>> -> memref<128x128xf32, #tpu.memory_space<vmem>>
      %dma_wait3A_97 = arith.constant 0 : i32
      %dma_wait3A_98 = arith.constant 0 : i32
      %dma_wait3A_99 = tpu.memref_slice %arg2[%dma_wait3A_97, %dma_wait3A_98] : memref<10000x128xf32, #tpu.memory_space<hbm>> -> memref<128x128xf32, #tpu.memory_space<hbm>>
      %dma_wait3A_100 = arith.constant 0 : i32
      %dma_wait3A_101 = arith.constant 0 : i32
      %dma_wait3A_102 = tpu.memref_slice %arg9[%dma_wait3A_92, %dma_wait3A_100, %dma_wait3A_101] : memref<2x128x128xf32, #tpu.memory_space<vmem>> -> memref<1x128x128xf32, #tpu.memory_space<vmem>>
      %dma_wait3A_103 = tpu.memref_squeeze %dma_wait3A_102 : memref<1x128x128xf32, #tpu.memory_space<vmem>> -> memref<128x128xf32, #tpu.memory_space<vmem>>
      %dma_wait3A_104 = arith.constant 0 : i32
      %dma_wait3A_105 = arith.constant 0 : i32
      %dma_wait3A_106 = tpu.memref_slice %arg2[%dma_wait3A_104, %dma_wait3A_105] : memref<10000x128xf32, #tpu.memory_space<hbm>> -> memref<128x128xf32, #tpu.memory_space<hbm>>
      tpu.wait_dma2 semaphore(%arg12 : memref<!tpu.dma_semaphore, #tpu.memory_space<semaphore_mem>>) src(%dma_wait3A_106 : memref<128x128xf32, #tpu.memory_space<hbm>>) dst(%dma_wait3A_103 : memref<128x128xf32, #tpu.memory_space<vmem>>)
      %dma_start3A_107 = arith.constant 1 : i32
      %dma_start3A_108 = arith.constant 1 : i32
      %dma_start3A_109 = arith.constant 0 : i32
      %dma_start3A_110 = arith.constant 0 : i32
      %dma_start3A_111 = tpu.memref_slice %arg9[%dma_start3A_107, %dma_start3A_109, %dma_start3A_110] : memref<2x128x128xf32, #tpu.memory_space<vmem>> -> memref<1x128x128xf32, #tpu.memory_space<vmem>>
      %dma_start3A_112 = tpu.memref_squeeze %dma_start3A_111 : memref<1x128x128xf32, #tpu.memory_space<vmem>> -> memref<128x128xf32, #tpu.memory_space<vmem>>
      %dma_start3A_113 = arith.constant 0 : i32
      %dma_start3A_114 = tpu.memref_slice %arg8[%dma_start3A_108, %dma_start3A_113] : memref<2x128xi32, #tpu.memory_space<vmem>> -> memref<1x128xi32, #tpu.memory_space<vmem>>
      %dma_start3A_115 = tpu.memref_squeeze %dma_start3A_114 : memref<1x128xi32, #tpu.memory_space<vmem>> -> memref<128xi32, #tpu.memory_space<vmem>>
      %dma_start3A_116 = arith.constant 0 : i32
      %dma_start3A_117 = arith.constant 0 : i32
      %dma_start3A_118 = tpu.memref_slice %arg10[%dma_start3A_116, %dma_start3A_117] : memref<10112x128xf32, #tpu.memory_space<vmem_shared>> -> memref<10112x128xf32, #tpu.memory_space<vmem_shared>>
      tpu.enqueue_indirect_dma source(%dma_start3A_112 : memref<128x128xf32, #tpu.memory_space<vmem>>) target(%dma_start3A_118 : memref<10112x128xf32, #tpu.memory_space<vmem_shared>>) offsets(%dma_start3A_115 : memref<128xi32, #tpu.memory_space<vmem>>) semaphore(%arg12 : memref<!tpu.dma_semaphore, #tpu.memory_space<semaphore_mem>>) {add = true}
      %dma_wait3A_119 = arith.constant 0 : i32
      %dma_wait3A_120 = arith.constant 0 : i32
      %dma_wait3A_121 = arith.constant 0 : i32
      %dma_wait3A_122 = arith.constant 0 : i32
      %dma_wait3A_123 = tpu.memref_slice %arg9[%dma_wait3A_119, %dma_wait3A_121, %dma_wait3A_122] : memref<2x128x128xf32, #tpu.memory_space<vmem>> -> memref<1x128x128xf32, #tpu.memory_space<vmem>>
      %dma_wait3A_124 = tpu.memref_squeeze %dma_wait3A_123 : memref<1x128x128xf32, #tpu.memory_space<vmem>> -> memref<128x128xf32, #tpu.memory_space<vmem>>
      %dma_wait3A_125 = arith.constant 0 : i32
      %dma_wait3A_126 = tpu.memref_slice %arg8[%dma_wait3A_120, %dma_wait3A_125] : memref<2x128xi32, #tpu.memory_space<vmem>> -> memref<1x128xi32, #tpu.memory_space<vmem>>
      %dma_wait3A_127 = tpu.memref_squeeze %dma_wait3A_126 : memref<1x128xi32, #tpu.memory_space<vmem>> -> memref<128xi32, #tpu.memory_space<vmem>>
      %dma_wait3A_128 = arith.constant 0 : i32
      %dma_wait3A_129 = arith.constant 0 : i32
      %dma_wait3A_130 = tpu.memref_slice %arg10[%dma_wait3A_128, %dma_wait3A_129] : memref<10112x128xf32, #tpu.memory_space<vmem_shared>> -> memref<10112x128xf32, #tpu.memory_space<vmem_shared>>
      tpu.wait_indirect_dma semaphore(%arg11 : memref<!tpu.dma_semaphore, #tpu.memory_space<semaphore_mem>>) src(%dma_wait3A_124 : memref<128x128xf32, #tpu.memory_space<vmem>>) dst(%dma_wait3A_130 : memref<10112x128xf32, #tpu.memory_space<vmem_shared>>)
      %lt3A = arith.constant 39 : i32
      %lt3A_131 = arith.cmpi slt, %scan3A_39, %lt3A : i32
      %convert_element_type3A_132 = arith.extui %lt3A_131 : i1 to i32
      %cond3A_133 = arith.constant 0 : i32
      %cond3A_134 = arith.cmpi ne, %convert_element_type3A_132, %cond3A_133 : i32
      scf.if %cond3A_134 {
        %add3A_135 = arith.constant 2 : i32
        %add3A_136 = arith.addi %mul3A_41, %add3A_135 : i32
        %mul3A_137 = arith.constant 10240 : i32
        %mul3A_138 = arith.muli %add3A, %mul3A_137 : i32
        %mul3A_139 = arith.constant 128 : i32
        %mul3A_140 = arith.muli %add3A_136, %mul3A_139 : i32
        %add3A_141 = arith.addi %mul3A_138, %mul3A_140 : i32
        %run_scoped3A_142 = arith.constant 0 : i32
        "tpu.region"() ({
          %run_scoped3A_156 = tpu.sem_alloc : memref<!tpu.dma_semaphore, #tpu.memory_space<semaphore_mem>>
          %dma_start3A_157 = arith.constant 0 : i32
          %dma_start3A_158 = tpu.memref_slice %arg7[%run_scoped3A_142, %dma_start3A_157] : memref<2x128xi32, #tpu.memory_space<vmem>> -> memref<1x128xi32, #tpu.memory_space<vmem>>
          %dma_start3A_159 = tpu.memref_squeeze %dma_start3A_158 : memref<1x128xi32, #tpu.memory_space<vmem>> -> memref<128xi32, #tpu.memory_space<vmem>>
          %dma_start3A_160 = tpu.memref_slice %arg3[%add3A_141] : memref<327680xi32, #tpu.memory_space<hbm>> -> memref<128xi32, #tpu.memory_space<hbm>>
          %dma_start3A_161 = arith.constant 0 : i32
          %dma_start3A_162 = tpu.memref_slice %arg7[%run_scoped3A_142, %dma_start3A_161] : memref<2x128xi32, #tpu.memory_space<vmem>> -> memref<1x128xi32, #tpu.memory_space<vmem>>
          %dma_start3A_163 = tpu.memref_squeeze %dma_start3A_162 : memref<1x128xi32, #tpu.memory_space<vmem>> -> memref<128xi32, #tpu.memory_space<vmem>>
          %dma_start3A_164 = tpu.memref_slice %arg3[%add3A_141] : memref<327680xi32, #tpu.memory_space<hbm>> -> memref<128xi32, #tpu.memory_space<hbm>>
          tpu.enqueue_dma source(%dma_start3A_164 : memref<128xi32, #tpu.memory_space<hbm>>) target(%dma_start3A_163 : memref<128xi32, #tpu.memory_space<vmem>>) target_semaphore(%run_scoped3A_156 : memref<!tpu.dma_semaphore, #tpu.memory_space<semaphore_mem>>)
          %dma_wait3A_165 = arith.constant 0 : i32
          %dma_wait3A_166 = tpu.memref_slice %arg7[%run_scoped3A_142, %dma_wait3A_165] : memref<2x128xi32, #tpu.memory_space<vmem>> -> memref<1x128xi32, #tpu.memory_space<vmem>>
          %dma_wait3A_167 = tpu.memref_squeeze %dma_wait3A_166 : memref<1x128xi32, #tpu.memory_space<vmem>> -> memref<128xi32, #tpu.memory_space<vmem>>
          %dma_wait3A_168 = tpu.memref_slice %arg3[%add3A_141] : memref<327680xi32, #tpu.memory_space<hbm>> -> memref<128xi32, #tpu.memory_space<hbm>>
          %dma_wait3A_169 = arith.constant 0 : i32
          %dma_wait3A_170 = tpu.memref_slice %arg7[%run_scoped3A_142, %dma_wait3A_169] : memref<2x128xi32, #tpu.memory_space<vmem>> -> memref<1x128xi32, #tpu.memory_space<vmem>>
          %dma_wait3A_171 = tpu.memref_squeeze %dma_wait3A_170 : memref<1x128xi32, #tpu.memory_space<vmem>> -> memref<128xi32, #tpu.memory_space<vmem>>
          %dma_wait3A_172 = tpu.memref_slice %arg3[%add3A_141] : memref<327680xi32, #tpu.memory_space<hbm>> -> memref<128xi32, #tpu.memory_space<hbm>>
          tpu.wait_dma2 semaphore(%run_scoped3A_156 : memref<!tpu.dma_semaphore, #tpu.memory_space<semaphore_mem>>) src(%dma_wait3A_172 : memref<128xi32, #tpu.memory_space<hbm>>) dst(%dma_wait3A_171 : memref<128xi32, #tpu.memory_space<vmem>>)
          tpu.yield
        }) : () -> ()
        %run_scoped3A_143 = arith.constant 0 : i32
        "tpu.region"() ({
          %run_scoped3A_156 = tpu.sem_alloc : memref<!tpu.dma_semaphore, #tpu.memory_space<semaphore_mem>>
          %dma_start3A_157 = arith.constant 0 : i32
          %dma_start3A_158 = tpu.memref_slice %arg8[%run_scoped3A_143, %dma_start3A_157] : memref<2x128xi32, #tpu.memory_space<vmem>> -> memref<1x128xi32, #tpu.memory_space<vmem>>
          %dma_start3A_159 = tpu.memref_squeeze %dma_start3A_158 : memref<1x128xi32, #tpu.memory_space<vmem>> -> memref<128xi32, #tpu.memory_space<vmem>>
          %dma_start3A_160 = tpu.memref_slice %arg4[%add3A_141] : memref<327680xi32, #tpu.memory_space<hbm>> -> memref<128xi32, #tpu.memory_space<hbm>>
          %dma_start3A_161 = arith.constant 0 : i32
          %dma_start3A_162 = tpu.memref_slice %arg8[%run_scoped3A_143, %dma_start3A_161] : memref<2x128xi32, #tpu.memory_space<vmem>> -> memref<1x128xi32, #tpu.memory_space<vmem>>
          %dma_start3A_163 = tpu.memref_squeeze %dma_start3A_162 : memref<1x128xi32, #tpu.memory_space<vmem>> -> memref<128xi32, #tpu.memory_space<vmem>>
          %dma_start3A_164 = tpu.memref_slice %arg4[%add3A_141] : memref<327680xi32, #tpu.memory_space<hbm>> -> memref<128xi32, #tpu.memory_space<hbm>>
          tpu.enqueue_dma source(%dma_start3A_164 : memref<128xi32, #tpu.memory_space<hbm>>) target(%dma_start3A_163 : memref<128xi32, #tpu.memory_space<vmem>>) target_semaphore(%run_scoped3A_156 : memref<!tpu.dma_semaphore, #tpu.memory_space<semaphore_mem>>)
          %dma_wait3A_165 = arith.constant 0 : i32
          %dma_wait3A_166 = tpu.memref_slice %arg8[%run_scoped3A_143, %dma_wait3A_165] : memref<2x128xi32, #tpu.memory_space<vmem>> -> memref<1x128xi32, #tpu.memory_space<vmem>>
          %dma_wait3A_167 = tpu.memref_squeeze %dma_wait3A_166 : memref<1x128xi32, #tpu.memory_space<vmem>> -> memref<128xi32, #tpu.memory_space<vmem>>
          %dma_wait3A_168 = tpu.memref_slice %arg4[%add3A_141] : memref<327680xi32, #tpu.memory_space<hbm>> -> memref<128xi32, #tpu.memory_space<hbm>>
          %dma_wait3A_169 = arith.constant 0 : i32
          %dma_wait3A_170 = tpu.memref_slice %arg8[%run_scoped3A_143, %dma_wait3A_169] : memref<2x128xi32, #tpu.memory_space<vmem>> -> memref<1x128xi32, #tpu.memory_space<vmem>>
          %dma_wait3A_171 = tpu.memref_squeeze %dma_wait3A_170 : memref<1x128xi32, #tpu.memory_space<vmem>> -> memref<128xi32, #tpu.memory_space<vmem>>
          %dma_wait3A_172 = tpu.memref_slice %arg4[%add3A_141] : memref<327680xi32, #tpu.memory_space<hbm>> -> memref<128xi32, #tpu.memory_space<hbm>>
          tpu.wait_dma2 semaphore(%run_scoped3A_156 : memref<!tpu.dma_semaphore, #tpu.memory_space<semaphore_mem>>) src(%dma_wait3A_172 : memref<128xi32, #tpu.memory_space<hbm>>) dst(%dma_wait3A_171 : memref<128xi32, #tpu.memory_space<vmem>>)
          tpu.yield
        }) : () -> ()
        %dma_start3A_144 = arith.constant 0 : i32
        %dma_start3A_145 = arith.constant 0 : i32
        %dma_start3A_146 = arith.constant 0 : i32
        %dma_start3A_147 = arith.constant 0 : i32
        %dma_start3A_148 = tpu.memref_slice %arg9[%dma_start3A_145, %dma_start3A_146, %dma_start3A_147] : memref<2x128x128xf32, #tpu.memory_space<vmem>> -> memref<1x128x128xf32, #tpu.memory_space<vmem>>
        %dma_start3A_149 = tpu.memref_squeeze %dma_start3A_148 : memref<1x128x128xf32, #tpu.memory_space<vmem>> -> memref<128x128xf32, #tpu.memory_space<vmem>>
        %dma_start3A_150 = arith.constant 0 : i32
        %dma_start3A_151 = tpu.memref_slice %arg7[%dma_start3A_144, %dma_start3A_150] : memref<2x128xi32, #tpu.memory_space<vmem>> -> memref<1x128xi32, #tpu.memory_space<vmem>>
        %dma_start3A_152 = tpu.memref_squeeze %dma_start3A_151 : memref<1x128xi32, #tpu.memory_space<vmem>> -> memref<128xi32, #tpu.memory_space<vmem>>
        %dma_start3A_153 = arith.constant 0 : i32
        %dma_start3A_154 = arith.constant 0 : i32
        %dma_start3A_155 = tpu.memref_slice %arg2[%dma_start3A_153, %dma_start3A_154] : memref<10000x128xf32, #tpu.memory_space<hbm>> -> memref<10000x128xf32, #tpu.memory_space<hbm>>
        tpu.enqueue_indirect_dma source(%dma_start3A_155 : memref<10000x128xf32, #tpu.memory_space<hbm>>) target(%dma_start3A_149 : memref<128x128xf32, #tpu.memory_space<vmem>>) offsets(%dma_start3A_152 : memref<128xi32, #tpu.memory_space<vmem>>) semaphore(%arg11 : memref<!tpu.dma_semaphore, #tpu.memory_space<semaphore_mem>>)
      } else {
      }
    }
    %scan3A_23 = arith.constant 40 : i32
    %dma_wait3A = arith.constant 1 : i32
    %dma_wait3A_24 = arith.constant 1 : i32
    %dma_wait3A_25 = arith.constant 0 : i32
    %dma_wait3A_26 = arith.constant 0 : i32
    %dma_wait3A_27 = tpu.memref_slice %arg9[%dma_wait3A, %dma_wait3A_25, %dma_wait3A_26] : memref<2x128x128xf32, #tpu.memory_space<vmem>> -> memref<1x128x128xf32, #tpu.memory_space<vmem>>
    %dma_wait3A_28 = tpu.memref_squeeze %dma_wait3A_27 : memref<1x128x128xf32, #tpu.memory_space<vmem>> -> memref<128x128xf32, #tpu.memory_space<vmem>>
    %dma_wait3A_29 = arith.constant 0 : i32
    %dma_wait3A_30 = tpu.memref_slice %arg8[%dma_wait3A_24, %dma_wait3A_29] : memref<2x128xi32, #tpu.memory_space<vmem>> -> memref<1x128xi32, #tpu.memory_space<vmem>>
    %dma_wait3A_31 = tpu.memref_squeeze %dma_wait3A_30 : memref<1x128xi32, #tpu.memory_space<vmem>> -> memref<128xi32, #tpu.memory_space<vmem>>
    %dma_wait3A_32 = arith.constant 0 : i32
    %dma_wait3A_33 = arith.constant 0 : i32
    %dma_wait3A_34 = tpu.memref_slice %arg10[%dma_wait3A_32, %dma_wait3A_33] : memref<10112x128xf32, #tpu.memory_space<vmem_shared>> -> memref<10112x128xf32, #tpu.memory_space<vmem_shared>>
    tpu.wait_indirect_dma semaphore(%arg12 : memref<!tpu.dma_semaphore, #tpu.memory_space<semaphore_mem>>) src(%dma_wait3A_28 : memref<128x128xf32, #tpu.memory_space<vmem>>) dst(%dma_wait3A_34 : memref<10112x128xf32, #tpu.memory_space<vmem_shared>>)
    %barrier3A_35 = arith.constant 0 : index
    tpu.barrier barrier_id(%barrier3A_35)
    %mul3A_36 = arith.constant 10112 : i32
    %mul3A_37 = arith.muli %arg0, %mul3A_36 : i32
    %add3A_38 = arith.addi %mul3A_37, %mul3A_2 : i32
    "tpu.region"() ({
      %run_scoped3A_39 = tpu.sem_alloc : memref<!tpu.dma_semaphore, #tpu.memory_space<semaphore_mem>>
      %dma_start3A_40 = arith.constant 0 : i32
      %dma_start3A_41 = tpu.memref_slice %arg6[%add3A_38, %dma_start3A_40] : memref<20224x128xf32, #tpu.memory_space<hbm>> -> memref<632x128xf32, #tpu.memory_space<hbm>>
      %dma_start3A_42 = arith.constant 0 : i32
      %dma_start3A_43 = tpu.memref_slice %arg10[%mul3A_2, %dma_start3A_42] : memref<10112x128xf32, #tpu.memory_space<vmem_shared>> -> memref<632x128xf32, #tpu.memory_space<vmem_shared>>
      tpu.enqueue_dma source(%dma_start3A_43 : memref<632x128xf32, #tpu.memory_space<vmem_shared>>) target(%dma_start3A_41 : memref<632x128xf32, #tpu.memory_space<hbm>>) target_semaphore(%run_scoped3A_39 : memref<!tpu.dma_semaphore, #tpu.memory_space<semaphore_mem>>)
      %dma_wait3A_44 = arith.constant 0 : i32
      %dma_wait3A_45 = tpu.memref_slice %arg6[%add3A_38, %dma_wait3A_44] : memref<20224x128xf32, #tpu.memory_space<hbm>> -> memref<632x128xf32, #tpu.memory_space<hbm>>
      %dma_wait3A_46 = arith.constant 0 : i32
      %dma_wait3A_47 = tpu.memref_slice %arg10[%mul3A_2, %dma_wait3A_46] : memref<10112x128xf32, #tpu.memory_space<vmem_shared>> -> memref<632x128xf32, #tpu.memory_space<vmem_shared>>
      tpu.wait_dma2 semaphore(%run_scoped3A_39 : memref<!tpu.dma_semaphore, #tpu.memory_space<semaphore_mem>>) src(%dma_wait3A_47 : memref<632x128xf32, #tpu.memory_space<vmem_shared>>) dst(%dma_wait3A_45 : memref<632x128xf32, #tpu.memory_space<hbm>>)
      tpu.yield
    }) : () -> ()
    return
  }
}

#map = affine_map<(d0, d1) -> (0, 0)>
#map1 = affine_map<(d0, d1) -> (0)>
module attributes {stable_mosaic.version = 14 : i64} {
  func.func @_decode(%arg0: i32, %arg1: i32, %arg2: memref<10000x128xf32, #tpu.memory_space<hbm>>, %arg3: memref<10000x128xf32, #tpu.memory_space<hbm>>, %arg4: memref<204800xi32, #tpu.memory_space<hbm>>, %arg5: memref<204800xi32, #tpu.memory_space<hbm>>, %arg6: memref<128xf32, #tpu.memory_space<hbm>>, %arg7: memref<204800x16xf32, #tpu.memory_space<hbm>>, %arg8: memref<2x128xi32, #tpu.memory_space<vmem>>, %arg9: memref<2x128xi32, #tpu.memory_space<vmem>>, %arg10: memref<2x128x128xf32, #tpu.memory_space<vmem>>, %arg11: memref<2x128x128xf32, #tpu.memory_space<vmem>>, %arg12: memref<128x16xf32, #tpu.memory_space<vmem>>, %arg13: memref<128xf32, #tpu.memory_space<vmem>>, %arg14: memref<!tpu.dma_semaphore, #tpu.memory_space<semaphore_mem>>, %arg15: memref<!tpu.dma_semaphore, #tpu.memory_space<semaphore_mem>>) attributes {dimension_semantics = [#tpu.dimension_semantics<core_parallel>, #tpu.dimension_semantics<subcore_parallel>], iteration_bounds = array<i64: 2, 16>, scalar_prefetch = 0 : i64, scratch_operands = 8 : i64, tpu.core_type = #tpu.core_type<sc_vector_subcore>, window_params = [{transform_indices = #map}, {transform_indices = #map}, {transform_indices = #map1}, {transform_indices = #map1}, {transform_indices = #map1}, {transform_indices = #map}]} {
    %mul3A = arith.constant 2 : i32
    %mul3A_0 = arith.muli %arg1, %mul3A : i32
    %add3A = arith.addi %mul3A_0, %arg0 : i32
    "tpu.region"() ({
      %run_scoped3A_57 = tpu.sem_alloc : memref<!tpu.dma_semaphore, #tpu.memory_space<semaphore_mem>>
      tpu.enqueue_dma source(%arg6 : memref<128xf32, #tpu.memory_space<hbm>>) target(%arg13 : memref<128xf32, #tpu.memory_space<vmem>>) target_semaphore(%run_scoped3A_57 : memref<!tpu.dma_semaphore, #tpu.memory_space<semaphore_mem>>)
      tpu.wait_dma2 semaphore(%run_scoped3A_57 : memref<!tpu.dma_semaphore, #tpu.memory_space<semaphore_mem>>) src(%arg6 : memref<128xf32, #tpu.memory_space<hbm>>) dst(%arg13 : memref<128xf32, #tpu.memory_space<vmem>>)
      tpu.yield
    }) : () -> ()
    %get3A = arith.constant 0 : index
    %get3A_1 = tpu.vector_load %arg13[%get3A] {strides = array<i32>} : memref<128xf32, #tpu.memory_space<vmem>>, vector<16xf32>,
    %get3A_2 = vector.shape_cast %get3A_1 : vector<16xf32> to vector<16xf32>
    %get3A_3 = arith.constant 16 : index
    %get3A_4 = tpu.vector_load %arg13[%get3A_3] {strides = array<i32>} : memref<128xf32, #tpu.memory_space<vmem>>, vector<16xf32>,
    %get3A_5 = vector.shape_cast %get3A_4 : vector<16xf32> to vector<16xf32>
    %get3A_6 = arith.constant 32 : index
    %get3A_7 = tpu.vector_load %arg13[%get3A_6] {strides = array<i32>} : memref<128xf32, #tpu.memory_space<vmem>>, vector<16xf32>,
    %get3A_8 = vector.shape_cast %get3A_7 : vector<16xf32> to vector<16xf32>
    %get3A_9 = arith.constant 48 : index
    %get3A_10 = tpu.vector_load %arg13[%get3A_9] {strides = array<i32>} : memref<128xf32, #tpu.memory_space<vmem>>, vector<16xf32>,
    %get3A_11 = vector.shape_cast %get3A_10 : vector<16xf32> to vector<16xf32>
    %get3A_12 = arith.constant 64 : index
    %get3A_13 = tpu.vector_load %arg13[%get3A_12] {strides = array<i32>} : memref<128xf32, #tpu.memory_space<vmem>>, vector<16xf32>,
    %get3A_14 = vector.shape_cast %get3A_13 : vector<16xf32> to vector<16xf32>
    %get3A_15 = arith.constant 80 : index
    %get3A_16 = tpu.vector_load %arg13[%get3A_15] {strides = array<i32>} : memref<128xf32, #tpu.memory_space<vmem>>, vector<16xf32>,
    %get3A_17 = vector.shape_cast %get3A_16 : vector<16xf32> to vector<16xf32>
    %get3A_18 = arith.constant 96 : index
    %get3A_19 = tpu.vector_load %arg13[%get3A_18] {strides = array<i32>} : memref<128xf32, #tpu.memory_space<vmem>>, vector<16xf32>,
    %get3A_20 = vector.shape_cast %get3A_19 : vector<16xf32> to vector<16xf32>
    %get3A_21 = arith.constant 112 : index
    %get3A_22 = tpu.vector_load %arg13[%get3A_21] {strides = array<i32>} : memref<128xf32, #tpu.memory_space<vmem>>, vector<16xf32>,
    %get3A_23 = vector.shape_cast %get3A_22 : vector<16xf32> to vector<16xf32>
    %mul3A_24 = arith.constant 6400 : i32
    %mul3A_25 = arith.muli %add3A, %mul3A_24 : i32
    %add3A_26 = arith.constant 0 : i32
    %add3A_27 = arith.addi %mul3A_25, %add3A_26 : i32
    %run_scoped3A = arith.constant 0 : i32
    "tpu.region"() ({
      %run_scoped3A_57 = tpu.sem_alloc : memref<!tpu.dma_semaphore, #tpu.memory_space<semaphore_mem>>
      %dma_start3A_58 = arith.constant 0 : i32
      %dma_start3A_59 = tpu.memref_slice %arg8[%run_scoped3A, %dma_start3A_58] : memref<2x128xi32, #tpu.memory_space<vmem>> -> memref<1x128xi32, #tpu.memory_space<vmem>>
      %dma_start3A_60 = tpu.memref_squeeze %dma_start3A_59 : memref<1x128xi32, #tpu.memory_space<vmem>> -> memref<128xi32, #tpu.memory_space<vmem>>
      %dma_start3A_61 = tpu.memref_slice %arg4[%add3A_27] : memref<204800xi32, #tpu.memory_space<hbm>> -> memref<128xi32, #tpu.memory_space<hbm>>
      %dma_start3A_62 = arith.constant 0 : i32
      %dma_start3A_63 = tpu.memref_slice %arg8[%run_scoped3A, %dma_start3A_62] : memref<2x128xi32, #tpu.memory_space<vmem>> -> memref<1x128xi32, #tpu.memory_space<vmem>>
      %dma_start3A_64 = tpu.memref_squeeze %dma_start3A_63 : memref<1x128xi32, #tpu.memory_space<vmem>> -> memref<128xi32, #tpu.memory_space<vmem>>
      %dma_start3A_65 = tpu.memref_slice %arg4[%add3A_27] : memref<204800xi32, #tpu.memory_space<hbm>> -> memref<128xi32, #tpu.memory_space<hbm>>
      tpu.enqueue_dma source(%dma_start3A_65 : memref<128xi32, #tpu.memory_space<hbm>>) target(%dma_start3A_64 : memref<128xi32, #tpu.memory_space<vmem>>) target_semaphore(%run_scoped3A_57 : memref<!tpu.dma_semaphore, #tpu.memory_space<semaphore_mem>>)
      %dma_wait3A = arith.constant 0 : i32
      %dma_wait3A_66 = tpu.memref_slice %arg8[%run_scoped3A, %dma_wait3A] : memref<2x128xi32, #tpu.memory_space<vmem>> -> memref<1x128xi32, #tpu.memory_space<vmem>>
      %dma_wait3A_67 = tpu.memref_squeeze %dma_wait3A_66 : memref<1x128xi32, #tpu.memory_space<vmem>> -> memref<128xi32, #tpu.memory_space<vmem>>
      %dma_wait3A_68 = tpu.memref_slice %arg4[%add3A_27] : memref<204800xi32, #tpu.memory_space<hbm>> -> memref<128xi32, #tpu.memory_space<hbm>>
      %dma_wait3A_69 = arith.constant 0 : i32
      %dma_wait3A_70 = tpu.memref_slice %arg8[%run_scoped3A, %dma_wait3A_69] : memref<2x128xi32, #tpu.memory_space<vmem>> -> memref<1x128xi32, #tpu.memory_space<vmem>>
      %dma_wait3A_71 = tpu.memref_squeeze %dma_wait3A_70 : memref<1x128xi32, #tpu.memory_space<vmem>> -> memref<128xi32, #tpu.memory_space<vmem>>
      %dma_wait3A_72 = tpu.memref_slice %arg4[%add3A_27] : memref<204800xi32, #tpu.memory_space<hbm>> -> memref<128xi32, #tpu.memory_space<hbm>>
      tpu.wait_dma2 semaphore(%run_scoped3A_57 : memref<!tpu.dma_semaphore, #tpu.memory_space<semaphore_mem>>) src(%dma_wait3A_72 : memref<128xi32, #tpu.memory_space<hbm>>) dst(%dma_wait3A_71 : memref<128xi32, #tpu.memory_space<vmem>>)
      tpu.yield
    }) : () -> ()
    %run_scoped3A_28 = arith.constant 0 : i32
    "tpu.region"() ({
      %run_scoped3A_57 = tpu.sem_alloc : memref<!tpu.dma_semaphore, #tpu.memory_space<semaphore_mem>>
      %dma_start3A_58 = arith.constant 0 : i32
      %dma_start3A_59 = tpu.memref_slice %arg9[%run_scoped3A_28, %dma_start3A_58] : memref<2x128xi32, #tpu.memory_space<vmem>> -> memref<1x128xi32, #tpu.memory_space<vmem>>
      %dma_start3A_60 = tpu.memref_squeeze %dma_start3A_59 : memref<1x128xi32, #tpu.memory_space<vmem>> -> memref<128xi32, #tpu.memory_space<vmem>>
      %dma_start3A_61 = tpu.memref_slice %arg5[%add3A_27] : memref<204800xi32, #tpu.memory_space<hbm>> -> memref<128xi32, #tpu.memory_space<hbm>>
      %dma_start3A_62 = arith.constant 0 : i32
      %dma_start3A_63 = tpu.memref_slice %arg9[%run_scoped3A_28, %dma_start3A_62] : memref<2x128xi32, #tpu.memory_space<vmem>> -> memref<1x128xi32, #tpu.memory_space<vmem>>
      %dma_start3A_64 = tpu.memref_squeeze %dma_start3A_63 : memref<1x128xi32, #tpu.memory_space<vmem>> -> memref<128xi32, #tpu.memory_space<vmem>>
      %dma_start3A_65 = tpu.memref_slice %arg5[%add3A_27] : memref<204800xi32, #tpu.memory_space<hbm>> -> memref<128xi32, #tpu.memory_space<hbm>>
      tpu.enqueue_dma source(%dma_start3A_65 : memref<128xi32, #tpu.memory_space<hbm>>) target(%dma_start3A_64 : memref<128xi32, #tpu.memory_space<vmem>>) target_semaphore(%run_scoped3A_57 : memref<!tpu.dma_semaphore, #tpu.memory_space<semaphore_mem>>)
      %dma_wait3A = arith.constant 0 : i32
      %dma_wait3A_66 = tpu.memref_slice %arg9[%run_scoped3A_28, %dma_wait3A] : memref<2x128xi32, #tpu.memory_space<vmem>> -> memref<1x128xi32, #tpu.memory_space<vmem>>
      %dma_wait3A_67 = tpu.memref_squeeze %dma_wait3A_66 : memref<1x128xi32, #tpu.memory_space<vmem>> -> memref<128xi32, #tpu.memory_space<vmem>>
      %dma_wait3A_68 = tpu.memref_slice %arg5[%add3A_27] : memref<204800xi32, #tpu.memory_space<hbm>> -> memref<128xi32, #tpu.memory_space<hbm>>
      %dma_wait3A_69 = arith.constant 0 : i32
      %dma_wait3A_70 = tpu.memref_slice %arg9[%run_scoped3A_28, %dma_wait3A_69] : memref<2x128xi32, #tpu.memory_space<vmem>> -> memref<1x128xi32, #tpu.memory_space<vmem>>
      %dma_wait3A_71 = tpu.memref_squeeze %dma_wait3A_70 : memref<1x128xi32, #tpu.memory_space<vmem>> -> memref<128xi32, #tpu.memory_space<vmem>>
      %dma_wait3A_72 = tpu.memref_slice %arg5[%add3A_27] : memref<204800xi32, #tpu.memory_space<hbm>> -> memref<128xi32, #tpu.memory_space<hbm>>
      tpu.wait_dma2 semaphore(%run_scoped3A_57 : memref<!tpu.dma_semaphore, #tpu.memory_space<semaphore_mem>>) src(%dma_wait3A_72 : memref<128xi32, #tpu.memory_space<hbm>>) dst(%dma_wait3A_71 : memref<128xi32, #tpu.memory_space<vmem>>)
      tpu.yield
    }) : () -> ()
    %dma_start3A = arith.constant 0 : i32
    %dma_start3A_29 = arith.constant 0 : i32
    %dma_start3A_30 = arith.constant 0 : i32
    %dma_start3A_31 = arith.constant 0 : i32
    %dma_start3A_32 = tpu.memref_slice %arg10[%dma_start3A_29, %dma_start3A_30, %dma_start3A_31] : memref<2x128x128xf32, #tpu.memory_space<vmem>> -> memref<1x128x128xf32, #tpu.memory_space<vmem>>
    %dma_start3A_33 = tpu.memref_squeeze %dma_start3A_32 : memref<1x128x128xf32, #tpu.memory_space<vmem>> -> memref<128x128xf32, #tpu.memory_space<vmem>>
    %dma_start3A_34 = arith.constant 0 : i32
    %dma_start3A_35 = tpu.memref_slice %arg8[%dma_start3A, %dma_start3A_34] : memref<2x128xi32, #tpu.memory_space<vmem>> -> memref<1x128xi32, #tpu.memory_space<vmem>>
    %dma_start3A_36 = tpu.memref_squeeze %dma_start3A_35 : memref<1x128xi32, #tpu.memory_space<vmem>> -> memref<128xi32, #tpu.memory_space<vmem>>
    %dma_start3A_37 = arith.constant 0 : i32
    %dma_start3A_38 = arith.constant 0 : i32
    %dma_start3A_39 = tpu.memref_slice %arg2[%dma_start3A_37, %dma_start3A_38] : memref<10000x128xf32, #tpu.memory_space<hbm>> -> memref<10000x128xf32, #tpu.memory_space<hbm>>
    tpu.enqueue_indirect_dma source(%dma_start3A_39 : memref<10000x128xf32, #tpu.memory_space<hbm>>) target(%dma_start3A_33 : memref<128x128xf32, #tpu.memory_space<vmem>>) offsets(%dma_start3A_36 : memref<128xi32, #tpu.memory_space<vmem>>) semaphore(%arg14 : memref<!tpu.dma_semaphore, #tpu.memory_space<semaphore_mem>>)
    %dma_start3A_40 = arith.constant 0 : i32
    %dma_start3A_41 = arith.constant 0 : i32
    %dma_start3A_42 = arith.constant 0 : i32
    %dma_start3A_43 = arith.constant 0 : i32
    %dma_start3A_44 = tpu.memref_slice %arg11[%dma_start3A_41, %dma_start3A_42, %dma_start3A_43] : memref<2x128x128xf32, #tpu.memory_space<vmem>> -> memref<1x128x128xf32, #tpu.memory_space<vmem>>
    %dma_start3A_45 = tpu.memref_squeeze %dma_start3A_44 : memref<1x128x128xf32, #tpu.memory_space<vmem>> -> memref<128x128xf32, #tpu.memory_space<vmem>>
    %dma_start3A_46 = arith.constant 0 : i32
    %dma_start3A_47 = tpu.memref_slice %arg9[%dma_start3A_40, %dma_start3A_46] : memref<2x128xi32, #tpu.memory_space<vmem>> -> memref<1x128xi32, #tpu.memory_space<vmem>>
    %dma_start3A_48 = tpu.memref_squeeze %dma_start3A_47 : memref<1x128xi32, #tpu.memory_space<vmem>> -> memref<128xi32, #tpu.memory_space<vmem>>
    %dma_start3A_49 = arith.constant 0 : i32
    %dma_start3A_50 = arith.constant 0 : i32
    %dma_start3A_51 = tpu.memref_slice %arg3[%dma_start3A_49, %dma_start3A_50] : memref<10000x128xf32, #tpu.memory_space<hbm>> -> memref<10000x128xf32, #tpu.memory_space<hbm>>
    tpu.enqueue_indirect_dma source(%dma_start3A_51 : memref<10000x128xf32, #tpu.memory_space<hbm>>) target(%dma_start3A_45 : memref<128x128xf32, #tpu.memory_space<vmem>>) offsets(%dma_start3A_48 : memref<128xi32, #tpu.memory_space<vmem>>) semaphore(%arg14 : memref<!tpu.dma_semaphore, #tpu.memory_space<semaphore_mem>>)
    %scan3A = arith.constant 0 : i32
    %scan3A_52 = arith.constant 0 : i32
    %scan3A_53 = arith.constant 25 : i32
    %scan3A_54 = arith.addi %scan3A_52, %scan3A_53 : i32
    %scan3A_55 = arith.constant 1 : i32
    scf.for %scan3A_57 = %scan3A_52 to %scan3A_54 step %scan3A_55  : i32 {
      %mul3A_58 = arith.constant 2 : i32
      %mul3A_59 = arith.muli %mul3A_58, %scan3A_57 : i32
      %add3A_60 = arith.constant 1 : i32
      %add3A_61 = arith.addi %mul3A_59, %add3A_60 : i32
      %mul3A_62 = arith.constant 6400 : i32
      %mul3A_63 = arith.muli %add3A, %mul3A_62 : i32
      %mul3A_64 = arith.constant 128 : i32
      %mul3A_65 = arith.muli %add3A_61, %mul3A_64 : i32
      %add3A_66 = arith.addi %mul3A_63, %mul3A_65 : i32
      %run_scoped3A_67 = arith.constant 1 : i32
      "tpu.region"() ({
        %run_scoped3A_178 = tpu.sem_alloc : memref<!tpu.dma_semaphore, #tpu.memory_space<semaphore_mem>>
        %dma_start3A_179 = arith.constant 0 : i32
        %dma_start3A_180 = tpu.memref_slice %arg8[%run_scoped3A_67, %dma_start3A_179] : memref<2x128xi32, #tpu.memory_space<vmem>> -> memref<1x128xi32, #tpu.memory_space<vmem>>
        %dma_start3A_181 = tpu.memref_squeeze %dma_start3A_180 : memref<1x128xi32, #tpu.memory_space<vmem>> -> memref<128xi32, #tpu.memory_space<vmem>>
        %dma_start3A_182 = tpu.memref_slice %arg4[%add3A_66] : memref<204800xi32, #tpu.memory_space<hbm>> -> memref<128xi32, #tpu.memory_space<hbm>>
        %dma_start3A_183 = arith.constant 0 : i32
        %dma_start3A_184 = tpu.memref_slice %arg8[%run_scoped3A_67, %dma_start3A_183] : memref<2x128xi32, #tpu.memory_space<vmem>> -> memref<1x128xi32, #tpu.memory_space<vmem>>
        %dma_start3A_185 = tpu.memref_squeeze %dma_start3A_184 : memref<1x128xi32, #tpu.memory_space<vmem>> -> memref<128xi32, #tpu.memory_space<vmem>>
        %dma_start3A_186 = tpu.memref_slice %arg4[%add3A_66] : memref<204800xi32, #tpu.memory_space<hbm>> -> memref<128xi32, #tpu.memory_space<hbm>>
        tpu.enqueue_dma source(%dma_start3A_186 : memref<128xi32, #tpu.memory_space<hbm>>) target(%dma_start3A_185 : memref<128xi32, #tpu.memory_space<vmem>>) target_semaphore(%run_scoped3A_178 : memref<!tpu.dma_semaphore, #tpu.memory_space<semaphore_mem>>)
        %dma_wait3A_187 = arith.constant 0 : i32
        %dma_wait3A_188 = tpu.memref_slice %arg8[%run_scoped3A_67, %dma_wait3A_187] : memref<2x128xi32, #tpu.memory_space<vmem>> -> memref<1x128xi32, #tpu.memory_space<vmem>>
        %dma_wait3A_189 = tpu.memref_squeeze %dma_wait3A_188 : memref<1x128xi32, #tpu.memory_space<vmem>> -> memref<128xi32, #tpu.memory_space<vmem>>
        %dma_wait3A_190 = tpu.memref_slice %arg4[%add3A_66] : memref<204800xi32, #tpu.memory_space<hbm>> -> memref<128xi32, #tpu.memory_space<hbm>>
        %dma_wait3A_191 = arith.constant 0 : i32
        %dma_wait3A_192 = tpu.memref_slice %arg8[%run_scoped3A_67, %dma_wait3A_191] : memref<2x128xi32, #tpu.memory_space<vmem>> -> memref<1x128xi32, #tpu.memory_space<vmem>>
        %dma_wait3A_193 = tpu.memref_squeeze %dma_wait3A_192 : memref<1x128xi32, #tpu.memory_space<vmem>> -> memref<128xi32, #tpu.memory_space<vmem>>
        %dma_wait3A_194 = tpu.memref_slice %arg4[%add3A_66] : memref<204800xi32, #tpu.memory_space<hbm>> -> memref<128xi32, #tpu.memory_space<hbm>>
        tpu.wait_dma2 semaphore(%run_scoped3A_178 : memref<!tpu.dma_semaphore, #tpu.memory_space<semaphore_mem>>) src(%dma_wait3A_194 : memref<128xi32, #tpu.memory_space<hbm>>) dst(%dma_wait3A_193 : memref<128xi32, #tpu.memory_space<vmem>>)
        tpu.yield
      }) : () -> ()
      %run_scoped3A_68 = arith.constant 1 : i32
      "tpu.region"() ({
        %run_scoped3A_178 = tpu.sem_alloc : memref<!tpu.dma_semaphore, #tpu.memory_space<semaphore_mem>>
        %dma_start3A_179 = arith.constant 0 : i32
        %dma_start3A_180 = tpu.memref_slice %arg9[%run_scoped3A_68, %dma_start3A_179] : memref<2x128xi32, #tpu.memory_space<vmem>> -> memref<1x128xi32, #tpu.memory_space<vmem>>
        %dma_start3A_181 = tpu.memref_squeeze %dma_start3A_180 : memref<1x128xi32, #tpu.memory_space<vmem>> -> memref<128xi32, #tpu.memory_space<vmem>>
        %dma_start3A_182 = tpu.memref_slice %arg5[%add3A_66] : memref<204800xi32, #tpu.memory_space<hbm>> -> memref<128xi32, #tpu.memory_space<hbm>>
        %dma_start3A_183 = arith.constant 0 : i32
        %dma_start3A_184 = tpu.memref_slice %arg9[%run_scoped3A_68, %dma_start3A_183] : memref<2x128xi32, #tpu.memory_space<vmem>> -> memref<1x128xi32, #tpu.memory_space<vmem>>
        %dma_start3A_185 = tpu.memref_squeeze %dma_start3A_184 : memref<1x128xi32, #tpu.memory_space<vmem>> -> memref<128xi32, #tpu.memory_space<vmem>>
        %dma_start3A_186 = tpu.memref_slice %arg5[%add3A_66] : memref<204800xi32, #tpu.memory_space<hbm>> -> memref<128xi32, #tpu.memory_space<hbm>>
        tpu.enqueue_dma source(%dma_start3A_186 : memref<128xi32, #tpu.memory_space<hbm>>) target(%dma_start3A_185 : memref<128xi32, #tpu.memory_space<vmem>>) target_semaphore(%run_scoped3A_178 : memref<!tpu.dma_semaphore, #tpu.memory_space<semaphore_mem>>)
        %dma_wait3A_187 = arith.constant 0 : i32
        %dma_wait3A_188 = tpu.memref_slice %arg9[%run_scoped3A_68, %dma_wait3A_187] : memref<2x128xi32, #tpu.memory_space<vmem>> -> memref<1x128xi32, #tpu.memory_space<vmem>>
        %dma_wait3A_189 = tpu.memref_squeeze %dma_wait3A_188 : memref<1x128xi32, #tpu.memory_space<vmem>> -> memref<128xi32, #tpu.memory_space<vmem>>
        %dma_wait3A_190 = tpu.memref_slice %arg5[%add3A_66] : memref<204800xi32, #tpu.memory_space<hbm>> -> memref<128xi32, #tpu.memory_space<hbm>>
        %dma_wait3A_191 = arith.constant 0 : i32
        %dma_wait3A_192 = tpu.memref_slice %arg9[%run_scoped3A_68, %dma_wait3A_191] : memref<2x128xi32, #tpu.memory_space<vmem>> -> memref<1x128xi32, #tpu.memory_space<vmem>>
        %dma_wait3A_193 = tpu.memref_squeeze %dma_wait3A_192 : memref<1x128xi32, #tpu.memory_space<vmem>> -> memref<128xi32, #tpu.memory_space<vmem>>
        %dma_wait3A_194 = tpu.memref_slice %arg5[%add3A_66] : memref<204800xi32, #tpu.memory_space<hbm>> -> memref<128xi32, #tpu.memory_space<hbm>>
        tpu.wait_dma2 semaphore(%run_scoped3A_178 : memref<!tpu.dma_semaphore, #tpu.memory_space<semaphore_mem>>) src(%dma_wait3A_194 : memref<128xi32, #tpu.memory_space<hbm>>) dst(%dma_wait3A_193 : memref<128xi32, #tpu.memory_space<vmem>>)
        tpu.yield
      }) : () -> ()
      %dma_start3A_69 = arith.constant 1 : i32
      %dma_start3A_70 = arith.constant 1 : i32
      %dma_start3A_71 = arith.constant 0 : i32
      %dma_start3A_72 = arith.constant 0 : i32
      %dma_start3A_73 = tpu.memref_slice %arg10[%dma_start3A_70, %dma_start3A_71, %dma_start3A_72] : memref<2x128x128xf32, #tpu.memory_space<vmem>> -> memref<1x128x128xf32, #tpu.memory_space<vmem>>
      %dma_start3A_74 = tpu.memref_squeeze %dma_start3A_73 : memref<1x128x128xf32, #tpu.memory_space<vmem>> -> memref<128x128xf32, #tpu.memory_space<vmem>>
      %dma_start3A_75 = arith.constant 0 : i32
      %dma_start3A_76 = tpu.memref_slice %arg8[%dma_start3A_69, %dma_start3A_75] : memref<2x128xi32, #tpu.memory_space<vmem>> -> memref<1x128xi32, #tpu.memory_space<vmem>>
      %dma_start3A_77 = tpu.memref_squeeze %dma_start3A_76 : memref<1x128xi32, #tpu.memory_space<vmem>> -> memref<128xi32, #tpu.memory_space<vmem>>
      %dma_start3A_78 = arith.constant 0 : i32
      %dma_start3A_79 = arith.constant 0 : i32
      %dma_start3A_80 = tpu.memref_slice %arg2[%dma_start3A_78, %dma_start3A_79] : memref<10000x128xf32, #tpu.memory_space<hbm>> -> memref<10000x128xf32, #tpu.memory_space<hbm>>
      tpu.enqueue_indirect_dma source(%dma_start3A_80 : memref<10000x128xf32, #tpu.memory_space<hbm>>) target(%dma_start3A_74 : memref<128x128xf32, #tpu.memory_space<vmem>>) offsets(%dma_start3A_77 : memref<128xi32, #tpu.memory_space<vmem>>) semaphore(%arg15 : memref<!tpu.dma_semaphore, #tpu.memory_space<semaphore_mem>>)
      %dma_start3A_81 = arith.constant 1 : i32
      %dma_start3A_82 = arith.constant 1 : i32
      %dma_start3A_83 = arith.constant 0 : i32
      %dma_start3A_84 = arith.constant 0 : i32
      %dma_start3A_85 = tpu.memref_slice %arg11[%dma_start3A_82, %dma_start3A_83, %dma_start3A_84] : memref<2x128x128xf32, #tpu.memory_space<vmem>> -> memref<1x128x128xf32, #tpu.memory_space<vmem>>
      %dma_start3A_86 = tpu.memref_squeeze %dma_start3A_85 : memref<1x128x128xf32, #tpu.memory_space<vmem>> -> memref<128x128xf32, #tpu.memory_space<vmem>>
      %dma_start3A_87 = arith.constant 0 : i32
      %dma_start3A_88 = tpu.memref_slice %arg9[%dma_start3A_81, %dma_start3A_87] : memref<2x128xi32, #tpu.memory_space<vmem>> -> memref<1x128xi32, #tpu.memory_space<vmem>>
      %dma_start3A_89 = tpu.memref_squeeze %dma_start3A_88 : memref<1x128xi32, #tpu.memory_space<vmem>> -> memref<128xi32, #tpu.memory_space<vmem>>
      %dma_start3A_90 = arith.constant 0 : i32
      %dma_start3A_91 = arith.constant 0 : i32
      %dma_start3A_92 = tpu.memref_slice %arg3[%dma_start3A_90, %dma_start3A_91] : memref<10000x128xf32, #tpu.memory_space<hbm>> -> memref<10000x128xf32, #tpu.memory_space<hbm>>
      tpu.enqueue_indirect_dma source(%dma_start3A_92 : memref<10000x128xf32, #tpu.memory_space<hbm>>) target(%dma_start3A_86 : memref<128x128xf32, #tpu.memory_space<vmem>>) offsets(%dma_start3A_89 : memref<128xi32, #tpu.memory_space<vmem>>) semaphore(%arg15 : memref<!tpu.dma_semaphore, #tpu.memory_space<semaphore_mem>>)
      %dma_wait3A = arith.constant 0 : i32
      %dma_wait3A_93 = arith.constant 0 : i32
      %dma_wait3A_94 = arith.constant 0 : i32
      %dma_wait3A_95 = tpu.memref_slice %arg10[%dma_wait3A, %dma_wait3A_93, %dma_wait3A_94] : memref<2x128x128xf32, #tpu.memory_space<vmem>> -> memref<1x128x128xf32, #tpu.memory_space<vmem>>
      %dma_wait3A_96 = tpu.memref_squeeze %dma_wait3A_95 : memref<1x128x128xf32, #tpu.memory_space<vmem>> -> memref<128x128xf32, #tpu.memory_space<vmem>>
      %dma_wait3A_97 = arith.constant 0 : i32
      %dma_wait3A_98 = arith.constant 0 : i32
      %dma_wait3A_99 = tpu.memref_slice %arg2[%dma_wait3A_97, %dma_wait3A_98] : memref<10000x128xf32, #tpu.memory_space<hbm>> -> memref<128x128xf32, #tpu.memory_space<hbm>>
      %dma_wait3A_100 = arith.constant 0 : i32
      %dma_wait3A_101 = arith.constant 0 : i32
      %dma_wait3A_102 = tpu.memref_slice %arg10[%dma_wait3A, %dma_wait3A_100, %dma_wait3A_101] : memref<2x128x128xf32, #tpu.memory_space<vmem>> -> memref<1x128x128xf32, #tpu.memory_space<vmem>>
      %dma_wait3A_103 = tpu.memref_squeeze %dma_wait3A_102 : memref<1x128x128xf32, #tpu.memory_space<vmem>> -> memref<128x128xf32, #tpu.memory_space<vmem>>
      %dma_wait3A_104 = arith.constant 0 : i32
      %dma_wait3A_105 = arith.constant 0 : i32
      %dma_wait3A_106 = tpu.memref_slice %arg2[%dma_wait3A_104, %dma_wait3A_105] : memref<10000x128xf32, #tpu.memory_space<hbm>> -> memref<128x128xf32, #tpu.memory_space<hbm>>
      tpu.wait_dma2 semaphore(%arg14 : memref<!tpu.dma_semaphore, #tpu.memory_space<semaphore_mem>>) src(%dma_wait3A_106 : memref<128x128xf32, #tpu.memory_space<hbm>>) dst(%dma_wait3A_103 : memref<128x128xf32, #tpu.memory_space<vmem>>)
      %dma_wait3A_107 = arith.constant 0 : i32
      %dma_wait3A_108 = arith.constant 0 : i32
      %dma_wait3A_109 = arith.constant 0 : i32
      %dma_wait3A_110 = tpu.memref_slice %arg11[%dma_wait3A_107, %dma_wait3A_108, %dma_wait3A_109] : memref<2x128x128xf32, #tpu.memory_space<vmem>> -> memref<1x128x128xf32, #tpu.memory_space<vmem>>
      %dma_wait3A_111 = tpu.memref_squeeze %dma_wait3A_110 : memref<1x128x128xf32, #tpu.memory_space<vmem>> -> memref<128x128xf32, #tpu.memory_space<vmem>>
      %dma_wait3A_112 = arith.constant 0 : i32
      %dma_wait3A_113 = arith.constant 0 : i32
      %dma_wait3A_114 = tpu.memref_slice %arg3[%dma_wait3A_112, %dma_wait3A_113] : memref<10000x128xf32, #tpu.memory_space<hbm>> -> memref<128x128xf32, #tpu.memory_space<hbm>>
      %dma_wait3A_115 = arith.constant 0 : i32
      %dma_wait3A_116 = arith.constant 0 : i32
      %dma_wait3A_117 = tpu.memref_slice %arg11[%dma_wait3A_107, %dma_wait3A_115, %dma_wait3A_116] : memref<2x128x128xf32, #tpu.memory_space<vmem>> -> memref<1x128x128xf32, #tpu.memory_space<vmem>>
      %dma_wait3A_118 = tpu.memref_squeeze %dma_wait3A_117 : memref<1x128x128xf32, #tpu.memory_space<vmem>> -> memref<128x128xf32, #tpu.memory_space<vmem>>
      %dma_wait3A_119 = arith.constant 0 : i32
      %dma_wait3A_120 = arith.constant 0 : i32
      %dma_wait3A_121 = tpu.memref_slice %arg3[%dma_wait3A_119, %dma_wait3A_120] : memref<10000x128xf32, #tpu.memory_space<hbm>> -> memref<128x128xf32, #tpu.memory_space<hbm>>
      tpu.wait_dma2 semaphore(%arg14 : memref<!tpu.dma_semaphore, #tpu.memory_space<semaphore_mem>>) src(%dma_wait3A_121 : memref<128x128xf32, #tpu.memory_space<hbm>>) dst(%dma_wait3A_118 : memref<128x128xf32, #tpu.memory_space<vmem>>)
      %scan3A_122 = arith.constant 0 : i32
      %scan3A_123 = arith.constant 0 : i32
      %scan3A_124 = arith.constant 128 : i32
      %scan3A_125 = arith.addi %scan3A_123, %scan3A_124 : i32
      %scan3A_126 = arith.constant 1 : i32
      scf.for %scan3A_178 = %scan3A_123 to %scan3A_125 step %scan3A_126  : i32 {
        %broadcast_in_dim3A = arith.constant 0.000000e+00 : f32
        %broadcast_in_dim3A_179 = vector.broadcast %broadcast_in_dim3A : f32 to vector<16xf32>
        %get3A_180 = arith.constant 0 : i32
        %get3A_181 = arith.index_cast %get3A_180 : i32 to index
        %get3A_182 = arith.index_cast %scan3A_178 : i32 to index
        %get3A_183 = arith.constant 0 : index
        %get3A_184 = tpu.vector_load %arg10[%get3A_181, %get3A_182, %get3A_183] {strides = array<i32>} : memref<2x128x128xf32, #tpu.memory_space<vmem>>, vector<1x1x16xf32>,
        %get3A_185 = vector.shape_cast %get3A_184 : vector<1x1x16xf32> to vector<16xf32>
        %get3A_186 = arith.constant 0 : i32
        %get3A_187 = arith.index_cast %get3A_186 : i32 to index
        %get3A_188 = arith.index_cast %scan3A_178 : i32 to index
        %get3A_189 = arith.constant 0 : index
        %get3A_190 = tpu.vector_load %arg11[%get3A_187, %get3A_188, %get3A_189] {strides = array<i32>} : memref<2x128x128xf32, #tpu.memory_space<vmem>>, vector<1x1x16xf32>,
        %get3A_191 = vector.shape_cast %get3A_190 : vector<1x1x16xf32> to vector<16xf32>
        %add3A_192 = arith.addf %get3A_185, %get3A_191 : vector<16xf32>
        %max3A = arith.constant 0.000000e+00 : f32
        %max3A_193 = vector.broadcast %max3A : f32 to vector<16xf32>
        %max3A_194 = arith.maximumf %add3A_192, %max3A_193 : vector<16xf32>
        %mul3A_195 = arith.mulf %max3A_194, %get3A_2 : vector<16xf32>
        %add3A_196 = arith.addf %broadcast_in_dim3A_179, %mul3A_195 : vector<16xf32>
        %get3A_197 = arith.constant 0 : i32
        %get3A_198 = arith.index_cast %get3A_197 : i32 to index
        %get3A_199 = arith.index_cast %scan3A_178 : i32 to index
        %get3A_200 = arith.constant 16 : index
        %get3A_201 = tpu.vector_load %arg10[%get3A_198, %get3A_199, %get3A_200] {strides = array<i32>} : memref<2x128x128xf32, #tpu.memory_space<vmem>>, vector<1x1x16xf32>,
        %get3A_202 = vector.shape_cast %get3A_201 : vector<1x1x16xf32> to vector<16xf32>
        %get3A_203 = arith.constant 0 : i32
        %get3A_204 = arith.index_cast %get3A_203 : i32 to index
        %get3A_205 = arith.index_cast %scan3A_178 : i32 to index
        %get3A_206 = arith.constant 16 : index
        %get3A_207 = tpu.vector_load %arg11[%get3A_204, %get3A_205, %get3A_206] {strides = array<i32>} : memref<2x128x128xf32, #tpu.memory_space<vmem>>, vector<1x1x16xf32>,
        %get3A_208 = vector.shape_cast %get3A_207 : vector<1x1x16xf32> to vector<16xf32>
        %add3A_209 = arith.addf %get3A_202, %get3A_208 : vector<16xf32>
        %max3A_210 = arith.constant 0.000000e+00 : f32
        %max3A_211 = vector.broadcast %max3A_210 : f32 to vector<16xf32>
        %max3A_212 = arith.maximumf %add3A_209, %max3A_211 : vector<16xf32>
        %mul3A_213 = arith.mulf %max3A_212, %get3A_5 : vector<16xf32>
        %add3A_214 = arith.addf %add3A_196, %mul3A_213 : vector<16xf32>
        %get3A_215 = arith.constant 0 : i32
        %get3A_216 = arith.index_cast %get3A_215 : i32 to index
        %get3A_217 = arith.index_cast %scan3A_178 : i32 to index
        %get3A_218 = arith.constant 32 : index
        %get3A_219 = tpu.vector_load %arg10[%get3A_216, %get3A_217, %get3A_218] {strides = array<i32>} : memref<2x128x128xf32, #tpu.memory_space<vmem>>, vector<1x1x16xf32>,
        %get3A_220 = vector.shape_cast %get3A_219 : vector<1x1x16xf32> to vector<16xf32>
        %get3A_221 = arith.constant 0 : i32
        %get3A_222 = arith.index_cast %get3A_221 : i32 to index
        %get3A_223 = arith.index_cast %scan3A_178 : i32 to index
        %get3A_224 = arith.constant 32 : index
        %get3A_225 = tpu.vector_load %arg11[%get3A_222, %get3A_223, %get3A_224] {strides = array<i32>} : memref<2x128x128xf32, #tpu.memory_space<vmem>>, vector<1x1x16xf32>,
        %get3A_226 = vector.shape_cast %get3A_225 : vector<1x1x16xf32> to vector<16xf32>
        %add3A_227 = arith.addf %get3A_220, %get3A_226 : vector<16xf32>
        %max3A_228 = arith.constant 0.000000e+00 : f32
        %max3A_229 = vector.broadcast %max3A_228 : f32 to vector<16xf32>
        %max3A_230 = arith.maximumf %add3A_227, %max3A_229 : vector<16xf32>
        %mul3A_231 = arith.mulf %max3A_230, %get3A_8 : vector<16xf32>
        %add3A_232 = arith.addf %add3A_214, %mul3A_231 : vector<16xf32>
        %get3A_233 = arith.constant 0 : i32
        %get3A_234 = arith.index_cast %get3A_233 : i32 to index
        %get3A_235 = arith.index_cast %scan3A_178 : i32 to index
        %get3A_236 = arith.constant 48 : index
        %get3A_237 = tpu.vector_load %arg10[%get3A_234, %get3A_235, %get3A_236] {strides = array<i32>} : memref<2x128x128xf32, #tpu.memory_space<vmem>>, vector<1x1x16xf32>,
        %get3A_238 = vector.shape_cast %get3A_237 : vector<1x1x16xf32> to vector<16xf32>
        %get3A_239 = arith.constant 0 : i32
        %get3A_240 = arith.index_cast %get3A_239 : i32 to index
        %get3A_241 = arith.index_cast %scan3A_178 : i32 to index
        %get3A_242 = arith.constant 48 : index
        %get3A_243 = tpu.vector_load %arg11[%get3A_240, %get3A_241, %get3A_242] {strides = array<i32>} : memref<2x128x128xf32, #tpu.memory_space<vmem>>, vector<1x1x16xf32>,
        %get3A_244 = vector.shape_cast %get3A_243 : vector<1x1x16xf32> to vector<16xf32>
        %add3A_245 = arith.addf %get3A_238, %get3A_244 : vector<16xf32>
        %max3A_246 = arith.constant 0.000000e+00 : f32
        %max3A_247 = vector.broadcast %max3A_246 : f32 to vector<16xf32>
        %max3A_248 = arith.maximumf %add3A_245, %max3A_247 : vector<16xf32>
        %mul3A_249 = arith.mulf %max3A_248, %get3A_11 : vector<16xf32>
        %add3A_250 = arith.addf %add3A_232, %mul3A_249 : vector<16xf32>
        %get3A_251 = arith.constant 0 : i32
        %get3A_252 = arith.index_cast %get3A_251 : i32 to index
        %get3A_253 = arith.index_cast %scan3A_178 : i32 to index
        %get3A_254 = arith.constant 64 : index
        %get3A_255 = tpu.vector_load %arg10[%get3A_252, %get3A_253, %get3A_254] {strides = array<i32>} : memref<2x128x128xf32, #tpu.memory_space<vmem>>, vector<1x1x16xf32>,
        %get3A_256 = vector.shape_cast %get3A_255 : vector<1x1x16xf32> to vector<16xf32>
        %get3A_257 = arith.constant 0 : i32
        %get3A_258 = arith.index_cast %get3A_257 : i32 to index
        %get3A_259 = arith.index_cast %scan3A_178 : i32 to index
        %get3A_260 = arith.constant 64 : index
        %get3A_261 = tpu.vector_load %arg11[%get3A_258, %get3A_259, %get3A_260] {strides = array<i32>} : memref<2x128x128xf32, #tpu.memory_space<vmem>>, vector<1x1x16xf32>,
        %get3A_262 = vector.shape_cast %get3A_261 : vector<1x1x16xf32> to vector<16xf32>
        %add3A_263 = arith.addf %get3A_256, %get3A_262 : vector<16xf32>
        %max3A_264 = arith.constant 0.000000e+00 : f32
        %max3A_265 = vector.broadcast %max3A_264 : f32 to vector<16xf32>
        %max3A_266 = arith.maximumf %add3A_263, %max3A_265 : vector<16xf32>
        %mul3A_267 = arith.mulf %max3A_266, %get3A_14 : vector<16xf32>
        %add3A_268 = arith.addf %add3A_250, %mul3A_267 : vector<16xf32>
        %get3A_269 = arith.constant 0 : i32
        %get3A_270 = arith.index_cast %get3A_269 : i32 to index
        %get3A_271 = arith.index_cast %scan3A_178 : i32 to index
        %get3A_272 = arith.constant 80 : index
        %get3A_273 = tpu.vector_load %arg10[%get3A_270, %get3A_271, %get3A_272] {strides = array<i32>} : memref<2x128x128xf32, #tpu.memory_space<vmem>>, vector<1x1x16xf32>,
        %get3A_274 = vector.shape_cast %get3A_273 : vector<1x1x16xf32> to vector<16xf32>
        %get3A_275 = arith.constant 0 : i32
        %get3A_276 = arith.index_cast %get3A_275 : i32 to index
        %get3A_277 = arith.index_cast %scan3A_178 : i32 to index
        %get3A_278 = arith.constant 80 : index
        %get3A_279 = tpu.vector_load %arg11[%get3A_276, %get3A_277, %get3A_278] {strides = array<i32>} : memref<2x128x128xf32, #tpu.memory_space<vmem>>, vector<1x1x16xf32>,
        %get3A_280 = vector.shape_cast %get3A_279 : vector<1x1x16xf32> to vector<16xf32>
        %add3A_281 = arith.addf %get3A_274, %get3A_280 : vector<16xf32>
        %max3A_282 = arith.constant 0.000000e+00 : f32
        %max3A_283 = vector.broadcast %max3A_282 : f32 to vector<16xf32>
        %max3A_284 = arith.maximumf %add3A_281, %max3A_283 : vector<16xf32>
        %mul3A_285 = arith.mulf %max3A_284, %get3A_17 : vector<16xf32>
        %add3A_286 = arith.addf %add3A_268, %mul3A_285 : vector<16xf32>
        %get3A_287 = arith.constant 0 : i32
        %get3A_288 = arith.index_cast %get3A_287 : i32 to index
        %get3A_289 = arith.index_cast %scan3A_178 : i32 to index
        %get3A_290 = arith.constant 96 : index
        %get3A_291 = tpu.vector_load %arg10[%get3A_288, %get3A_289, %get3A_290] {strides = array<i32>} : memref<2x128x128xf32, #tpu.memory_space<vmem>>, vector<1x1x16xf32>,
        %get3A_292 = vector.shape_cast %get3A_291 : vector<1x1x16xf32> to vector<16xf32>
        %get3A_293 = arith.constant 0 : i32
        %get3A_294 = arith.index_cast %get3A_293 : i32 to index
        %get3A_295 = arith.index_cast %scan3A_178 : i32 to index
        %get3A_296 = arith.constant 96 : index
        %get3A_297 = tpu.vector_load %arg11[%get3A_294, %get3A_295, %get3A_296] {strides = array<i32>} : memref<2x128x128xf32, #tpu.memory_space<vmem>>, vector<1x1x16xf32>,
        %get3A_298 = vector.shape_cast %get3A_297 : vector<1x1x16xf32> to vector<16xf32>
        %add3A_299 = arith.addf %get3A_292, %get3A_298 : vector<16xf32>
        %max3A_300 = arith.constant 0.000000e+00 : f32
        %max3A_301 = vector.broadcast %max3A_300 : f32 to vector<16xf32>
        %max3A_302 = arith.maximumf %add3A_299, %max3A_301 : vector<16xf32>
        %mul3A_303 = arith.mulf %max3A_302, %get3A_20 : vector<16xf32>
        %add3A_304 = arith.addf %add3A_286, %mul3A_303 : vector<16xf32>
        %get3A_305 = arith.constant 0 : i32
        %get3A_306 = arith.index_cast %get3A_305 : i32 to index
        %get3A_307 = arith.index_cast %scan3A_178 : i32 to index
        %get3A_308 = arith.constant 112 : index
        %get3A_309 = tpu.vector_load %arg10[%get3A_306, %get3A_307, %get3A_308] {strides = array<i32>} : memref<2x128x128xf32, #tpu.memory_space<vmem>>, vector<1x1x16xf32>,
        %get3A_310 = vector.shape_cast %get3A_309 : vector<1x1x16xf32> to vector<16xf32>
        %get3A_311 = arith.constant 0 : i32
        %get3A_312 = arith.index_cast %get3A_311 : i32 to index
        %get3A_313 = arith.index_cast %scan3A_178 : i32 to index
        %get3A_314 = arith.constant 112 : index
        %get3A_315 = tpu.vector_load %arg11[%get3A_312, %get3A_313, %get3A_314] {strides = array<i32>} : memref<2x128x128xf32, #tpu.memory_space<vmem>>, vector<1x1x16xf32>,
        %get3A_316 = vector.shape_cast %get3A_315 : vector<1x1x16xf32> to vector<16xf32>
        %add3A_317 = arith.addf %get3A_310, %get3A_316 : vector<16xf32>
        %max3A_318 = arith.constant 0.000000e+00 : f32
        %max3A_319 = vector.broadcast %max3A_318 : f32 to vector<16xf32>
        %max3A_320 = arith.maximumf %add3A_317, %max3A_319 : vector<16xf32>
        %mul3A_321 = arith.mulf %max3A_320, %get3A_23 : vector<16xf32>
        %add3A_322 = arith.addf %add3A_304, %mul3A_321 : vector<16xf32>
        %swap3A = arith.index_cast %scan3A_178 : i32 to index
        %swap3A_323 = arith.constant 0 : index
        %swap3A_324 = tpu.vector_load %arg12[%swap3A, %swap3A_323] {strides = array<i32>} : memref<128x16xf32, #tpu.memory_space<vmem>>, vector<1x16xf32>,
        %swap3A_325 = vector.shape_cast %swap3A_324 : vector<1x16xf32> to vector<16xf32>
        %swap3A_326 = vector.shape_cast %add3A_322 : vector<16xf32> to vector<1x16xf32>
        tpu.vector_store %arg12[%swap3A, %swap3A_323], %swap3A_326 {strides = array<i32>} : memref<128x16xf32, #tpu.memory_space<vmem>>, vector<1x16xf32>,
      }
      %scan3A_127 = arith.constant 128 : i32
      %mul3A_128 = arith.constant 6400 : i32
      %mul3A_129 = arith.muli %add3A, %mul3A_128 : i32
      %mul3A_130 = arith.constant 128 : i32
      %mul3A_131 = arith.muli %mul3A_59, %mul3A_130 : i32
      %add3A_132 = arith.addi %mul3A_129, %mul3A_131 : i32
      "tpu.region"() ({
        %run_scoped3A_178 = tpu.sem_alloc : memref<!tpu.dma_semaphore, #tpu.memory_space<semaphore_mem>>
        %dma_start3A_179 = arith.constant 0 : i32
        %dma_start3A_180 = tpu.memref_slice %arg7[%add3A_132, %dma_start3A_179] : memref<204800x16xf32, #tpu.memory_space<hbm>> -> memref<128x16xf32, #tpu.memory_space<hbm>>
        %dma_start3A_181 = arith.constant 0 : i32
        %dma_start3A_182 = tpu.memref_slice %arg7[%add3A_132, %dma_start3A_181] : memref<204800x16xf32, #tpu.memory_space<hbm>> -> memref<128x16xf32, #tpu.memory_space<hbm>>
        tpu.enqueue_dma source(%arg12 : memref<128x16xf32, #tpu.memory_space<vmem>>) target(%dma_start3A_182 : memref<128x16xf32, #tpu.memory_space<hbm>>) target_semaphore(%run_scoped3A_178 : memref<!tpu.dma_semaphore, #tpu.memory_space<semaphore_mem>>)
        %dma_wait3A_183 = arith.constant 0 : i32
        %dma_wait3A_184 = tpu.memref_slice %arg7[%add3A_132, %dma_wait3A_183] : memref<204800x16xf32, #tpu.memory_space<hbm>> -> memref<128x16xf32, #tpu.memory_space<hbm>>
        %dma_wait3A_185 = arith.constant 0 : i32
        %dma_wait3A_186 = tpu.memref_slice %arg7[%add3A_132, %dma_wait3A_185] : memref<204800x16xf32, #tpu.memory_space<hbm>> -> memref<128x16xf32, #tpu.memory_space<hbm>>
        tpu.wait_dma2 semaphore(%run_scoped3A_178 : memref<!tpu.dma_semaphore, #tpu.memory_space<semaphore_mem>>) src(%arg12 : memref<128x16xf32, #tpu.memory_space<vmem>>) dst(%dma_wait3A_186 : memref<128x16xf32, #tpu.memory_space<hbm>>)
        tpu.yield
      }) : () -> ()
      %lt3A = arith.constant 24 : i32
      %lt3A_133 = arith.cmpi slt, %scan3A_57, %lt3A : i32
      %convert_element_type3A = arith.extui %lt3A_133 : i1 to i32
      %cond3A = arith.constant 0 : i32
      %cond3A_134 = arith.cmpi ne, %convert_element_type3A, %cond3A : i32
      scf.if %cond3A_134 {
        %add3A_178 = arith.constant 2 : i32
        %add3A_179 = arith.addi %mul3A_59, %add3A_178 : i32
        %mul3A_180 = arith.constant 6400 : i32
        %mul3A_181 = arith.muli %add3A, %mul3A_180 : i32
        %mul3A_182 = arith.constant 128 : i32
        %mul3A_183 = arith.muli %add3A_179, %mul3A_182 : i32
        %add3A_184 = arith.addi %mul3A_181, %mul3A_183 : i32
        %run_scoped3A_185 = arith.constant 0 : i32
        "tpu.region"() ({
          %run_scoped3A_211 = tpu.sem_alloc : memref<!tpu.dma_semaphore, #tpu.memory_space<semaphore_mem>>
          %dma_start3A_212 = arith.constant 0 : i32
          %dma_start3A_213 = tpu.memref_slice %arg8[%run_scoped3A_185, %dma_start3A_212] : memref<2x128xi32, #tpu.memory_space<vmem>> -> memref<1x128xi32, #tpu.memory_space<vmem>>
          %dma_start3A_214 = tpu.memref_squeeze %dma_start3A_213 : memref<1x128xi32, #tpu.memory_space<vmem>> -> memref<128xi32, #tpu.memory_space<vmem>>
          %dma_start3A_215 = tpu.memref_slice %arg4[%add3A_184] : memref<204800xi32, #tpu.memory_space<hbm>> -> memref<128xi32, #tpu.memory_space<hbm>>
          %dma_start3A_216 = arith.constant 0 : i32
          %dma_start3A_217 = tpu.memref_slice %arg8[%run_scoped3A_185, %dma_start3A_216] : memref<2x128xi32, #tpu.memory_space<vmem>> -> memref<1x128xi32, #tpu.memory_space<vmem>>
          %dma_start3A_218 = tpu.memref_squeeze %dma_start3A_217 : memref<1x128xi32, #tpu.memory_space<vmem>> -> memref<128xi32, #tpu.memory_space<vmem>>
          %dma_start3A_219 = tpu.memref_slice %arg4[%add3A_184] : memref<204800xi32, #tpu.memory_space<hbm>> -> memref<128xi32, #tpu.memory_space<hbm>>
          tpu.enqueue_dma source(%dma_start3A_219 : memref<128xi32, #tpu.memory_space<hbm>>) target(%dma_start3A_218 : memref<128xi32, #tpu.memory_space<vmem>>) target_semaphore(%run_scoped3A_211 : memref<!tpu.dma_semaphore, #tpu.memory_space<semaphore_mem>>)
          %dma_wait3A_220 = arith.constant 0 : i32
          %dma_wait3A_221 = tpu.memref_slice %arg8[%run_scoped3A_185, %dma_wait3A_220] : memref<2x128xi32, #tpu.memory_space<vmem>> -> memref<1x128xi32, #tpu.memory_space<vmem>>
          %dma_wait3A_222 = tpu.memref_squeeze %dma_wait3A_221 : memref<1x128xi32, #tpu.memory_space<vmem>> -> memref<128xi32, #tpu.memory_space<vmem>>
          %dma_wait3A_223 = tpu.memref_slice %arg4[%add3A_184] : memref<204800xi32, #tpu.memory_space<hbm>> -> memref<128xi32, #tpu.memory_space<hbm>>
          %dma_wait3A_224 = arith.constant 0 : i32
          %dma_wait3A_225 = tpu.memref_slice %arg8[%run_scoped3A_185, %dma_wait3A_224] : memref<2x128xi32, #tpu.memory_space<vmem>> -> memref<1x128xi32, #tpu.memory_space<vmem>>
          %dma_wait3A_226 = tpu.memref_squeeze %dma_wait3A_225 : memref<1x128xi32, #tpu.memory_space<vmem>> -> memref<128xi32, #tpu.memory_space<vmem>>
          %dma_wait3A_227 = tpu.memref_slice %arg4[%add3A_184] : memref<204800xi32, #tpu.memory_space<hbm>> -> memref<128xi32, #tpu.memory_space<hbm>>
          tpu.wait_dma2 semaphore(%run_scoped3A_211 : memref<!tpu.dma_semaphore, #tpu.memory_space<semaphore_mem>>) src(%dma_wait3A_227 : memref<128xi32, #tpu.memory_space<hbm>>) dst(%dma_wait3A_226 : memref<128xi32, #tpu.memory_space<vmem>>)
          tpu.yield
        }) : () -> ()
        %run_scoped3A_186 = arith.constant 0 : i32
        "tpu.region"() ({
          %run_scoped3A_211 = tpu.sem_alloc : memref<!tpu.dma_semaphore, #tpu.memory_space<semaphore_mem>>
          %dma_start3A_212 = arith.constant 0 : i32
          %dma_start3A_213 = tpu.memref_slice %arg9[%run_scoped3A_186, %dma_start3A_212] : memref<2x128xi32, #tpu.memory_space<vmem>> -> memref<1x128xi32, #tpu.memory_space<vmem>>
          %dma_start3A_214 = tpu.memref_squeeze %dma_start3A_213 : memref<1x128xi32, #tpu.memory_space<vmem>> -> memref<128xi32, #tpu.memory_space<vmem>>
          %dma_start3A_215 = tpu.memref_slice %arg5[%add3A_184] : memref<204800xi32, #tpu.memory_space<hbm>> -> memref<128xi32, #tpu.memory_space<hbm>>
          %dma_start3A_216 = arith.constant 0 : i32
          %dma_start3A_217 = tpu.memref_slice %arg9[%run_scoped3A_186, %dma_start3A_216] : memref<2x128xi32, #tpu.memory_space<vmem>> -> memref<1x128xi32, #tpu.memory_space<vmem>>
          %dma_start3A_218 = tpu.memref_squeeze %dma_start3A_217 : memref<1x128xi32, #tpu.memory_space<vmem>> -> memref<128xi32, #tpu.memory_space<vmem>>
          %dma_start3A_219 = tpu.memref_slice %arg5[%add3A_184] : memref<204800xi32, #tpu.memory_space<hbm>> -> memref<128xi32, #tpu.memory_space<hbm>>
          tpu.enqueue_dma source(%dma_start3A_219 : memref<128xi32, #tpu.memory_space<hbm>>) target(%dma_start3A_218 : memref<128xi32, #tpu.memory_space<vmem>>) target_semaphore(%run_scoped3A_211 : memref<!tpu.dma_semaphore, #tpu.memory_space<semaphore_mem>>)
          %dma_wait3A_220 = arith.constant 0 : i32
          %dma_wait3A_221 = tpu.memref_slice %arg9[%run_scoped3A_186, %dma_wait3A_220] : memref<2x128xi32, #tpu.memory_space<vmem>> -> memref<1x128xi32, #tpu.memory_space<vmem>>
          %dma_wait3A_222 = tpu.memref_squeeze %dma_wait3A_221 : memref<1x128xi32, #tpu.memory_space<vmem>> -> memref<128xi32, #tpu.memory_space<vmem>>
          %dma_wait3A_223 = tpu.memref_slice %arg5[%add3A_184] : memref<204800xi32, #tpu.memory_space<hbm>> -> memref<128xi32, #tpu.memory_space<hbm>>
          %dma_wait3A_224 = arith.constant 0 : i32
          %dma_wait3A_225 = tpu.memref_slice %arg9[%run_scoped3A_186, %dma_wait3A_224] : memref<2x128xi32, #tpu.memory_space<vmem>> -> memref<1x128xi32, #tpu.memory_space<vmem>>
          %dma_wait3A_226 = tpu.memref_squeeze %dma_wait3A_225 : memref<1x128xi32, #tpu.memory_space<vmem>> -> memref<128xi32, #tpu.memory_space<vmem>>
          %dma_wait3A_227 = tpu.memref_slice %arg5[%add3A_184] : memref<204800xi32, #tpu.memory_space<hbm>> -> memref<128xi32, #tpu.memory_space<hbm>>
          tpu.wait_dma2 semaphore(%run_scoped3A_211 : memref<!tpu.dma_semaphore, #tpu.memory_space<semaphore_mem>>) src(%dma_wait3A_227 : memref<128xi32, #tpu.memory_space<hbm>>) dst(%dma_wait3A_226 : memref<128xi32, #tpu.memory_space<vmem>>)
          tpu.yield
        }) : () -> ()
        %dma_start3A_187 = arith.constant 0 : i32
        %dma_start3A_188 = arith.constant 0 : i32
        %dma_start3A_189 = arith.constant 0 : i32
        %dma_start3A_190 = arith.constant 0 : i32
        %dma_start3A_191 = tpu.memref_slice %arg10[%dma_start3A_188, %dma_start3A_189, %dma_start3A_190] : memref<2x128x128xf32, #tpu.memory_space<vmem>> -> memref<1x128x128xf32, #tpu.memory_space<vmem>>
        %dma_start3A_192 = tpu.memref_squeeze %dma_start3A_191 : memref<1x128x128xf32, #tpu.memory_space<vmem>> -> memref<128x128xf32, #tpu.memory_space<vmem>>
        %dma_start3A_193 = arith.constant 0 : i32
        %dma_start3A_194 = tpu.memref_slice %arg8[%dma_start3A_187, %dma_start3A_193] : memref<2x128xi32, #tpu.memory_space<vmem>> -> memref<1x128xi32, #tpu.memory_space<vmem>>
        %dma_start3A_195 = tpu.memref_squeeze %dma_start3A_194 : memref<1x128xi32, #tpu.memory_space<vmem>> -> memref<128xi32, #tpu.memory_space<vmem>>
        %dma_start3A_196 = arith.constant 0 : i32
        %dma_start3A_197 = arith.constant 0 : i32
        %dma_start3A_198 = tpu.memref_slice %arg2[%dma_start3A_196, %dma_start3A_197] : memref<10000x128xf32, #tpu.memory_space<hbm>> -> memref<10000x128xf32, #tpu.memory_space<hbm>>
        tpu.enqueue_indirect_dma source(%dma_start3A_198 : memref<10000x128xf32, #tpu.memory_space<hbm>>) target(%dma_start3A_192 : memref<128x128xf32, #tpu.memory_space<vmem>>) offsets(%dma_start3A_195 : memref<128xi32, #tpu.memory_space<vmem>>) semaphore(%arg14 : memref<!tpu.dma_semaphore, #tpu.memory_space<semaphore_mem>>)
        %dma_start3A_199 = arith.constant 0 : i32
        %dma_start3A_200 = arith.constant 0 : i32
        %dma_start3A_201 = arith.constant 0 : i32
        %dma_start3A_202 = arith.constant 0 : i32
        %dma_start3A_203 = tpu.memref_slice %arg11[%dma_start3A_200, %dma_start3A_201, %dma_start3A_202] : memref<2x128x128xf32, #tpu.memory_space<vmem>> -> memref<1x128x128xf32, #tpu.memory_space<vmem>>
        %dma_start3A_204 = tpu.memref_squeeze %dma_start3A_203 : memref<1x128x128xf32, #tpu.memory_space<vmem>> -> memref<128x128xf32, #tpu.memory_space<vmem>>
        %dma_start3A_205 = arith.constant 0 : i32
        %dma_start3A_206 = tpu.memref_slice %arg9[%dma_start3A_199, %dma_start3A_205] : memref<2x128xi32, #tpu.memory_space<vmem>> -> memref<1x128xi32, #tpu.memory_space<vmem>>
        %dma_start3A_207 = tpu.memref_squeeze %dma_start3A_206 : memref<1x128xi32, #tpu.memory_space<vmem>> -> memref<128xi32, #tpu.memory_space<vmem>>
        %dma_start3A_208 = arith.constant 0 : i32
        %dma_start3A_209 = arith.constant 0 : i32
        %dma_start3A_210 = tpu.memref_slice %arg3[%dma_start3A_208, %dma_start3A_209] : memref<10000x128xf32, #tpu.memory_space<hbm>> -> memref<10000x128xf32, #tpu.memory_space<hbm>>
        tpu.enqueue_indirect_dma source(%dma_start3A_210 : memref<10000x128xf32, #tpu.memory_space<hbm>>) target(%dma_start3A_204 : memref<128x128xf32, #tpu.memory_space<vmem>>) offsets(%dma_start3A_207 : memref<128xi32, #tpu.memory_space<vmem>>) semaphore(%arg14 : memref<!tpu.dma_semaphore, #tpu.memory_space<semaphore_mem>>)
      } else {
      }
      %dma_wait3A_135 = arith.constant 1 : i32
      %dma_wait3A_136 = arith.constant 0 : i32
      %dma_wait3A_137 = arith.constant 0 : i32
      %dma_wait3A_138 = tpu.memref_slice %arg10[%dma_wait3A_135, %dma_wait3A_136, %dma_wait3A_137] : memref<2x128x128xf32, #tpu.memory_space<vmem>> -> memref<1x128x128xf32, #tpu.memory_space<vmem>>
      %dma_wait3A_139 = tpu.memref_squeeze %dma_wait3A_138 : memref<1x128x128xf32, #tpu.memory_space<vmem>> -> memref<128x128xf32, #tpu.memory_space<vmem>>
      %dma_wait3A_140 = arith.constant 0 : i32
      %dma_wait3A_141 = arith.constant 0 : i32
      %dma_wait3A_142 = tpu.memref_slice %arg2[%dma_wait3A_140, %dma_wait3A_141] : memref<10000x128xf32, #tpu.memory_space<hbm>> -> memref<128x128xf32, #tpu.memory_space<hbm>>
      %dma_wait3A_143 = arith.constant 0 : i32
      %dma_wait3A_144 = arith.constant 0 : i32
      %dma_wait3A_145 = tpu.memref_slice %arg10[%dma_wait3A_135, %dma_wait3A_143, %dma_wait3A_144] : memref<2x128x128xf32, #tpu.memory_space<vmem>> -> memref<1x128x128xf32, #tpu.memory_space<vmem>>
      %dma_wait3A_146 = tpu.memref_squeeze %dma_wait3A_145 : memref<1x128x128xf32, #tpu.memory_space<vmem>> -> memref<128x128xf32, #tpu.memory_space<vmem>>
      %dma_wait3A_147 = arith.constant 0 : i32
      %dma_wait3A_148 = arith.constant 0 : i32
      %dma_wait3A_149 = tpu.memref_slice %arg2[%dma_wait3A_147, %dma_wait3A_148] : memref<10000x128xf32, #tpu.memory_space<hbm>> -> memref<128x128xf32, #tpu.memory_space<hbm>>
      tpu.wait_dma2 semaphore(%arg15 : memref<!tpu.dma_semaphore, #tpu.memory_space<semaphore_mem>>) src(%dma_wait3A_149 : memref<128x128xf32, #tpu.memory_space<hbm>>) dst(%dma_wait3A_146 : memref<128x128xf32, #tpu.memory_space<vmem>>)
      %dma_wait3A_150 = arith.constant 1 : i32
      %dma_wait3A_151 = arith.constant 0 : i32
      %dma_wait3A_152 = arith.constant 0 : i32
      %dma_wait3A_153 = tpu.memref_slice %arg11[%dma_wait3A_150, %dma_wait3A_151, %dma_wait3A_152] : memref<2x128x128xf32, #tpu.memory_space<vmem>> -> memref<1x128x128xf32, #tpu.memory_space<vmem>>
      %dma_wait3A_154 = tpu.memref_squeeze %dma_wait3A_153 : memref<1x128x128xf32, #tpu.memory_space<vmem>> -> memref<128x128xf32, #tpu.memory_space<vmem>>
      %dma_wait3A_155 = arith.constant 0 : i32
      %dma_wait3A_156 = arith.constant 0 : i32
      %dma_wait3A_157 = tpu.memref_slice %arg3[%dma_wait3A_155, %dma_wait3A_156] : memref<10000x128xf32, #tpu.memory_space<hbm>> -> memref<128x128xf32, #tpu.memory_space<hbm>>
      %dma_wait3A_158 = arith.constant 0 : i32
      %dma_wait3A_159 = arith.constant 0 : i32
      %dma_wait3A_160 = tpu.memref_slice %arg11[%dma_wait3A_150, %dma_wait3A_158, %dma_wait3A_159] : memref<2x128x128xf32, #tpu.memory_space<vmem>> -> memref<1x128x128xf32, #tpu.memory_space<vmem>>
      %dma_wait3A_161 = tpu.memref_squeeze %dma_wait3A_160 : memref<1x128x128xf32, #tpu.memory_space<vmem>> -> memref<128x128xf32, #tpu.memory_space<vmem>>
      %dma_wait3A_162 = arith.constant 0 : i32
      %dma_wait3A_163 = arith.constant 0 : i32
      %dma_wait3A_164 = tpu.memref_slice %arg3[%dma_wait3A_162, %dma_wait3A_163] : memref<10000x128xf32, #tpu.memory_space<hbm>> -> memref<128x128xf32, #tpu.memory_space<hbm>>
      tpu.wait_dma2 semaphore(%arg15 : memref<!tpu.dma_semaphore, #tpu.memory_space<semaphore_mem>>) src(%dma_wait3A_164 : memref<128x128xf32, #tpu.memory_space<hbm>>) dst(%dma_wait3A_161 : memref<128x128xf32, #tpu.memory_space<vmem>>)
      %add3A_165 = arith.constant 1 : i32
      %add3A_166 = arith.addi %mul3A_59, %add3A_165 : i32
      %scan3A_167 = arith.constant 0 : i32
      %scan3A_168 = arith.constant 0 : i32
      %scan3A_169 = arith.constant 128 : i32
      %scan3A_170 = arith.addi %scan3A_168, %scan3A_169 : i32
      %scan3A_171 = arith.constant 1 : i32
      scf.for %scan3A_178 = %scan3A_168 to %scan3A_170 step %scan3A_171  : i32 {
        %broadcast_in_dim3A = arith.constant 0.000000e+00 : f32
        %broadcast_in_dim3A_179 = vector.broadcast %broadcast_in_dim3A : f32 to vector<16xf32>
        %get3A_180 = arith.constant 1 : i32
        %get3A_181 = arith.index_cast %get3A_180 : i32 to index
        %get3A_182 = arith.index_cast %scan3A_178 : i32 to index
        %get3A_183 = arith.constant 0 : index
        %get3A_184 = tpu.vector_load %arg10[%get3A_181, %get3A_182, %get3A_183] {strides = array<i32>} : memref<2x128x128xf32, #tpu.memory_space<vmem>>, vector<1x1x16xf32>,
        %get3A_185 = vector.shape_cast %get3A_184 : vector<1x1x16xf32> to vector<16xf32>
        %get3A_186 = arith.constant 1 : i32
        %get3A_187 = arith.index_cast %get3A_186 : i32 to index
        %get3A_188 = arith.index_cast %scan3A_178 : i32 to index
        %get3A_189 = arith.constant 0 : index
        %get3A_190 = tpu.vector_load %arg11[%get3A_187, %get3A_188, %get3A_189] {strides = array<i32>} : memref<2x128x128xf32, #tpu.memory_space<vmem>>, vector<1x1x16xf32>,
        %get3A_191 = vector.shape_cast %get3A_190 : vector<1x1x16xf32> to vector<16xf32>
        %add3A_192 = arith.addf %get3A_185, %get3A_191 : vector<16xf32>
        %max3A = arith.constant 0.000000e+00 : f32
        %max3A_193 = vector.broadcast %max3A : f32 to vector<16xf32>
        %max3A_194 = arith.maximumf %add3A_192, %max3A_193 : vector<16xf32>
        %mul3A_195 = arith.mulf %max3A_194, %get3A_2 : vector<16xf32>
        %add3A_196 = arith.addf %broadcast_in_dim3A_179, %mul3A_195 : vector<16xf32>
        %get3A_197 = arith.constant 1 : i32
        %get3A_198 = arith.index_cast %get3A_197 : i32 to index
        %get3A_199 = arith.index_cast %scan3A_178 : i32 to index
        %get3A_200 = arith.constant 16 : index
        %get3A_201 = tpu.vector_load %arg10[%get3A_198, %get3A_199, %get3A_200] {strides = array<i32>} : memref<2x128x128xf32, #tpu.memory_space<vmem>>, vector<1x1x16xf32>,
        %get3A_202 = vector.shape_cast %get3A_201 : vector<1x1x16xf32> to vector<16xf32>
        %get3A_203 = arith.constant 1 : i32
        %get3A_204 = arith.index_cast %get3A_203 : i32 to index
        %get3A_205 = arith.index_cast %scan3A_178 : i32 to index
        %get3A_206 = arith.constant 16 : index
        %get3A_207 = tpu.vector_load %arg11[%get3A_204, %get3A_205, %get3A_206] {strides = array<i32>} : memref<2x128x128xf32, #tpu.memory_space<vmem>>, vector<1x1x16xf32>,
        %get3A_208 = vector.shape_cast %get3A_207 : vector<1x1x16xf32> to vector<16xf32>
        %add3A_209 = arith.addf %get3A_202, %get3A_208 : vector<16xf32>
        %max3A_210 = arith.constant 0.000000e+00 : f32
        %max3A_211 = vector.broadcast %max3A_210 : f32 to vector<16xf32>
        %max3A_212 = arith.maximumf %add3A_209, %max3A_211 : vector<16xf32>
        %mul3A_213 = arith.mulf %max3A_212, %get3A_5 : vector<16xf32>
        %add3A_214 = arith.addf %add3A_196, %mul3A_213 : vector<16xf32>
        %get3A_215 = arith.constant 1 : i32
        %get3A_216 = arith.index_cast %get3A_215 : i32 to index
        %get3A_217 = arith.index_cast %scan3A_178 : i32 to index
        %get3A_218 = arith.constant 32 : index
        %get3A_219 = tpu.vector_load %arg10[%get3A_216, %get3A_217, %get3A_218] {strides = array<i32>} : memref<2x128x128xf32, #tpu.memory_space<vmem>>, vector<1x1x16xf32>,
        %get3A_220 = vector.shape_cast %get3A_219 : vector<1x1x16xf32> to vector<16xf32>
        %get3A_221 = arith.constant 1 : i32
        %get3A_222 = arith.index_cast %get3A_221 : i32 to index
        %get3A_223 = arith.index_cast %scan3A_178 : i32 to index
        %get3A_224 = arith.constant 32 : index
        %get3A_225 = tpu.vector_load %arg11[%get3A_222, %get3A_223, %get3A_224] {strides = array<i32>} : memref<2x128x128xf32, #tpu.memory_space<vmem>>, vector<1x1x16xf32>,
        %get3A_226 = vector.shape_cast %get3A_225 : vector<1x1x16xf32> to vector<16xf32>
        %add3A_227 = arith.addf %get3A_220, %get3A_226 : vector<16xf32>
        %max3A_228 = arith.constant 0.000000e+00 : f32
        %max3A_229 = vector.broadcast %max3A_228 : f32 to vector<16xf32>
        %max3A_230 = arith.maximumf %add3A_227, %max3A_229 : vector<16xf32>
        %mul3A_231 = arith.mulf %max3A_230, %get3A_8 : vector<16xf32>
        %add3A_232 = arith.addf %add3A_214, %mul3A_231 : vector<16xf32>
        %get3A_233 = arith.constant 1 : i32
        %get3A_234 = arith.index_cast %get3A_233 : i32 to index
        %get3A_235 = arith.index_cast %scan3A_178 : i32 to index
        %get3A_236 = arith.constant 48 : index
        %get3A_237 = tpu.vector_load %arg10[%get3A_234, %get3A_235, %get3A_236] {strides = array<i32>} : memref<2x128x128xf32, #tpu.memory_space<vmem>>, vector<1x1x16xf32>,
        %get3A_238 = vector.shape_cast %get3A_237 : vector<1x1x16xf32> to vector<16xf32>
        %get3A_239 = arith.constant 1 : i32
        %get3A_240 = arith.index_cast %get3A_239 : i32 to index
        %get3A_241 = arith.index_cast %scan3A_178 : i32 to index
        %get3A_242 = arith.constant 48 : index
        %get3A_243 = tpu.vector_load %arg11[%get3A_240, %get3A_241, %get3A_242] {strides = array<i32>} : memref<2x128x128xf32, #tpu.memory_space<vmem>>, vector<1x1x16xf32>,
        %get3A_244 = vector.shape_cast %get3A_243 : vector<1x1x16xf32> to vector<16xf32>
        %add3A_245 = arith.addf %get3A_238, %get3A_244 : vector<16xf32>
        %max3A_246 = arith.constant 0.000000e+00 : f32
        %max3A_247 = vector.broadcast %max3A_246 : f32 to vector<16xf32>
        %max3A_248 = arith.maximumf %add3A_245, %max3A_247 : vector<16xf32>
        %mul3A_249 = arith.mulf %max3A_248, %get3A_11 : vector<16xf32>
        %add3A_250 = arith.addf %add3A_232, %mul3A_249 : vector<16xf32>
        %get3A_251 = arith.constant 1 : i32
        %get3A_252 = arith.index_cast %get3A_251 : i32 to index
        %get3A_253 = arith.index_cast %scan3A_178 : i32 to index
        %get3A_254 = arith.constant 64 : index
        %get3A_255 = tpu.vector_load %arg10[%get3A_252, %get3A_253, %get3A_254] {strides = array<i32>} : memref<2x128x128xf32, #tpu.memory_space<vmem>>, vector<1x1x16xf32>,
        %get3A_256 = vector.shape_cast %get3A_255 : vector<1x1x16xf32> to vector<16xf32>
        %get3A_257 = arith.constant 1 : i32
        %get3A_258 = arith.index_cast %get3A_257 : i32 to index
        %get3A_259 = arith.index_cast %scan3A_178 : i32 to index
        %get3A_260 = arith.constant 64 : index
        %get3A_261 = tpu.vector_load %arg11[%get3A_258, %get3A_259, %get3A_260] {strides = array<i32>} : memref<2x128x128xf32, #tpu.memory_space<vmem>>, vector<1x1x16xf32>,
        %get3A_262 = vector.shape_cast %get3A_261 : vector<1x1x16xf32> to vector<16xf32>
        %add3A_263 = arith.addf %get3A_256, %get3A_262 : vector<16xf32>
        %max3A_264 = arith.constant 0.000000e+00 : f32
        %max3A_265 = vector.broadcast %max3A_264 : f32 to vector<16xf32>
        %max3A_266 = arith.maximumf %add3A_263, %max3A_265 : vector<16xf32>
        %mul3A_267 = arith.mulf %max3A_266, %get3A_14 : vector<16xf32>
        %add3A_268 = arith.addf %add3A_250, %mul3A_267 : vector<16xf32>
        %get3A_269 = arith.constant 1 : i32
        %get3A_270 = arith.index_cast %get3A_269 : i32 to index
        %get3A_271 = arith.index_cast %scan3A_178 : i32 to index
        %get3A_272 = arith.constant 80 : index
        %get3A_273 = tpu.vector_load %arg10[%get3A_270, %get3A_271, %get3A_272] {strides = array<i32>} : memref<2x128x128xf32, #tpu.memory_space<vmem>>, vector<1x1x16xf32>,
        %get3A_274 = vector.shape_cast %get3A_273 : vector<1x1x16xf32> to vector<16xf32>
        %get3A_275 = arith.constant 1 : i32
        %get3A_276 = arith.index_cast %get3A_275 : i32 to index
        %get3A_277 = arith.index_cast %scan3A_178 : i32 to index
        %get3A_278 = arith.constant 80 : index
        %get3A_279 = tpu.vector_load %arg11[%get3A_276, %get3A_277, %get3A_278] {strides = array<i32>} : memref<2x128x128xf32, #tpu.memory_space<vmem>>, vector<1x1x16xf32>,
        %get3A_280 = vector.shape_cast %get3A_279 : vector<1x1x16xf32> to vector<16xf32>
        %add3A_281 = arith.addf %get3A_274, %get3A_280 : vector<16xf32>
        %max3A_282 = arith.constant 0.000000e+00 : f32
        %max3A_283 = vector.broadcast %max3A_282 : f32 to vector<16xf32>
        %max3A_284 = arith.maximumf %add3A_281, %max3A_283 : vector<16xf32>
        %mul3A_285 = arith.mulf %max3A_284, %get3A_17 : vector<16xf32>
        %add3A_286 = arith.addf %add3A_268, %mul3A_285 : vector<16xf32>
        %get3A_287 = arith.constant 1 : i32
        %get3A_288 = arith.index_cast %get3A_287 : i32 to index
        %get3A_289 = arith.index_cast %scan3A_178 : i32 to index
        %get3A_290 = arith.constant 96 : index
        %get3A_291 = tpu.vector_load %arg10[%get3A_288, %get3A_289, %get3A_290] {strides = array<i32>} : memref<2x128x128xf32, #tpu.memory_space<vmem>>, vector<1x1x16xf32>,
        %get3A_292 = vector.shape_cast %get3A_291 : vector<1x1x16xf32> to vector<16xf32>
        %get3A_293 = arith.constant 1 : i32
        %get3A_294 = arith.index_cast %get3A_293 : i32 to index
        %get3A_295 = arith.index_cast %scan3A_178 : i32 to index
        %get3A_296 = arith.constant 96 : index
        %get3A_297 = tpu.vector_load %arg11[%get3A_294, %get3A_295, %get3A_296] {strides = array<i32>} : memref<2x128x128xf32, #tpu.memory_space<vmem>>, vector<1x1x16xf32>,
        %get3A_298 = vector.shape_cast %get3A_297 : vector<1x1x16xf32> to vector<16xf32>
        %add3A_299 = arith.addf %get3A_292, %get3A_298 : vector<16xf32>
        %max3A_300 = arith.constant 0.000000e+00 : f32
        %max3A_301 = vector.broadcast %max3A_300 : f32 to vector<16xf32>
        %max3A_302 = arith.maximumf %add3A_299, %max3A_301 : vector<16xf32>
        %mul3A_303 = arith.mulf %max3A_302, %get3A_20 : vector<16xf32>
        %add3A_304 = arith.addf %add3A_286, %mul3A_303 : vector<16xf32>
        %get3A_305 = arith.constant 1 : i32
        %get3A_306 = arith.index_cast %get3A_305 : i32 to index
        %get3A_307 = arith.index_cast %scan3A_178 : i32 to index
        %get3A_308 = arith.constant 112 : index
        %get3A_309 = tpu.vector_load %arg10[%get3A_306, %get3A_307, %get3A_308] {strides = array<i32>} : memref<2x128x128xf32, #tpu.memory_space<vmem>>, vector<1x1x16xf32>,
        %get3A_310 = vector.shape_cast %get3A_309 : vector<1x1x16xf32> to vector<16xf32>
        %get3A_311 = arith.constant 1 : i32
        %get3A_312 = arith.index_cast %get3A_311 : i32 to index
        %get3A_313 = arith.index_cast %scan3A_178 : i32 to index
        %get3A_314 = arith.constant 112 : index
        %get3A_315 = tpu.vector_load %arg11[%get3A_312, %get3A_313, %get3A_314] {strides = array<i32>} : memref<2x128x128xf32, #tpu.memory_space<vmem>>, vector<1x1x16xf32>,
        %get3A_316 = vector.shape_cast %get3A_315 : vector<1x1x16xf32> to vector<16xf32>
        %add3A_317 = arith.addf %get3A_310, %get3A_316 : vector<16xf32>
        %max3A_318 = arith.constant 0.000000e+00 : f32
        %max3A_319 = vector.broadcast %max3A_318 : f32 to vector<16xf32>
        %max3A_320 = arith.maximumf %add3A_317, %max3A_319 : vector<16xf32>
        %mul3A_321 = arith.mulf %max3A_320, %get3A_23 : vector<16xf32>
        %add3A_322 = arith.addf %add3A_304, %mul3A_321 : vector<16xf32>
        %swap3A = arith.index_cast %scan3A_178 : i32 to index
        %swap3A_323 = arith.constant 0 : index
        %swap3A_324 = tpu.vector_load %arg12[%swap3A, %swap3A_323] {strides = array<i32>} : memref<128x16xf32, #tpu.memory_space<vmem>>, vector<1x16xf32>,
        %swap3A_325 = vector.shape_cast %swap3A_324 : vector<1x16xf32> to vector<16xf32>
        %swap3A_326 = vector.shape_cast %add3A_322 : vector<16xf32> to vector<1x16xf32>
        tpu.vector_store %arg12[%swap3A, %swap3A_323], %swap3A_326 {strides = array<i32>} : memref<128x16xf32, #tpu.memory_space<vmem>>, vector<1x16xf32>,
      }
      %scan3A_172 = arith.constant 128 : i32
      %mul3A_173 = arith.constant 6400 : i32
      %mul3A_174 = arith.muli %add3A, %mul3A_173 : i32
      %mul3A_175 = arith.constant 128 : i32
      %mul3A_176 = arith.muli %add3A_166, %mul3A_175 : i32
      %add3A_177 = arith.addi %mul3A_174, %mul3A_176 : i32
      "tpu.region"() ({
        %run_scoped3A_178 = tpu.sem_alloc : memref<!tpu.dma_semaphore, #tpu.memory_space<semaphore_mem>>
        %dma_start3A_179 = arith.constant 0 : i32
        %dma_start3A_180 = tpu.memref_slice %arg7[%add3A_177, %dma_start3A_179] : memref<204800x16xf32, #tpu.memory_space<hbm>> -> memref<128x16xf32, #tpu.memory_space<hbm>>
        %dma_start3A_181 = arith.constant 0 : i32
        %dma_start3A_182 = tpu.memref_slice %arg7[%add3A_177, %dma_start3A_181] : memref<204800x16xf32, #tpu.memory_space<hbm>> -> memref<128x16xf32, #tpu.memory_space<hbm>>
        tpu.enqueue_dma source(%arg12 : memref<128x16xf32, #tpu.memory_space<vmem>>) target(%dma_start3A_182 : memref<128x16xf32, #tpu.memory_space<hbm>>) target_semaphore(%run_scoped3A_178 : memref<!tpu.dma_semaphore, #tpu.memory_space<semaphore_mem>>)
        %dma_wait3A_183 = arith.constant 0 : i32
        %dma_wait3A_184 = tpu.memref_slice %arg7[%add3A_177, %dma_wait3A_183] : memref<204800x16xf32, #tpu.memory_space<hbm>> -> memref<128x16xf32, #tpu.memory_space<hbm>>
        %dma_wait3A_185 = arith.constant 0 : i32
        %dma_wait3A_186 = tpu.memref_slice %arg7[%add3A_177, %dma_wait3A_185] : memref<204800x16xf32, #tpu.memory_space<hbm>> -> memref<128x16xf32, #tpu.memory_space<hbm>>
        tpu.wait_dma2 semaphore(%run_scoped3A_178 : memref<!tpu.dma_semaphore, #tpu.memory_space<semaphore_mem>>) src(%arg12 : memref<128x16xf32, #tpu.memory_space<vmem>>) dst(%dma_wait3A_186 : memref<128x16xf32, #tpu.memory_space<hbm>>)
        tpu.yield
      }) : () -> ()
    }
    %scan3A_56 = arith.constant 25 : i32
    return
  }
}

#map = affine_map<(d0, d1) -> (0, 0)>
#map1 = affine_map<(d0, d1) -> (0)>
module attributes {stable_mosaic.version = 14 : i64} {
  func.func @_scatter_h(%arg0: i32, %arg1: i32, %arg2: memref<10000x128xf32, #tpu.memory_space<hbm>>, %arg3: memref<327680xi32, #tpu.memory_space<hbm>>, %arg4: memref<327680xi32, #tpu.memory_space<hbm>>, %arg5: memref<10112x128xf32, #tpu.memory_space<hbm>>, %arg6: memref<20224x128xf32, #tpu.memory_space<hbm>>, %arg7: memref<2x128xi32, #tpu.memory_space<vmem>>, %arg8: memref<2x128xi32, #tpu.memory_space<vmem>>, %arg9: memref<2x128x128xf32, #tpu.memory_space<vmem>>, %arg10: memref<10112x128xf32, #tpu.memory_space<vmem_shared>>, %arg11: memref<!tpu.dma_semaphore, #tpu.memory_space<semaphore_mem>>, %arg12: memref<!tpu.dma_semaphore, #tpu.memory_space<semaphore_mem>>) attributes {dimension_semantics = [#tpu.dimension_semantics<core_parallel>, #tpu.dimension_semantics<subcore_parallel>], iteration_bounds = array<i64: 2, 16>, scalar_prefetch = 0 : i64, scratch_operands = 6 : i64, tpu.core_type = #tpu.core_type<sc_vector_subcore>, window_params = [{transform_indices = #map}, {transform_indices = #map1}, {transform_indices = #map1}, {transform_indices = #map}, {transform_indices = #map}]} {
    %mul3A = arith.constant 2 : i32
    %mul3A_0 = arith.muli %arg1, %mul3A : i32
    %add3A = arith.addi %mul3A_0, %arg0 : i32
    %mul3A_1 = arith.constant 632 : i32
    %mul3A_2 = arith.muli %arg1, %mul3A_1 : i32
    "tpu.region"() ({
      %run_scoped3A_39 = tpu.sem_alloc : memref<!tpu.dma_semaphore, #tpu.memory_space<semaphore_mem>>
      %dma_start3A_40 = arith.constant 0 : i32
      %dma_start3A_41 = tpu.memref_slice %arg10[%mul3A_2, %dma_start3A_40] : memref<10112x128xf32, #tpu.memory_space<vmem_shared>> -> memref<632x128xf32, #tpu.memory_space<vmem_shared>>
      %dma_start3A_42 = arith.constant 0 : i32
      %dma_start3A_43 = tpu.memref_slice %arg5[%mul3A_2, %dma_start3A_42] : memref<10112x128xf32, #tpu.memory_space<hbm>> -> memref<632x128xf32, #tpu.memory_space<hbm>>
      tpu.enqueue_dma source(%dma_start3A_43 : memref<632x128xf32, #tpu.memory_space<hbm>>) target(%dma_start3A_41 : memref<632x128xf32, #tpu.memory_space<vmem_shared>>) target_semaphore(%run_scoped3A_39 : memref<!tpu.dma_semaphore, #tpu.memory_space<semaphore_mem>>)
      %dma_wait3A_44 = arith.constant 0 : i32
      %dma_wait3A_45 = tpu.memref_slice %arg10[%mul3A_2, %dma_wait3A_44] : memref<10112x128xf32, #tpu.memory_space<vmem_shared>> -> memref<632x128xf32, #tpu.memory_space<vmem_shared>>
      %dma_wait3A_46 = arith.constant 0 : i32
      %dma_wait3A_47 = tpu.memref_slice %arg5[%mul3A_2, %dma_wait3A_46] : memref<10112x128xf32, #tpu.memory_space<hbm>> -> memref<632x128xf32, #tpu.memory_space<hbm>>
      tpu.wait_dma2 semaphore(%run_scoped3A_39 : memref<!tpu.dma_semaphore, #tpu.memory_space<semaphore_mem>>) src(%dma_wait3A_47 : memref<632x128xf32, #tpu.memory_space<hbm>>) dst(%dma_wait3A_45 : memref<632x128xf32, #tpu.memory_space<vmem_shared>>)
      tpu.yield
    }) : () -> ()
    %barrier3A = arith.constant 0 : index
    tpu.barrier barrier_id(%barrier3A)
    %mul3A_3 = arith.constant 10240 : i32
    %mul3A_4 = arith.muli %add3A, %mul3A_3 : i32
    %add3A_5 = arith.constant 0 : i32
    %add3A_6 = arith.addi %mul3A_4, %add3A_5 : i32
    %run_scoped3A = arith.constant 0 : i32
    "tpu.region"() ({
      %run_scoped3A_39 = tpu.sem_alloc : memref<!tpu.dma_semaphore, #tpu.memory_space<semaphore_mem>>
      %dma_start3A_40 = arith.constant 0 : i32
      %dma_start3A_41 = tpu.memref_slice %arg7[%run_scoped3A, %dma_start3A_40] : memref<2x128xi32, #tpu.memory_space<vmem>> -> memref<1x128xi32, #tpu.memory_space<vmem>>
      %dma_start3A_42 = tpu.memref_squeeze %dma_start3A_41 : memref<1x128xi32, #tpu.memory_space<vmem>> -> memref<128xi32, #tpu.memory_space<vmem>>
      %dma_start3A_43 = tpu.memref_slice %arg3[%add3A_6] : memref<327680xi32, #tpu.memory_space<hbm>> -> memref<128xi32, #tpu.memory_space<hbm>>
      %dma_start3A_44 = arith.constant 0 : i32
      %dma_start3A_45 = tpu.memref_slice %arg7[%run_scoped3A, %dma_start3A_44] : memref<2x128xi32, #tpu.memory_space<vmem>> -> memref<1x128xi32, #tpu.memory_space<vmem>>
      %dma_start3A_46 = tpu.memref_squeeze %dma_start3A_45 : memref<1x128xi32, #tpu.memory_space<vmem>> -> memref<128xi32, #tpu.memory_space<vmem>>
      %dma_start3A_47 = tpu.memref_slice %arg3[%add3A_6] : memref<327680xi32, #tpu.memory_space<hbm>> -> memref<128xi32, #tpu.memory_space<hbm>>
      tpu.enqueue_dma source(%dma_start3A_47 : memref<128xi32, #tpu.memory_space<hbm>>) target(%dma_start3A_46 : memref<128xi32, #tpu.memory_space<vmem>>) target_semaphore(%run_scoped3A_39 : memref<!tpu.dma_semaphore, #tpu.memory_space<semaphore_mem>>)
      %dma_wait3A_48 = arith.constant 0 : i32
      %dma_wait3A_49 = tpu.memref_slice %arg7[%run_scoped3A, %dma_wait3A_48] : memref<2x128xi32, #tpu.memory_space<vmem>> -> memref<1x128xi32, #tpu.memory_space<vmem>>
      %dma_wait3A_50 = tpu.memref_squeeze %dma_wait3A_49 : memref<1x128xi32, #tpu.memory_space<vmem>> -> memref<128xi32, #tpu.memory_space<vmem>>
      %dma_wait3A_51 = tpu.memref_slice %arg3[%add3A_6] : memref<327680xi32, #tpu.memory_space<hbm>> -> memref<128xi32, #tpu.memory_space<hbm>>
      %dma_wait3A_52 = arith.constant 0 : i32
      %dma_wait3A_53 = tpu.memref_slice %arg7[%run_scoped3A, %dma_wait3A_52] : memref<2x128xi32, #tpu.memory_space<vmem>> -> memref<1x128xi32, #tpu.memory_space<vmem>>
      %dma_wait3A_54 = tpu.memref_squeeze %dma_wait3A_53 : memref<1x128xi32, #tpu.memory_space<vmem>> -> memref<128xi32, #tpu.memory_space<vmem>>
      %dma_wait3A_55 = tpu.memref_slice %arg3[%add3A_6] : memref<327680xi32, #tpu.memory_space<hbm>> -> memref<128xi32, #tpu.memory_space<hbm>>
      tpu.wait_dma2 semaphore(%run_scoped3A_39 : memref<!tpu.dma_semaphore, #tpu.memory_space<semaphore_mem>>) src(%dma_wait3A_55 : memref<128xi32, #tpu.memory_space<hbm>>) dst(%dma_wait3A_54 : memref<128xi32, #tpu.memory_space<vmem>>)
      tpu.yield
    }) : () -> ()
    %run_scoped3A_7 = arith.constant 0 : i32
    "tpu.region"() ({
      %run_scoped3A_39 = tpu.sem_alloc : memref<!tpu.dma_semaphore, #tpu.memory_space<semaphore_mem>>
      %dma_start3A_40 = arith.constant 0 : i32
      %dma_start3A_41 = tpu.memref_slice %arg8[%run_scoped3A_7, %dma_start3A_40] : memref<2x128xi32, #tpu.memory_space<vmem>> -> memref<1x128xi32, #tpu.memory_space<vmem>>
      %dma_start3A_42 = tpu.memref_squeeze %dma_start3A_41 : memref<1x128xi32, #tpu.memory_space<vmem>> -> memref<128xi32, #tpu.memory_space<vmem>>
      %dma_start3A_43 = tpu.memref_slice %arg4[%add3A_6] : memref<327680xi32, #tpu.memory_space<hbm>> -> memref<128xi32, #tpu.memory_space<hbm>>
      %dma_start3A_44 = arith.constant 0 : i32
      %dma_start3A_45 = tpu.memref_slice %arg8[%run_scoped3A_7, %dma_start3A_44] : memref<2x128xi32, #tpu.memory_space<vmem>> -> memref<1x128xi32, #tpu.memory_space<vmem>>
      %dma_start3A_46 = tpu.memref_squeeze %dma_start3A_45 : memref<1x128xi32, #tpu.memory_space<vmem>> -> memref<128xi32, #tpu.memory_space<vmem>>
      %dma_start3A_47 = tpu.memref_slice %arg4[%add3A_6] : memref<327680xi32, #tpu.memory_space<hbm>> -> memref<128xi32, #tpu.memory_space<hbm>>
      tpu.enqueue_dma source(%dma_start3A_47 : memref<128xi32, #tpu.memory_space<hbm>>) target(%dma_start3A_46 : memref<128xi32, #tpu.memory_space<vmem>>) target_semaphore(%run_scoped3A_39 : memref<!tpu.dma_semaphore, #tpu.memory_space<semaphore_mem>>)
      %dma_wait3A_48 = arith.constant 0 : i32
      %dma_wait3A_49 = tpu.memref_slice %arg8[%run_scoped3A_7, %dma_wait3A_48] : memref<2x128xi32, #tpu.memory_space<vmem>> -> memref<1x128xi32, #tpu.memory_space<vmem>>
      %dma_wait3A_50 = tpu.memref_squeeze %dma_wait3A_49 : memref<1x128xi32, #tpu.memory_space<vmem>> -> memref<128xi32, #tpu.memory_space<vmem>>
      %dma_wait3A_51 = tpu.memref_slice %arg4[%add3A_6] : memref<327680xi32, #tpu.memory_space<hbm>> -> memref<128xi32, #tpu.memory_space<hbm>>
      %dma_wait3A_52 = arith.constant 0 : i32
      %dma_wait3A_53 = tpu.memref_slice %arg8[%run_scoped3A_7, %dma_wait3A_52] : memref<2x128xi32, #tpu.memory_space<vmem>> -> memref<1x128xi32, #tpu.memory_space<vmem>>
      %dma_wait3A_54 = tpu.memref_squeeze %dma_wait3A_53 : memref<1x128xi32, #tpu.memory_space<vmem>> -> memref<128xi32, #tpu.memory_space<vmem>>
      %dma_wait3A_55 = tpu.memref_slice %arg4[%add3A_6] : memref<327680xi32, #tpu.memory_space<hbm>> -> memref<128xi32, #tpu.memory_space<hbm>>
      tpu.wait_dma2 semaphore(%run_scoped3A_39 : memref<!tpu.dma_semaphore, #tpu.memory_space<semaphore_mem>>) src(%dma_wait3A_55 : memref<128xi32, #tpu.memory_space<hbm>>) dst(%dma_wait3A_54 : memref<128xi32, #tpu.memory_space<vmem>>)
      tpu.yield
    }) : () -> ()
    %dma_start3A = arith.constant 0 : i32
    %dma_start3A_8 = arith.constant 0 : i32
    %dma_start3A_9 = arith.constant 0 : i32
    %dma_start3A_10 = arith.constant 0 : i32
    %dma_start3A_11 = tpu.memref_slice %arg9[%dma_start3A_8, %dma_start3A_9, %dma_start3A_10] : memref<2x128x128xf32, #tpu.memory_space<vmem>> -> memref<1x128x128xf32, #tpu.memory_space<vmem>>
    %dma_start3A_12 = tpu.memref_squeeze %dma_start3A_11 : memref<1x128x128xf32, #tpu.memory_space<vmem>> -> memref<128x128xf32, #tpu.memory_space<vmem>>
    %dma_start3A_13 = arith.constant 0 : i32
    %dma_start3A_14 = tpu.memref_slice %arg7[%dma_start3A, %dma_start3A_13] : memref<2x128xi32, #tpu.memory_space<vmem>> -> memref<1x128xi32, #tpu.memory_space<vmem>>
    %dma_start3A_15 = tpu.memref_squeeze %dma_start3A_14 : memref<1x128xi32, #tpu.memory_space<vmem>> -> memref<128xi32, #tpu.memory_space<vmem>>
    %dma_start3A_16 = arith.constant 0 : i32
    %dma_start3A_17 = arith.constant 0 : i32
    %dma_start3A_18 = tpu.memref_slice %arg2[%dma_start3A_16, %dma_start3A_17] : memref<10000x128xf32, #tpu.memory_space<hbm>> -> memref<10000x128xf32, #tpu.memory_space<hbm>>
    tpu.enqueue_indirect_dma source(%dma_start3A_18 : memref<10000x128xf32, #tpu.memory_space<hbm>>) target(%dma_start3A_12 : memref<128x128xf32, #tpu.memory_space<vmem>>) offsets(%dma_start3A_15 : memref<128xi32, #tpu.memory_space<vmem>>) semaphore(%arg11 : memref<!tpu.dma_semaphore, #tpu.memory_space<semaphore_mem>>)
    %scan3A = arith.constant 0 : i32
    %scan3A_19 = arith.constant 0 : i32
    %scan3A_20 = arith.constant 40 : i32
    %scan3A_21 = arith.addi %scan3A_19, %scan3A_20 : i32
    %scan3A_22 = arith.constant 1 : i32
    scf.for %scan3A_39 = %scan3A_19 to %scan3A_21 step %scan3A_22  : i32 {
      %mul3A_40 = arith.constant 2 : i32
      %mul3A_41 = arith.muli %mul3A_40, %scan3A_39 : i32
      %dma_wait3A_42 = arith.constant 0 : i32
      %dma_wait3A_43 = arith.constant 0 : i32
      %dma_wait3A_44 = arith.constant 0 : i32
      %dma_wait3A_45 = tpu.memref_slice %arg9[%dma_wait3A_42, %dma_wait3A_43, %dma_wait3A_44] : memref<2x128x128xf32, #tpu.memory_space<vmem>> -> memref<1x128x128xf32, #tpu.memory_space<vmem>>
      %dma_wait3A_46 = tpu.memref_squeeze %dma_wait3A_45 : memref<1x128x128xf32, #tpu.memory_space<vmem>> -> memref<128x128xf32, #tpu.memory_space<vmem>>
      %dma_wait3A_47 = arith.constant 0 : i32
      %dma_wait3A_48 = arith.constant 0 : i32
      %dma_wait3A_49 = tpu.memref_slice %arg2[%dma_wait3A_47, %dma_wait3A_48] : memref<10000x128xf32, #tpu.memory_space<hbm>> -> memref<128x128xf32, #tpu.memory_space<hbm>>
      %dma_wait3A_50 = arith.constant 0 : i32
      %dma_wait3A_51 = arith.constant 0 : i32
      %dma_wait3A_52 = tpu.memref_slice %arg9[%dma_wait3A_42, %dma_wait3A_50, %dma_wait3A_51] : memref<2x128x128xf32, #tpu.memory_space<vmem>> -> memref<1x128x128xf32, #tpu.memory_space<vmem>>
      %dma_wait3A_53 = tpu.memref_squeeze %dma_wait3A_52 : memref<1x128x128xf32, #tpu.memory_space<vmem>> -> memref<128x128xf32, #tpu.memory_space<vmem>>
      %dma_wait3A_54 = arith.constant 0 : i32
      %dma_wait3A_55 = arith.constant 0 : i32
      %dma_wait3A_56 = tpu.memref_slice %arg2[%dma_wait3A_54, %dma_wait3A_55] : memref<10000x128xf32, #tpu.memory_space<hbm>> -> memref<128x128xf32, #tpu.memory_space<hbm>>
      tpu.wait_dma2 semaphore(%arg11 : memref<!tpu.dma_semaphore, #tpu.memory_space<semaphore_mem>>) src(%dma_wait3A_56 : memref<128x128xf32, #tpu.memory_space<hbm>>) dst(%dma_wait3A_53 : memref<128x128xf32, #tpu.memory_space<vmem>>)
      %dma_start3A_57 = arith.constant 0 : i32
      %dma_start3A_58 = arith.constant 0 : i32
      %dma_start3A_59 = arith.constant 0 : i32
      %dma_start3A_60 = arith.constant 0 : i32
      %dma_start3A_61 = tpu.memref_slice %arg9[%dma_start3A_57, %dma_start3A_59, %dma_start3A_60] : memref<2x128x128xf32, #tpu.memory_space<vmem>> -> memref<1x128x128xf32, #tpu.memory_space<vmem>>
      %dma_start3A_62 = tpu.memref_squeeze %dma_start3A_61 : memref<1x128x128xf32, #tpu.memory_space<vmem>> -> memref<128x128xf32, #tpu.memory_space<vmem>>
      %dma_start3A_63 = arith.constant 0 : i32
      %dma_start3A_64 = tpu.memref_slice %arg8[%dma_start3A_58, %dma_start3A_63] : memref<2x128xi32, #tpu.memory_space<vmem>> -> memref<1x128xi32, #tpu.memory_space<vmem>>
      %dma_start3A_65 = tpu.memref_squeeze %dma_start3A_64 : memref<1x128xi32, #tpu.memory_space<vmem>> -> memref<128xi32, #tpu.memory_space<vmem>>
      %dma_start3A_66 = arith.constant 0 : i32
      %dma_start3A_67 = arith.constant 0 : i32
      %dma_start3A_68 = tpu.memref_slice %arg10[%dma_start3A_66, %dma_start3A_67] : memref<10112x128xf32, #tpu.memory_space<vmem_shared>> -> memref<10112x128xf32, #tpu.memory_space<vmem_shared>>
      tpu.enqueue_indirect_dma source(%dma_start3A_62 : memref<128x128xf32, #tpu.memory_space<vmem>>) target(%dma_start3A_68 : memref<10112x128xf32, #tpu.memory_space<vmem_shared>>) offsets(%dma_start3A_65 : memref<128xi32, #tpu.memory_space<vmem>>) semaphore(%arg11 : memref<!tpu.dma_semaphore, #tpu.memory_space<semaphore_mem>>) {add = true}
      %gt3A = arith.constant 0 : i32
      %gt3A_69 = arith.cmpi sgt, %scan3A_39, %gt3A : i32
      %convert_element_type3A = arith.extui %gt3A_69 : i1 to i32
      %cond3A = arith.constant 0 : i32
      %cond3A_70 = arith.cmpi ne, %convert_element_type3A, %cond3A : i32
      scf.if %cond3A_70 {
        %dma_wait3A_135 = arith.constant 1 : i32
        %dma_wait3A_136 = arith.constant 1 : i32
        %dma_wait3A_137 = arith.constant 0 : i32
        %dma_wait3A_138 = arith.constant 0 : i32
        %dma_wait3A_139 = tpu.memref_slice %arg9[%dma_wait3A_135, %dma_wait3A_137, %dma_wait3A_138] : memref<2x128x128xf32, #tpu.memory_space<vmem>> -> memref<1x128x128xf32, #tpu.memory_space<vmem>>
        %dma_wait3A_140 = tpu.memref_squeeze %dma_wait3A_139 : memref<1x128x128xf32, #tpu.memory_space<vmem>> -> memref<128x128xf32, #tpu.memory_space<vmem>>
        %dma_wait3A_141 = arith.constant 0 : i32
        %dma_wait3A_142 = tpu.memref_slice %arg8[%dma_wait3A_136, %dma_wait3A_141] : memref<2x128xi32, #tpu.memory_space<vmem>> -> memref<1x128xi32, #tpu.memory_space<vmem>>
        %dma_wait3A_143 = tpu.memref_squeeze %dma_wait3A_142 : memref<1x128xi32, #tpu.memory_space<vmem>> -> memref<128xi32, #tpu.memory_space<vmem>>
        %dma_wait3A_144 = arith.constant 0 : i32
        %dma_wait3A_145 = arith.constant 0 : i32
        %dma_wait3A_146 = tpu.memref_slice %arg10[%dma_wait3A_144, %dma_wait3A_145] : memref<10112x128xf32, #tpu.memory_space<vmem_shared>> -> memref<10112x128xf32, #tpu.memory_space<vmem_shared>>
        tpu.wait_indirect_dma semaphore(%arg12 : memref<!tpu.dma_semaphore, #tpu.memory_space<semaphore_mem>>) src(%dma_wait3A_140 : memref<128x128xf32, #tpu.memory_space<vmem>>) dst(%dma_wait3A_146 : memref<10112x128xf32, #tpu.memory_space<vmem_shared>>)
      } else {
      }
      %add3A_71 = arith.constant 1 : i32
      %add3A_72 = arith.addi %mul3A_41, %add3A_71 : i32
      %mul3A_73 = arith.constant 10240 : i32
      %mul3A_74 = arith.muli %add3A, %mul3A_73 : i32
      %mul3A_75 = arith.constant 128 : i32
      %mul3A_76 = arith.muli %add3A_72, %mul3A_75 : i32
      %add3A_77 = arith.addi %mul3A_74, %mul3A_76 : i32
      %run_scoped3A_78 = arith.constant 1 : i32
      "tpu.region"() ({
        %run_scoped3A_135 = tpu.sem_alloc : memref<!tpu.dma_semaphore, #tpu.memory_space<semaphore_mem>>
        %dma_start3A_136 = arith.constant 0 : i32
        %dma_start3A_137 = tpu.memref_slice %arg7[%run_scoped3A_78, %dma_start3A_136] : memref<2x128xi32, #tpu.memory_space<vmem>> -> memref<1x128xi32, #tpu.memory_space<vmem>>
        %dma_start3A_138 = tpu.memref_squeeze %dma_start3A_137 : memref<1x128xi32, #tpu.memory_space<vmem>> -> memref<128xi32, #tpu.memory_space<vmem>>
        %dma_start3A_139 = tpu.memref_slice %arg3[%add3A_77] : memref<327680xi32, #tpu.memory_space<hbm>> -> memref<128xi32, #tpu.memory_space<hbm>>
        %dma_start3A_140 = arith.constant 0 : i32
        %dma_start3A_141 = tpu.memref_slice %arg7[%run_scoped3A_78, %dma_start3A_140] : memref<2x128xi32, #tpu.memory_space<vmem>> -> memref<1x128xi32, #tpu.memory_space<vmem>>
        %dma_start3A_142 = tpu.memref_squeeze %dma_start3A_141 : memref<1x128xi32, #tpu.memory_space<vmem>> -> memref<128xi32, #tpu.memory_space<vmem>>
        %dma_start3A_143 = tpu.memref_slice %arg3[%add3A_77] : memref<327680xi32, #tpu.memory_space<hbm>> -> memref<128xi32, #tpu.memory_space<hbm>>
        tpu.enqueue_dma source(%dma_start3A_143 : memref<128xi32, #tpu.memory_space<hbm>>) target(%dma_start3A_142 : memref<128xi32, #tpu.memory_space<vmem>>) target_semaphore(%run_scoped3A_135 : memref<!tpu.dma_semaphore, #tpu.memory_space<semaphore_mem>>)
        %dma_wait3A_144 = arith.constant 0 : i32
        %dma_wait3A_145 = tpu.memref_slice %arg7[%run_scoped3A_78, %dma_wait3A_144] : memref<2x128xi32, #tpu.memory_space<vmem>> -> memref<1x128xi32, #tpu.memory_space<vmem>>
        %dma_wait3A_146 = tpu.memref_squeeze %dma_wait3A_145 : memref<1x128xi32, #tpu.memory_space<vmem>> -> memref<128xi32, #tpu.memory_space<vmem>>
        %dma_wait3A_147 = tpu.memref_slice %arg3[%add3A_77] : memref<327680xi32, #tpu.memory_space<hbm>> -> memref<128xi32, #tpu.memory_space<hbm>>
        %dma_wait3A_148 = arith.constant 0 : i32
        %dma_wait3A_149 = tpu.memref_slice %arg7[%run_scoped3A_78, %dma_wait3A_148] : memref<2x128xi32, #tpu.memory_space<vmem>> -> memref<1x128xi32, #tpu.memory_space<vmem>>
        %dma_wait3A_150 = tpu.memref_squeeze %dma_wait3A_149 : memref<1x128xi32, #tpu.memory_space<vmem>> -> memref<128xi32, #tpu.memory_space<vmem>>
        %dma_wait3A_151 = tpu.memref_slice %arg3[%add3A_77] : memref<327680xi32, #tpu.memory_space<hbm>> -> memref<128xi32, #tpu.memory_space<hbm>>
        tpu.wait_dma2 semaphore(%run_scoped3A_135 : memref<!tpu.dma_semaphore, #tpu.memory_space<semaphore_mem>>) src(%dma_wait3A_151 : memref<128xi32, #tpu.memory_space<hbm>>) dst(%dma_wait3A_150 : memref<128xi32, #tpu.memory_space<vmem>>)
        tpu.yield
      }) : () -> ()
      %run_scoped3A_79 = arith.constant 1 : i32
      "tpu.region"() ({
        %run_scoped3A_135 = tpu.sem_alloc : memref<!tpu.dma_semaphore, #tpu.memory_space<semaphore_mem>>
        %dma_start3A_136 = arith.constant 0 : i32
        %dma_start3A_137 = tpu.memref_slice %arg8[%run_scoped3A_79, %dma_start3A_136] : memref<2x128xi32, #tpu.memory_space<vmem>> -> memref<1x128xi32, #tpu.memory_space<vmem>>
        %dma_start3A_138 = tpu.memref_squeeze %dma_start3A_137 : memref<1x128xi32, #tpu.memory_space<vmem>> -> memref<128xi32, #tpu.memory_space<vmem>>
        %dma_start3A_139 = tpu.memref_slice %arg4[%add3A_77] : memref<327680xi32, #tpu.memory_space<hbm>> -> memref<128xi32, #tpu.memory_space<hbm>>
        %dma_start3A_140 = arith.constant 0 : i32
        %dma_start3A_141 = tpu.memref_slice %arg8[%run_scoped3A_79, %dma_start3A_140] : memref<2x128xi32, #tpu.memory_space<vmem>> -> memref<1x128xi32, #tpu.memory_space<vmem>>
        %dma_start3A_142 = tpu.memref_squeeze %dma_start3A_141 : memref<1x128xi32, #tpu.memory_space<vmem>> -> memref<128xi32, #tpu.memory_space<vmem>>
        %dma_start3A_143 = tpu.memref_slice %arg4[%add3A_77] : memref<327680xi32, #tpu.memory_space<hbm>> -> memref<128xi32, #tpu.memory_space<hbm>>
        tpu.enqueue_dma source(%dma_start3A_143 : memref<128xi32, #tpu.memory_space<hbm>>) target(%dma_start3A_142 : memref<128xi32, #tpu.memory_space<vmem>>) target_semaphore(%run_scoped3A_135 : memref<!tpu.dma_semaphore, #tpu.memory_space<semaphore_mem>>)
        %dma_wait3A_144 = arith.constant 0 : i32
        %dma_wait3A_145 = tpu.memref_slice %arg8[%run_scoped3A_79, %dma_wait3A_144] : memref<2x128xi32, #tpu.memory_space<vmem>> -> memref<1x128xi32, #tpu.memory_space<vmem>>
        %dma_wait3A_146 = tpu.memref_squeeze %dma_wait3A_145 : memref<1x128xi32, #tpu.memory_space<vmem>> -> memref<128xi32, #tpu.memory_space<vmem>>
        %dma_wait3A_147 = tpu.memref_slice %arg4[%add3A_77] : memref<327680xi32, #tpu.memory_space<hbm>> -> memref<128xi32, #tpu.memory_space<hbm>>
        %dma_wait3A_148 = arith.constant 0 : i32
        %dma_wait3A_149 = tpu.memref_slice %arg8[%run_scoped3A_79, %dma_wait3A_148] : memref<2x128xi32, #tpu.memory_space<vmem>> -> memref<1x128xi32, #tpu.memory_space<vmem>>
        %dma_wait3A_150 = tpu.memref_squeeze %dma_wait3A_149 : memref<1x128xi32, #tpu.memory_space<vmem>> -> memref<128xi32, #tpu.memory_space<vmem>>
        %dma_wait3A_151 = tpu.memref_slice %arg4[%add3A_77] : memref<327680xi32, #tpu.memory_space<hbm>> -> memref<128xi32, #tpu.memory_space<hbm>>
        tpu.wait_dma2 semaphore(%run_scoped3A_135 : memref<!tpu.dma_semaphore, #tpu.memory_space<semaphore_mem>>) src(%dma_wait3A_151 : memref<128xi32, #tpu.memory_space<hbm>>) dst(%dma_wait3A_150 : memref<128xi32, #tpu.memory_space<vmem>>)
        tpu.yield
      }) : () -> ()
      %dma_start3A_80 = arith.constant 1 : i32
      %dma_start3A_81 = arith.constant 1 : i32
      %dma_start3A_82 = arith.constant 0 : i32
      %dma_start3A_83 = arith.constant 0 : i32
      %dma_start3A_84 = tpu.memref_slice %arg9[%dma_start3A_81, %dma_start3A_82, %dma_start3A_83] : memref<2x128x128xf32, #tpu.memory_space<vmem>> -> memref<1x128x128xf32, #tpu.memory_space<vmem>>
      %dma_start3A_85 = tpu.memref_squeeze %dma_start3A_84 : memref<1x128x128xf32, #tpu.memory_space<vmem>> -> memref<128x128xf32, #tpu.memory_space<vmem>>
      %dma_start3A_86 = arith.constant 0 : i32
      %dma_start3A_87 = tpu.memref_slice %arg7[%dma_start3A_80, %dma_start3A_86] : memref<2x128xi32, #tpu.memory_space<vmem>> -> memref<1x128xi32, #tpu.memory_space<vmem>>
      %dma_start3A_88 = tpu.memref_squeeze %dma_start3A_87 : memref<1x128xi32, #tpu.memory_space<vmem>> -> memref<128xi32, #tpu.memory_space<vmem>>
      %dma_start3A_89 = arith.constant 0 : i32
      %dma_start3A_90 = arith.constant 0 : i32
      %dma_start3A_91 = tpu.memref_slice %arg2[%dma_start3A_89, %dma_start3A_90] : memref<10000x128xf32, #tpu.memory_space<hbm>> -> memref<10000x128xf32, #tpu.memory_space<hbm>>
      tpu.enqueue_indirect_dma source(%dma_start3A_91 : memref<10000x128xf32, #tpu.memory_space<hbm>>) target(%dma_start3A_85 : memref<128x128xf32, #tpu.memory_space<vmem>>) offsets(%dma_start3A_88 : memref<128xi32, #tpu.memory_space<vmem>>) semaphore(%arg12 : memref<!tpu.dma_semaphore, #tpu.memory_space<semaphore_mem>>)
      %dma_wait3A_92 = arith.constant 1 : i32
      %dma_wait3A_93 = arith.constant 0 : i32
      %dma_wait3A_94 = arith.constant 0 : i32
      %dma_wait3A_95 = tpu.memref_slice %arg9[%dma_wait3A_92, %dma_wait3A_93, %dma_wait3A_94] : memref<2x128x128xf32, #tpu.memory_space<vmem>> -> memref<1x128x128xf32, #tpu.memory_space<vmem>>
      %dma_wait3A_96 = tpu.memref_squeeze %dma_wait3A_95 : memref<1x128x128xf32, #tpu.memory_space<vmem>> -> memref<128x128xf32, #tpu.memory_space<vmem>>
      %dma_wait3A_97 = arith.constant 0 : i32
      %dma_wait3A_98 = arith.constant 0 : i32
      %dma_wait3A_99 = tpu.memref_slice %arg2[%dma_wait3A_97, %dma_wait3A_98] : memref<10000x128xf32, #tpu.memory_space<hbm>> -> memref<128x128xf32, #tpu.memory_space<hbm>>
      %dma_wait3A_100 = arith.constant 0 : i32
      %dma_wait3A_101 = arith.constant 0 : i32
      %dma_wait3A_102 = tpu.memref_slice %arg9[%dma_wait3A_92, %dma_wait3A_100, %dma_wait3A_101] : memref<2x128x128xf32, #tpu.memory_space<vmem>> -> memref<1x128x128xf32, #tpu.memory_space<vmem>>
      %dma_wait3A_103 = tpu.memref_squeeze %dma_wait3A_102 : memref<1x128x128xf32, #tpu.memory_space<vmem>> -> memref<128x128xf32, #tpu.memory_space<vmem>>
      %dma_wait3A_104 = arith.constant 0 : i32
      %dma_wait3A_105 = arith.constant 0 : i32
      %dma_wait3A_106 = tpu.memref_slice %arg2[%dma_wait3A_104, %dma_wait3A_105] : memref<10000x128xf32, #tpu.memory_space<hbm>> -> memref<128x128xf32, #tpu.memory_space<hbm>>
      tpu.wait_dma2 semaphore(%arg12 : memref<!tpu.dma_semaphore, #tpu.memory_space<semaphore_mem>>) src(%dma_wait3A_106 : memref<128x128xf32, #tpu.memory_space<hbm>>) dst(%dma_wait3A_103 : memref<128x128xf32, #tpu.memory_space<vmem>>)
      %dma_start3A_107 = arith.constant 1 : i32
      %dma_start3A_108 = arith.constant 1 : i32
      %dma_start3A_109 = arith.constant 0 : i32
      %dma_start3A_110 = arith.constant 0 : i32
      %dma_start3A_111 = tpu.memref_slice %arg9[%dma_start3A_107, %dma_start3A_109, %dma_start3A_110] : memref<2x128x128xf32, #tpu.memory_space<vmem>> -> memref<1x128x128xf32, #tpu.memory_space<vmem>>
      %dma_start3A_112 = tpu.memref_squeeze %dma_start3A_111 : memref<1x128x128xf32, #tpu.memory_space<vmem>> -> memref<128x128xf32, #tpu.memory_space<vmem>>
      %dma_start3A_113 = arith.constant 0 : i32
      %dma_start3A_114 = tpu.memref_slice %arg8[%dma_start3A_108, %dma_start3A_113] : memref<2x128xi32, #tpu.memory_space<vmem>> -> memref<1x128xi32, #tpu.memory_space<vmem>>
      %dma_start3A_115 = tpu.memref_squeeze %dma_start3A_114 : memref<1x128xi32, #tpu.memory_space<vmem>> -> memref<128xi32, #tpu.memory_space<vmem>>
      %dma_start3A_116 = arith.constant 0 : i32
      %dma_start3A_117 = arith.constant 0 : i32
      %dma_start3A_118 = tpu.memref_slice %arg10[%dma_start3A_116, %dma_start3A_117] : memref<10112x128xf32, #tpu.memory_space<vmem_shared>> -> memref<10112x128xf32, #tpu.memory_space<vmem_shared>>
      tpu.enqueue_indirect_dma source(%dma_start3A_112 : memref<128x128xf32, #tpu.memory_space<vmem>>) target(%dma_start3A_118 : memref<10112x128xf32, #tpu.memory_space<vmem_shared>>) offsets(%dma_start3A_115 : memref<128xi32, #tpu.memory_space<vmem>>) semaphore(%arg12 : memref<!tpu.dma_semaphore, #tpu.memory_space<semaphore_mem>>) {add = true}
      %dma_wait3A_119 = arith.constant 0 : i32
      %dma_wait3A_120 = arith.constant 0 : i32
      %dma_wait3A_121 = arith.constant 0 : i32
      %dma_wait3A_122 = arith.constant 0 : i32
      %dma_wait3A_123 = tpu.memref_slice %arg9[%dma_wait3A_119, %dma_wait3A_121, %dma_wait3A_122] : memref<2x128x128xf32, #tpu.memory_space<vmem>> -> memref<1x128x128xf32, #tpu.memory_space<vmem>>
      %dma_wait3A_124 = tpu.memref_squeeze %dma_wait3A_123 : memref<1x128x128xf32, #tpu.memory_space<vmem>> -> memref<128x128xf32, #tpu.memory_space<vmem>>
      %dma_wait3A_125 = arith.constant 0 : i32
      %dma_wait3A_126 = tpu.memref_slice %arg8[%dma_wait3A_120, %dma_wait3A_125] : memref<2x128xi32, #tpu.memory_space<vmem>> -> memref<1x128xi32, #tpu.memory_space<vmem>>
      %dma_wait3A_127 = tpu.memref_squeeze %dma_wait3A_126 : memref<1x128xi32, #tpu.memory_space<vmem>> -> memref<128xi32, #tpu.memory_space<vmem>>
      %dma_wait3A_128 = arith.constant 0 : i32
      %dma_wait3A_129 = arith.constant 0 : i32
      %dma_wait3A_130 = tpu.memref_slice %arg10[%dma_wait3A_128, %dma_wait3A_129] : memref<10112x128xf32, #tpu.memory_space<vmem_shared>> -> memref<10112x128xf32, #tpu.memory_space<vmem_shared>>
      tpu.wait_indirect_dma semaphore(%arg11 : memref<!tpu.dma_semaphore, #tpu.memory_space<semaphore_mem>>) src(%dma_wait3A_124 : memref<128x128xf32, #tpu.memory_space<vmem>>) dst(%dma_wait3A_130 : memref<10112x128xf32, #tpu.memory_space<vmem_shared>>)
      %lt3A = arith.constant 39 : i32
      %lt3A_131 = arith.cmpi slt, %scan3A_39, %lt3A : i32
      %convert_element_type3A_132 = arith.extui %lt3A_131 : i1 to i32
      %cond3A_133 = arith.constant 0 : i32
      %cond3A_134 = arith.cmpi ne, %convert_element_type3A_132, %cond3A_133 : i32
      scf.if %cond3A_134 {
        %add3A_135 = arith.constant 2 : i32
        %add3A_136 = arith.addi %mul3A_41, %add3A_135 : i32
        %mul3A_137 = arith.constant 10240 : i32
        %mul3A_138 = arith.muli %add3A, %mul3A_137 : i32
        %mul3A_139 = arith.constant 128 : i32
        %mul3A_140 = arith.muli %add3A_136, %mul3A_139 : i32
        %add3A_141 = arith.addi %mul3A_138, %mul3A_140 : i32
        %run_scoped3A_142 = arith.constant 0 : i32
        "tpu.region"() ({
          %run_scoped3A_156 = tpu.sem_alloc : memref<!tpu.dma_semaphore, #tpu.memory_space<semaphore_mem>>
          %dma_start3A_157 = arith.constant 0 : i32
          %dma_start3A_158 = tpu.memref_slice %arg7[%run_scoped3A_142, %dma_start3A_157] : memref<2x128xi32, #tpu.memory_space<vmem>> -> memref<1x128xi32, #tpu.memory_space<vmem>>
          %dma_start3A_159 = tpu.memref_squeeze %dma_start3A_158 : memref<1x128xi32, #tpu.memory_space<vmem>> -> memref<128xi32, #tpu.memory_space<vmem>>
          %dma_start3A_160 = tpu.memref_slice %arg3[%add3A_141] : memref<327680xi32, #tpu.memory_space<hbm>> -> memref<128xi32, #tpu.memory_space<hbm>>
          %dma_start3A_161 = arith.constant 0 : i32
          %dma_start3A_162 = tpu.memref_slice %arg7[%run_scoped3A_142, %dma_start3A_161] : memref<2x128xi32, #tpu.memory_space<vmem>> -> memref<1x128xi32, #tpu.memory_space<vmem>>
          %dma_start3A_163 = tpu.memref_squeeze %dma_start3A_162 : memref<1x128xi32, #tpu.memory_space<vmem>> -> memref<128xi32, #tpu.memory_space<vmem>>
          %dma_start3A_164 = tpu.memref_slice %arg3[%add3A_141] : memref<327680xi32, #tpu.memory_space<hbm>> -> memref<128xi32, #tpu.memory_space<hbm>>
          tpu.enqueue_dma source(%dma_start3A_164 : memref<128xi32, #tpu.memory_space<hbm>>) target(%dma_start3A_163 : memref<128xi32, #tpu.memory_space<vmem>>) target_semaphore(%run_scoped3A_156 : memref<!tpu.dma_semaphore, #tpu.memory_space<semaphore_mem>>)
          %dma_wait3A_165 = arith.constant 0 : i32
          %dma_wait3A_166 = tpu.memref_slice %arg7[%run_scoped3A_142, %dma_wait3A_165] : memref<2x128xi32, #tpu.memory_space<vmem>> -> memref<1x128xi32, #tpu.memory_space<vmem>>
          %dma_wait3A_167 = tpu.memref_squeeze %dma_wait3A_166 : memref<1x128xi32, #tpu.memory_space<vmem>> -> memref<128xi32, #tpu.memory_space<vmem>>
          %dma_wait3A_168 = tpu.memref_slice %arg3[%add3A_141] : memref<327680xi32, #tpu.memory_space<hbm>> -> memref<128xi32, #tpu.memory_space<hbm>>
          %dma_wait3A_169 = arith.constant 0 : i32
          %dma_wait3A_170 = tpu.memref_slice %arg7[%run_scoped3A_142, %dma_wait3A_169] : memref<2x128xi32, #tpu.memory_space<vmem>> -> memref<1x128xi32, #tpu.memory_space<vmem>>
          %dma_wait3A_171 = tpu.memref_squeeze %dma_wait3A_170 : memref<1x128xi32, #tpu.memory_space<vmem>> -> memref<128xi32, #tpu.memory_space<vmem>>
          %dma_wait3A_172 = tpu.memref_slice %arg3[%add3A_141] : memref<327680xi32, #tpu.memory_space<hbm>> -> memref<128xi32, #tpu.memory_space<hbm>>
          tpu.wait_dma2 semaphore(%run_scoped3A_156 : memref<!tpu.dma_semaphore, #tpu.memory_space<semaphore_mem>>) src(%dma_wait3A_172 : memref<128xi32, #tpu.memory_space<hbm>>) dst(%dma_wait3A_171 : memref<128xi32, #tpu.memory_space<vmem>>)
          tpu.yield
        }) : () -> ()
        %run_scoped3A_143 = arith.constant 0 : i32
        "tpu.region"() ({
          %run_scoped3A_156 = tpu.sem_alloc : memref<!tpu.dma_semaphore, #tpu.memory_space<semaphore_mem>>
          %dma_start3A_157 = arith.constant 0 : i32
          %dma_start3A_158 = tpu.memref_slice %arg8[%run_scoped3A_143, %dma_start3A_157] : memref<2x128xi32, #tpu.memory_space<vmem>> -> memref<1x128xi32, #tpu.memory_space<vmem>>
          %dma_start3A_159 = tpu.memref_squeeze %dma_start3A_158 : memref<1x128xi32, #tpu.memory_space<vmem>> -> memref<128xi32, #tpu.memory_space<vmem>>
          %dma_start3A_160 = tpu.memref_slice %arg4[%add3A_141] : memref<327680xi32, #tpu.memory_space<hbm>> -> memref<128xi32, #tpu.memory_space<hbm>>
          %dma_start3A_161 = arith.constant 0 : i32
          %dma_start3A_162 = tpu.memref_slice %arg8[%run_scoped3A_143, %dma_start3A_161] : memref<2x128xi32, #tpu.memory_space<vmem>> -> memref<1x128xi32, #tpu.memory_space<vmem>>
          %dma_start3A_163 = tpu.memref_squeeze %dma_start3A_162 : memref<1x128xi32, #tpu.memory_space<vmem>> -> memref<128xi32, #tpu.memory_space<vmem>>
          %dma_start3A_164 = tpu.memref_slice %arg4[%add3A_141] : memref<327680xi32, #tpu.memory_space<hbm>> -> memref<128xi32, #tpu.memory_space<hbm>>
          tpu.enqueue_dma source(%dma_start3A_164 : memref<128xi32, #tpu.memory_space<hbm>>) target(%dma_start3A_163 : memref<128xi32, #tpu.memory_space<vmem>>) target_semaphore(%run_scoped3A_156 : memref<!tpu.dma_semaphore, #tpu.memory_space<semaphore_mem>>)
          %dma_wait3A_165 = arith.constant 0 : i32
          %dma_wait3A_166 = tpu.memref_slice %arg8[%run_scoped3A_143, %dma_wait3A_165] : memref<2x128xi32, #tpu.memory_space<vmem>> -> memref<1x128xi32, #tpu.memory_space<vmem>>
          %dma_wait3A_167 = tpu.memref_squeeze %dma_wait3A_166 : memref<1x128xi32, #tpu.memory_space<vmem>> -> memref<128xi32, #tpu.memory_space<vmem>>
          %dma_wait3A_168 = tpu.memref_slice %arg4[%add3A_141] : memref<327680xi32, #tpu.memory_space<hbm>> -> memref<128xi32, #tpu.memory_space<hbm>>
          %dma_wait3A_169 = arith.constant 0 : i32
          %dma_wait3A_170 = tpu.memref_slice %arg8[%run_scoped3A_143, %dma_wait3A_169] : memref<2x128xi32, #tpu.memory_space<vmem>> -> memref<1x128xi32, #tpu.memory_space<vmem>>
          %dma_wait3A_171 = tpu.memref_squeeze %dma_wait3A_170 : memref<1x128xi32, #tpu.memory_space<vmem>> -> memref<128xi32, #tpu.memory_space<vmem>>
          %dma_wait3A_172 = tpu.memref_slice %arg4[%add3A_141] : memref<327680xi32, #tpu.memory_space<hbm>> -> memref<128xi32, #tpu.memory_space<hbm>>
          tpu.wait_dma2 semaphore(%run_scoped3A_156 : memref<!tpu.dma_semaphore, #tpu.memory_space<semaphore_mem>>) src(%dma_wait3A_172 : memref<128xi32, #tpu.memory_space<hbm>>) dst(%dma_wait3A_171 : memref<128xi32, #tpu.memory_space<vmem>>)
          tpu.yield
        }) : () -> ()
        %dma_start3A_144 = arith.constant 0 : i32
        %dma_start3A_145 = arith.constant 0 : i32
        %dma_start3A_146 = arith.constant 0 : i32
        %dma_start3A_147 = arith.constant 0 : i32
        %dma_start3A_148 = tpu.memref_slice %arg9[%dma_start3A_145, %dma_start3A_146, %dma_start3A_147] : memref<2x128x128xf32, #tpu.memory_space<vmem>> -> memref<1x128x128xf32, #tpu.memory_space<vmem>>
        %dma_start3A_149 = tpu.memref_squeeze %dma_start3A_148 : memref<1x128x128xf32, #tpu.memory_space<vmem>> -> memref<128x128xf32, #tpu.memory_space<vmem>>
        %dma_start3A_150 = arith.constant 0 : i32
        %dma_start3A_151 = tpu.memref_slice %arg7[%dma_start3A_144, %dma_start3A_150] : memref<2x128xi32, #tpu.memory_space<vmem>> -> memref<1x128xi32, #tpu.memory_space<vmem>>
        %dma_start3A_152 = tpu.memref_squeeze %dma_start3A_151 : memref<1x128xi32, #tpu.memory_space<vmem>> -> memref<128xi32, #tpu.memory_space<vmem>>
        %dma_start3A_153 = arith.constant 0 : i32
        %dma_start3A_154 = arith.constant 0 : i32
        %dma_start3A_155 = tpu.memref_slice %arg2[%dma_start3A_153, %dma_start3A_154] : memref<10000x128xf32, #tpu.memory_space<hbm>> -> memref<10000x128xf32, #tpu.memory_space<hbm>>
        tpu.enqueue_indirect_dma source(%dma_start3A_155 : memref<10000x128xf32, #tpu.memory_space<hbm>>) target(%dma_start3A_149 : memref<128x128xf32, #tpu.memory_space<vmem>>) offsets(%dma_start3A_152 : memref<128xi32, #tpu.memory_space<vmem>>) semaphore(%arg11 : memref<!tpu.dma_semaphore, #tpu.memory_space<semaphore_mem>>)
      } else {
      }
    }
    %scan3A_23 = arith.constant 40 : i32
    %dma_wait3A = arith.constant 1 : i32
    %dma_wait3A_24 = arith.constant 1 : i32
    %dma_wait3A_25 = arith.constant 0 : i32
    %dma_wait3A_26 = arith.constant 0 : i32
    %dma_wait3A_27 = tpu.memref_slice %arg9[%dma_wait3A, %dma_wait3A_25, %dma_wait3A_26] : memref<2x128x128xf32, #tpu.memory_space<vmem>> -> memref<1x128x128xf32, #tpu.memory_space<vmem>>
    %dma_wait3A_28 = tpu.memref_squeeze %dma_wait3A_27 : memref<1x128x128xf32, #tpu.memory_space<vmem>> -> memref<128x128xf32, #tpu.memory_space<vmem>>
    %dma_wait3A_29 = arith.constant 0 : i32
    %dma_wait3A_30 = tpu.memref_slice %arg8[%dma_wait3A_24, %dma_wait3A_29] : memref<2x128xi32, #tpu.memory_space<vmem>> -> memref<1x128xi32, #tpu.memory_space<vmem>>
    %dma_wait3A_31 = tpu.memref_squeeze %dma_wait3A_30 : memref<1x128xi32, #tpu.memory_space<vmem>> -> memref<128xi32, #tpu.memory_space<vmem>>
    %dma_wait3A_32 = arith.constant 0 : i32
    %dma_wait3A_33 = arith.constant 0 : i32
    %dma_wait3A_34 = tpu.memref_slice %arg10[%dma_wait3A_32, %dma_wait3A_33] : memref<10112x128xf32, #tpu.memory_space<vmem_shared>> -> memref<10112x128xf32, #tpu.memory_space<vmem_shared>>
    tpu.wait_indirect_dma semaphore(%arg12 : memref<!tpu.dma_semaphore, #tpu.memory_space<semaphore_mem>>) src(%dma_wait3A_28 : memref<128x128xf32, #tpu.memory_space<vmem>>) dst(%dma_wait3A_34 : memref<10112x128xf32, #tpu.memory_space<vmem_shared>>)
    %barrier3A_35 = arith.constant 0 : index
    tpu.barrier barrier_id(%barrier3A_35)
    %mul3A_36 = arith.constant 10112 : i32
    %mul3A_37 = arith.muli %arg0, %mul3A_36 : i32
    %add3A_38 = arith.addi %mul3A_37, %mul3A_2 : i32
    "tpu.region"() ({
      %run_scoped3A_39 = tpu.sem_alloc : memref<!tpu.dma_semaphore, #tpu.memory_space<semaphore_mem>>
      %dma_start3A_40 = arith.constant 0 : i32
      %dma_start3A_41 = tpu.memref_slice %arg6[%add3A_38, %dma_start3A_40] : memref<20224x128xf32, #tpu.memory_space<hbm>> -> memref<632x128xf32, #tpu.memory_space<hbm>>
      %dma_start3A_42 = arith.constant 0 : i32
      %dma_start3A_43 = tpu.memref_slice %arg10[%mul3A_2, %dma_start3A_42] : memref<10112x128xf32, #tpu.memory_space<vmem_shared>> -> memref<632x128xf32, #tpu.memory_space<vmem_shared>>
      tpu.enqueue_dma source(%dma_start3A_43 : memref<632x128xf32, #tpu.memory_space<vmem_shared>>) target(%dma_start3A_41 : memref<632x128xf32, #tpu.memory_space<hbm>>) target_semaphore(%run_scoped3A_39 : memref<!tpu.dma_semaphore, #tpu.memory_space<semaphore_mem>>)
      %dma_wait3A_44 = arith.constant 0 : i32
      %dma_wait3A_45 = tpu.memref_slice %arg6[%add3A_38, %dma_wait3A_44] : memref<20224x128xf32, #tpu.memory_space<hbm>> -> memref<632x128xf32, #tpu.memory_space<hbm>>
      %dma_wait3A_46 = arith.constant 0 : i32
      %dma_wait3A_47 = tpu.memref_slice %arg10[%mul3A_2, %dma_wait3A_46] : memref<10112x128xf32, #tpu.memory_space<vmem_shared>> -> memref<632x128xf32, #tpu.memory_space<vmem_shared>>
      tpu.wait_dma2 semaphore(%run_scoped3A_39 : memref<!tpu.dma_semaphore, #tpu.memory_space<semaphore_mem>>) src(%dma_wait3A_47 : memref<632x128xf32, #tpu.memory_space<vmem_shared>>) dst(%dma_wait3A_45 : memref<632x128xf32, #tpu.memory_space<hbm>>)
      tpu.yield
    }) : () -> ()
    return
  }
}

module attributes {stable_mosaic.version = 14 : i64} {
  func.func @_enc_body(%arg0: i32, %arg1: memref<1000x128xf32, #tpu.memory_space<vmem>>, %arg2: memref<128x128xf32, #tpu.memory_space<vmem>>, %arg3: memref<1000x128xf32, #tpu.memory_space<vmem>>) attributes {dimension_semantics = [#tpu.dimension_semantics<arbitrary>], iteration_bounds = array<i64: 10>, scalar_prefetch = 0 : i64, scratch_operands = 0 : i64, tpu.core_type = #tpu.core_type<tc>, window_params = [{transform_indices = @transform_0, window_bounds = array<i64: 1000, 128>}, {pipeline_mode = #tpu.pipeline_mode<synchronous>, transform_indices = @transform_1, window_bounds = array<i64: 128, 128>}, {transform_indices = @transform_2, window_bounds = array<i64: 1000, 128>}]} {
    %get3A = arith.constant 0 : index
    %get3A_0 = arith.constant 0 : index
    %get3A_1 = vector.load %arg1[%get3A, %get3A_0] : memref<1000x128xf32, #tpu.memory_space<vmem>>, vector<1000x128xf32>
    %get3A_2 = arith.constant 0 : index
    %get3A_3 = arith.constant 0 : index
    %get3A_4 = vector.load %arg2[%get3A_2, %get3A_3] : memref<128x128xf32, #tpu.memory_space<vmem>>, vector<128x128xf32>
    %dot_general3A = arith.constant dense<0.000000e+00> : vector<1000x128xf32>
    %dot_general3A_5 = tpu.matmul %get3A_1, %get3A_4, %dot_general3A {dimension_numbers = #tpu.dot_dimension_numbers<[1], [1], [0], [0], [0, 0, 1, 0], [], []>, transpose_lhs_hint = false} : vector<1000x128xf32>, vector<128x128xf32>, vector<1000x128xf32> -> vector<1000x128xf32>
    %swap3A = arith.constant 0 : index
    %swap3A_6 = arith.constant 0 : index
    %swap3A_7 = vector.load %arg3[%swap3A, %swap3A_6] : memref<1000x128xf32, #tpu.memory_space<vmem>>, vector<1000x128xf32>
    tpu.vector_store %arg3[%swap3A, %swap3A_6], %dot_general3A_5 {strides = array<i32>} : memref<1000x128xf32, #tpu.memory_space<vmem>>, vector<1000x128xf32>,
    return
  }
  func.func @transform_0(%arg0: i32) -> (i32, i32) {
    %c0_i32 = arith.constant 0 : i32
    %c0_i32_0 = arith.constant 0 : i32
    return %arg0, %c0_i32 : i32, i32
  }
  func.func @transform_1(%arg0: i32) -> (i32, i32) {
    %c0_i32 = arith.constant 0 : i32
    %c0_i32_0 = arith.constant 0 : i32
    %c0_i32_1 = arith.constant 0 : i32
    return %c0_i32, %c0_i32_0 : i32, i32
  }
  func.func @transform_2(%arg0: i32) -> (i32, i32) {
    %c0_i32 = arith.constant 0 : i32
    %c0_i32_0 = arith.constant 0 : i32
    return %arg0, %c0_i32 : i32, i32
  }
}

module attributes {stable_mosaic.version = 14 : i64} {
  func.func @_mid_body(%arg0: i32, %arg1: memref<1000x128xf32, #tpu.memory_space<vmem>>, %arg2: memref<1000x128xf32, #tpu.memory_space<vmem>>, %arg3: memref<1000x1xf32, #tpu.memory_space<vmem>>, %arg4: memref<1000x128xf32, #tpu.memory_space<vmem>>, %arg5: memref<128x128xf32, #tpu.memory_space<vmem>>, %arg6: memref<1x128xf32, #tpu.memory_space<vmem>>, %arg7: memref<128x128xf32, #tpu.memory_space<vmem>>, %arg8: memref<128x128xf32, #tpu.memory_space<vmem>>, %arg9: memref<1x128xf32, #tpu.memory_space<vmem>>, %arg10: memref<1000x128xf32, #tpu.memory_space<vmem>>, %arg11: memref<1000x128xf32, #tpu.memory_space<vmem>>) attributes {dimension_semantics = [#tpu.dimension_semantics<arbitrary>], iteration_bounds = array<i64: 10>, scalar_prefetch = 0 : i64, scratch_operands = 0 : i64, tpu.core_type = #tpu.core_type<tc>, window_params = [{transform_indices = @transform_0, window_bounds = array<i64: 1000, 128>}, {transform_indices = @transform_1, window_bounds = array<i64: 1000, 128>}, {transform_indices = @transform_2, window_bounds = array<i64: 1000, 1>}, {transform_indices = @transform_3, window_bounds = array<i64: 1000, 128>}, {pipeline_mode = #tpu.pipeline_mode<synchronous>, transform_indices = @transform_4, window_bounds = array<i64: 128, 128>}, {pipeline_mode = #tpu.pipeline_mode<synchronous>, transform_indices = @transform_5, window_bounds = array<i64: 1, 128>}, {pipeline_mode = #tpu.pipeline_mode<synchronous>, transform_indices = @transform_6, window_bounds = array<i64: 128, 128>}, {pipeline_mode = #tpu.pipeline_mode<synchronous>, transform_indices = @transform_7, window_bounds = array<i64: 128, 128>}, {pipeline_mode = #tpu.pipeline_mode<synchronous>, transform_indices = @transform_8, window_bounds = array<i64: 1, 128>}, {transform_indices = @transform_9, window_bounds = array<i64: 1000, 128>}, {transform_indices = @transform_10, window_bounds = array<i64: 1000, 128>}]} {
    %get3A = arith.constant 0 : index
    %get3A_0 = arith.constant 0 : index
    %get3A_1 = vector.load %arg1[%get3A, %get3A_0] : memref<1000x128xf32, #tpu.memory_space<vmem>>, vector<1000x128xf32>
    %get3A_2 = arith.constant 0 : index
    %get3A_3 = arith.constant 0 : index
    %get3A_4 = vector.load %arg2[%get3A_2, %get3A_3] : memref<1000x128xf32, #tpu.memory_space<vmem>>, vector<1000x128xf32>
    %add3A = arith.addf %get3A_1, %get3A_4 : vector<1000x128xf32>
    %get3A_5 = arith.constant 0 : index
    %get3A_6 = arith.constant 0 : index
    %get3A_7 = vector.load %arg3[%get3A_5, %get3A_6] : memref<1000x1xf32, #tpu.memory_space<vmem>>, vector<1000x1xf32>
    %max3A = arith.constant 1.000000e+00 : f32
    %max3A_8 = vector.broadcast %max3A : f32 to vector<1000x1xf32>
    %max3A_9 = arith.maximumf %get3A_7, %max3A_8 : vector<1000x1xf32>
    %div3A = arith.constant 1.000000e+00 : f32
    %div3A_10 = vector.broadcast %div3A : f32 to vector<1000x1xf32>
    %div3A_11 = arith.divf %div3A_10, %max3A_9 : vector<1000x1xf32>
    %mul3A = vector.broadcast %div3A_11 : vector<1000x1xf32> to vector<1000x128xf32>
    %mul3A_12 = arith.mulf %add3A, %mul3A : vector<1000x128xf32>
    %get3A_13 = arith.constant 0 : index
    %get3A_14 = arith.constant 0 : index
    %get3A_15 = vector.load %arg4[%get3A_13, %get3A_14] : memref<1000x128xf32, #tpu.memory_space<vmem>>, vector<1000x128xf32>
    %get3A_16 = arith.constant 0 : index
    %get3A_17 = arith.constant 0 : index
    %get3A_18 = vector.load %arg5[%get3A_16, %get3A_17] : memref<128x128xf32, #tpu.memory_space<vmem>>, vector<128x128xf32>
    %dot_general3A = arith.constant dense<0.000000e+00> : vector<1000x128xf32>
    %dot_general3A_19 = tpu.matmul %get3A_15, %get3A_18, %dot_general3A {dimension_numbers = #tpu.dot_dimension_numbers<[1], [1], [0], [0], [0, 0, 1, 0], [], []>, transpose_lhs_hint = false} : vector<1000x128xf32>, vector<128x128xf32>, vector<1000x128xf32> -> vector<1000x128xf32>
    %add3A_20 = arith.addf %mul3A_12, %dot_general3A_19 : vector<1000x128xf32>
    %get3A_21 = arith.constant 0 : index
    %get3A_22 = arith.constant 0 : index
    %get3A_23 = vector.load %arg6[%get3A_21, %get3A_22] : memref<1x128xf32, #tpu.memory_space<vmem>>, vector<1x128xf32>
    %add3A_24 = vector.broadcast %get3A_23 : vector<1x128xf32> to vector<1000x128xf32>
    %add3A_25 = arith.addf %add3A_20, %add3A_24 : vector<1000x128xf32>
    %max3A_26 = arith.constant 0.000000e+00 : f32
    %max3A_27 = vector.broadcast %max3A_26 : f32 to vector<1000x128xf32>
    %max3A_28 = arith.maximumf %add3A_25, %max3A_27 : vector<1000x128xf32>
    %get3A_29 = arith.constant 0 : index
    %get3A_30 = arith.constant 0 : index
    %get3A_31 = vector.load %arg7[%get3A_29, %get3A_30] : memref<128x128xf32, #tpu.memory_space<vmem>>, vector<128x128xf32>
    %dot_general3A_32 = arith.constant dense<0.000000e+00> : vector<1000x128xf32>
    %dot_general3A_33 = tpu.matmul %max3A_28, %get3A_31, %dot_general3A_32 {dimension_numbers = #tpu.dot_dimension_numbers<[1], [1], [0], [0], [0, 0, 1, 0], [], []>, transpose_lhs_hint = false} : vector<1000x128xf32>, vector<128x128xf32>, vector<1000x128xf32> -> vector<1000x128xf32>
    %swap3A = arith.constant 0 : index
    %swap3A_34 = arith.constant 0 : index
    %swap3A_35 = vector.load %arg10[%swap3A, %swap3A_34] : memref<1000x128xf32, #tpu.memory_space<vmem>>, vector<1000x128xf32>
    tpu.vector_store %arg10[%swap3A, %swap3A_34], %dot_general3A_33 {strides = array<i32>} : memref<1000x128xf32, #tpu.memory_space<vmem>>, vector<1000x128xf32>,
    %get3A_36 = arith.constant 0 : index
    %get3A_37 = arith.constant 0 : index
    %get3A_38 = vector.load %arg8[%get3A_36, %get3A_37] : memref<128x128xf32, #tpu.memory_space<vmem>>, vector<128x128xf32>
    %dot_general3A_39 = arith.constant dense<0.000000e+00> : vector<1000x128xf32>
    %dot_general3A_40 = tpu.matmul %max3A_28, %get3A_38, %dot_general3A_39 {dimension_numbers = #tpu.dot_dimension_numbers<[1], [1], [0], [0], [0, 0, 1, 0], [], []>, transpose_lhs_hint = false} : vector<1000x128xf32>, vector<128x128xf32>, vector<1000x128xf32> -> vector<1000x128xf32>
    %get3A_41 = arith.constant 0 : index
    %get3A_42 = arith.constant 0 : index
    %get3A_43 = vector.load %arg9[%get3A_41, %get3A_42] : memref<1x128xf32, #tpu.memory_space<vmem>>, vector<1x128xf32>
    %add3A_44 = vector.broadcast %get3A_43 : vector<1x128xf32> to vector<1000x128xf32>
    %add3A_45 = arith.addf %dot_general3A_40, %add3A_44 : vector<1000x128xf32>
    %swap3A_46 = arith.constant 0 : index
    %swap3A_47 = arith.constant 0 : index
    %swap3A_48 = vector.load %arg11[%swap3A_46, %swap3A_47] : memref<1000x128xf32, #tpu.memory_space<vmem>>, vector<1000x128xf32>
    tpu.vector_store %arg11[%swap3A_46, %swap3A_47], %add3A_45 {strides = array<i32>} : memref<1000x128xf32, #tpu.memory_space<vmem>>, vector<1000x128xf32>,
    return
  }
  func.func @transform_0(%arg0: i32) -> (i32, i32) {
    %c0_i32 = arith.constant 0 : i32
    %c0_i32_0 = arith.constant 0 : i32
    return %arg0, %c0_i32 : i32, i32
  }
  func.func @transform_1(%arg0: i32) -> (i32, i32) {
    %c0_i32 = arith.constant 0 : i32
    %c0_i32_0 = arith.constant 0 : i32
    return %arg0, %c0_i32 : i32, i32
  }
  func.func @transform_2(%arg0: i32) -> (i32, i32) {
    %c0_i32 = arith.constant 0 : i32
    %c0_i32_0 = arith.constant 0 : i32
    return %arg0, %c0_i32 : i32, i32
  }
  func.func @transform_3(%arg0: i32) -> (i32, i32) {
    %c0_i32 = arith.constant 0 : i32
    %c0_i32_0 = arith.constant 0 : i32
    return %arg0, %c0_i32 : i32, i32
  }
  func.func @transform_4(%arg0: i32) -> (i32, i32) {
    %c0_i32 = arith.constant 0 : i32
    %c0_i32_0 = arith.constant 0 : i32
    %c0_i32_1 = arith.constant 0 : i32
    return %c0_i32, %c0_i32_0 : i32, i32
  }
  func.func @transform_5(%arg0: i32) -> (i32, i32) {
    %c0_i32 = arith.constant 0 : i32
    %c0_i32_0 = arith.constant 0 : i32
    %c0_i32_1 = arith.constant 0 : i32
    return %c0_i32, %c0_i32_0 : i32, i32
  }
  func.func @transform_6(%arg0: i32) -> (i32, i32) {
    %c0_i32 = arith.constant 0 : i32
    %c0_i32_0 = arith.constant 0 : i32
    %c0_i32_1 = arith.constant 0 : i32
    return %c0_i32, %c0_i32_0 : i32, i32
  }
  func.func @transform_7(%arg0: i32) -> (i32, i32) {
    %c0_i32 = arith.constant 0 : i32
    %c0_i32_0 = arith.constant 0 : i32
    %c0_i32_1 = arith.constant 0 : i32
    return %c0_i32, %c0_i32_0 : i32, i32
  }
  func.func @transform_8(%arg0: i32) -> (i32, i32) {
    %c0_i32 = arith.constant 0 : i32
    %c0_i32_0 = arith.constant 0 : i32
    %c0_i32_1 = arith.constant 0 : i32
    return %c0_i32, %c0_i32_0 : i32, i32
  }
  func.func @transform_9(%arg0: i32) -> (i32, i32) {
    %c0_i32 = arith.constant 0 : i32
    %c0_i32_0 = arith.constant 0 : i32
    return %arg0, %c0_i32 : i32, i32
  }
  func.func @transform_10(%arg0: i32) -> (i32, i32) {
    %c0_i32 = arith.constant 0 : i32
    %c0_i32_0 = arith.constant 0 : i32
    return %arg0, %c0_i32 : i32, i32
  }
}

module attributes {stable_mosaic.version = 14 : i64} {
  func.func @_dec_prep_body(%arg0: i32, %arg1: memref<1000x128xf32, #tpu.memory_space<vmem>>, %arg2: memref<1000x128xf32, #tpu.memory_space<vmem>>, %arg3: memref<1000x1xf32, #tpu.memory_space<vmem>>, %arg4: memref<1000x128xf32, #tpu.memory_space<vmem>>, %arg5: memref<128x128xf32, #tpu.memory_space<vmem>>, %arg6: memref<128x128xf32, #tpu.memory_space<vmem>>, %arg7: memref<1x128xf32, #tpu.memory_space<vmem>>, %arg8: memref<1000x128xf32, #tpu.memory_space<vmem>>, %arg9: memref<1000x128xf32, #tpu.memory_space<vmem>>) attributes {dimension_semantics = [#tpu.dimension_semantics<arbitrary>], iteration_bounds = array<i64: 10>, scalar_prefetch = 0 : i64, scratch_operands = 0 : i64, tpu.core_type = #tpu.core_type<tc>, window_params = [{transform_indices = @transform_0, window_bounds = array<i64: 1000, 128>}, {transform_indices = @transform_1, window_bounds = array<i64: 1000, 128>}, {transform_indices = @transform_2, window_bounds = array<i64: 1000, 1>}, {transform_indices = @transform_3, window_bounds = array<i64: 1000, 128>}, {pipeline_mode = #tpu.pipeline_mode<synchronous>, transform_indices = @transform_4, window_bounds = array<i64: 128, 128>}, {pipeline_mode = #tpu.pipeline_mode<synchronous>, transform_indices = @transform_5, window_bounds = array<i64: 128, 128>}, {pipeline_mode = #tpu.pipeline_mode<synchronous>, transform_indices = @transform_6, window_bounds = array<i64: 1, 128>}, {transform_indices = @transform_7, window_bounds = array<i64: 1000, 128>}, {transform_indices = @transform_8, window_bounds = array<i64: 1000, 128>}]} {
    %get3A = arith.constant 0 : index
    %get3A_0 = arith.constant 0 : index
    %get3A_1 = vector.load %arg3[%get3A, %get3A_0] : memref<1000x1xf32, #tpu.memory_space<vmem>>, vector<1000x1xf32>
    %max3A = arith.constant 1.000000e+00 : f32
    %max3A_2 = vector.broadcast %max3A : f32 to vector<1000x1xf32>
    %max3A_3 = arith.maximumf %get3A_1, %max3A_2 : vector<1000x1xf32>
    %div3A = arith.constant 1.000000e+00 : f32
    %div3A_4 = vector.broadcast %div3A : f32 to vector<1000x1xf32>
    %div3A_5 = arith.divf %div3A_4, %max3A_3 : vector<1000x1xf32>
    %get3A_6 = arith.constant 0 : index
    %get3A_7 = arith.constant 0 : index
    %get3A_8 = vector.load %arg1[%get3A_6, %get3A_7] : memref<1000x128xf32, #tpu.memory_space<vmem>>, vector<1000x128xf32>
    %get3A_9 = arith.constant 0 : index
    %get3A_10 = arith.constant 0 : index
    %get3A_11 = vector.load %arg2[%get3A_9, %get3A_10] : memref<1000x128xf32, #tpu.memory_space<vmem>>, vector<1000x128xf32>
    %add3A = arith.addf %get3A_8, %get3A_11 : vector<1000x128xf32>
    %mul3A = vector.broadcast %div3A_5 : vector<1000x1xf32> to vector<1000x128xf32>
    %mul3A_12 = arith.mulf %add3A, %mul3A : vector<1000x128xf32>
    %get3A_13 = arith.constant 0 : index
    %get3A_14 = arith.constant 0 : index
    %get3A_15 = vector.load %arg4[%get3A_13, %get3A_14] : memref<1000x128xf32, #tpu.memory_space<vmem>>, vector<1000x128xf32>
    %add3A_16 = arith.addf %mul3A_12, %get3A_15 : vector<1000x128xf32>
    %get3A_17 = arith.constant 0 : index
    %get3A_18 = arith.constant 0 : index
    %get3A_19 = vector.load %arg5[%get3A_17, %get3A_18] : memref<128x128xf32, #tpu.memory_space<vmem>>, vector<128x128xf32>
    %dot_general3A = arith.constant dense<0.000000e+00> : vector<1000x128xf32>
    %dot_general3A_20 = tpu.matmul %add3A_16, %get3A_19, %dot_general3A {dimension_numbers = #tpu.dot_dimension_numbers<[1], [1], [0], [0], [0, 0, 1, 0], [], []>, transpose_lhs_hint = false} : vector<1000x128xf32>, vector<128x128xf32>, vector<1000x128xf32> -> vector<1000x128xf32>
    %get3A_21 = arith.constant 0 : index
    %get3A_22 = arith.constant 0 : index
    %get3A_23 = vector.load %arg7[%get3A_21, %get3A_22] : memref<1x128xf32, #tpu.memory_space<vmem>>, vector<1x128xf32>
    %add3A_24 = vector.broadcast %get3A_23 : vector<1x128xf32> to vector<1000x128xf32>
    %add3A_25 = arith.addf %dot_general3A_20, %add3A_24 : vector<1000x128xf32>
    %swap3A = arith.constant 0 : index
    %swap3A_26 = arith.constant 0 : index
    %swap3A_27 = vector.load %arg8[%swap3A, %swap3A_26] : memref<1000x128xf32, #tpu.memory_space<vmem>>, vector<1000x128xf32>
    tpu.vector_store %arg8[%swap3A, %swap3A_26], %add3A_25 {strides = array<i32>} : memref<1000x128xf32, #tpu.memory_space<vmem>>, vector<1000x128xf32>,
    %get3A_28 = arith.constant 0 : index
    %get3A_29 = arith.constant 0 : index
    %get3A_30 = vector.load %arg6[%get3A_28, %get3A_29] : memref<128x128xf32, #tpu.memory_space<vmem>>, vector<128x128xf32>
    %dot_general3A_31 = arith.constant dense<0.000000e+00> : vector<1000x128xf32>
    %dot_general3A_32 = tpu.matmul %add3A_16, %get3A_30, %dot_general3A_31 {dimension_numbers = #tpu.dot_dimension_numbers<[1], [1], [0], [0], [0, 0, 1, 0], [], []>, transpose_lhs_hint = false} : vector<1000x128xf32>, vector<128x128xf32>, vector<1000x128xf32> -> vector<1000x128xf32>
    %swap3A_33 = arith.constant 0 : index
    %swap3A_34 = arith.constant 0 : index
    %swap3A_35 = vector.load %arg9[%swap3A_33, %swap3A_34] : memref<1000x128xf32, #tpu.memory_space<vmem>>, vector<1000x128xf32>
    tpu.vector_store %arg9[%swap3A_33, %swap3A_34], %dot_general3A_32 {strides = array<i32>} : memref<1000x128xf32, #tpu.memory_space<vmem>>, vector<1000x128xf32>,
    return
  }
  func.func @transform_0(%arg0: i32) -> (i32, i32) {
    %c0_i32 = arith.constant 0 : i32
    %c0_i32_0 = arith.constant 0 : i32
    return %arg0, %c0_i32 : i32, i32
  }
  func.func @transform_1(%arg0: i32) -> (i32, i32) {
    %c0_i32 = arith.constant 0 : i32
    %c0_i32_0 = arith.constant 0 : i32
    return %arg0, %c0_i32 : i32, i32
  }
  func.func @transform_2(%arg0: i32) -> (i32, i32) {
    %c0_i32 = arith.constant 0 : i32
    %c0_i32_0 = arith.constant 0 : i32
    return %arg0, %c0_i32 : i32, i32
  }
  func.func @transform_3(%arg0: i32) -> (i32, i32) {
    %c0_i32 = arith.constant 0 : i32
    %c0_i32_0 = arith.constant 0 : i32
    return %arg0, %c0_i32 : i32, i32
  }
  func.func @transform_4(%arg0: i32) -> (i32, i32) {
    %c0_i32 = arith.constant 0 : i32
    %c0_i32_0 = arith.constant 0 : i32
    %c0_i32_1 = arith.constant 0 : i32
    return %c0_i32, %c0_i32_0 : i32, i32
  }
  func.func @transform_5(%arg0: i32) -> (i32, i32) {
    %c0_i32 = arith.constant 0 : i32
    %c0_i32_0 = arith.constant 0 : i32
    %c0_i32_1 = arith.constant 0 : i32
    return %c0_i32, %c0_i32_0 : i32, i32
  }
  func.func @transform_6(%arg0: i32) -> (i32, i32) {
    %c0_i32 = arith.constant 0 : i32
    %c0_i32_0 = arith.constant 0 : i32
    %c0_i32_1 = arith.constant 0 : i32
    return %c0_i32, %c0_i32_0 : i32, i32
  }
  func.func @transform_7(%arg0: i32) -> (i32, i32) {
    %c0_i32 = arith.constant 0 : i32
    %c0_i32_0 = arith.constant 0 : i32
    return %arg0, %c0_i32 : i32, i32
  }
  func.func @transform_8(%arg0: i32) -> (i32, i32) {
    %c0_i32 = arith.constant 0 : i32
    %c0_i32_0 = arith.constant 0 : i32
    return %arg0, %c0_i32 : i32, i32
  }
}

module attributes {stable_mosaic.version = 14 : i64} {
  func.func @_fin_body(%arg0: i32, %arg1: memref<1024x16xf32, #tpu.memory_space<vmem>>, %arg2: memref<1x128xf32, #tpu.memory_space<vmem>>, %arg3: memref<8x128xf32, #tpu.memory_space<vmem>>) attributes {dimension_semantics = [#tpu.dimension_semantics<arbitrary>], iteration_bounds = array<i64: 200>, scalar_prefetch = 0 : i64, scratch_operands = 0 : i64, tpu.core_type = #tpu.core_type<tc>, window_params = [{transform_indices = @transform_0, window_bounds = array<i64: 1024, 16>}, {pipeline_mode = #tpu.pipeline_mode<synchronous>, transform_indices = @transform_1, window_bounds = array<i64: 1, 128>}, {transform_indices = @transform_2, window_bounds = array<i64: 8, 128>}]} {
    %get3A = arith.constant 0 : index
    %get3A_0 = arith.constant 0 : index
    %get3A_1 = vector.load %arg1[%get3A, %get3A_0] : memref<1024x16xf32, #tpu.memory_space<vmem>>, vector<1024x16xf32>
    %reduce_sum3A = arith.constant dense<0.000000e+00> : vector<1024xf32>
    %reduce_sum3A_2 = vector.multi_reduction <add>, %get3A_1, %reduce_sum3A [1] : vector<1024x16xf32> to vector<1024xf32>
    %reshape3A = vector.shape_cast %reduce_sum3A_2 : vector<1024xf32> to vector<8x128xf32>
    %get3A_3 = arith.constant 0 : index
    %get3A_4 = arith.constant 0 : index
    %get3A_5 = vector.load %arg2[%get3A_3, %get3A_4] : memref<1x128xf32, #tpu.memory_space<vmem>>, vector<1x128xf32>
    %add3A = vector.broadcast %get3A_5 : vector<1x128xf32> to vector<8x128xf32>
    %add3A_6 = arith.addf %reshape3A, %add3A : vector<8x128xf32>
    %swap3A = arith.constant 0 : index
    %swap3A_7 = arith.constant 0 : index
    %swap3A_8 = vector.load %arg3[%swap3A, %swap3A_7] : memref<8x128xf32, #tpu.memory_space<vmem>>, vector<8x128xf32>
    tpu.vector_store %arg3[%swap3A, %swap3A_7], %add3A_6 {strides = array<i32>} : memref<8x128xf32, #tpu.memory_space<vmem>>, vector<8x128xf32>,
    return
  }
  func.func @transform_0(%arg0: i32) -> (i32, i32) {
    %c0_i32 = arith.constant 0 : i32
    %c0_i32_0 = arith.constant 0 : i32
    return %arg0, %c0_i32 : i32, i32
  }
  func.func @transform_1(%arg0: i32) -> (i32, i32) {
    %c0_i32 = arith.constant 0 : i32
    %c0_i32_0 = arith.constant 0 : i32
    %c0_i32_1 = arith.constant 0 : i32
    return %c0_i32, %c0_i32_0 : i32, i32
  }
  func.func @transform_2(%arg0: i32) -> (i32, i32) {
    %c0_i32 = arith.constant 0 : i32
    %c0_i32_0 = arith.constant 0 : i32
    return %arg0, %c0_i32 : i32, i32
  }
}

</mosaic_0001>

<sc_bundles>
// kernel: kernel.10.cloned.1.call-start
scs
__scs_entry_jumppad:
0x0: {  	(pc) =	sbr.rel $0x88, $3  }
0x1: {  	(tag) =	ssettag $0x0;
	lr =	simm.s32 $0x1  }
0x2: {  	[smem:$0x3F94] =	sst lr;
	_ =	strace $0xD0000000  }
0x3: {  	_ = 	snop  }
0x4: {  	_ = 	snop  }
0x5: {  	_ = 	snop  }
0x6: {  	_ = 	snop  }
0x7: {  	_ = 	snop  }
__scs_overlays_trampoline_lowered:
0x8: {  	[smem:$0x3FA3] =	sst s0  }
0x9: {  	[smem:$0x3FA4] =	sst s1  }
0xa: {  	[smem:$0x3FA5] =	sst s2  }
0xb: {  	[smem:$0x3FA6] =	sst s3  }
0xc: {  	[smem:$0x3FA7] =	sst s4  }
0xd: {  	[smem:$0x3FA8] =	sst s5  }
0xe: {  	[smem:$0x3FA9] =	sst s6  }
0xf: {  	[smem:$0x3FAA] =	sst s7  }
0x10: {  	[smem:$0x3FAB] =	sst s8  }
0x11: {  	[smem:$0x3FAC] =	sst s9;
	s0 =	simm.s32 @!p0 $0x0  }
0x12: {  	s1 =	sld [smem:$0x3F92];
	s0 =	simm.s32 @p0 $0x1  }
0x13: {  	[smem:$0x3FAD] =	sst s0;
	s0 =	simm.s32 @!p1 $0x0  }
0x14: {  	s2 =	sld [smem:$0x3F91];
	s0 =	simm.s32 @p1 $0x1  }
0x15: {  	[smem:$0x3FAE] =	sst s0;
	s0 =	simm.s32 @!p2 $0x0  }
0x16: {  	s3 =	sld [smem:$0x3FDB];
	s0 =	simm.s32 @p2 $0x1  }
0x17: {  	s4 =	simm.s32 $0x1BF5;
	[smem:$0x3FB0] =	sst s0  }
0x18: {  	s0 =	sld [smem:$0x3F93];
	_ =	swait.ge [sflag:s4], $0x0  }
0x19: {  	s7 =	sld [smem:$0x3F94]  }
0x1a: {  	s8 =	sadd.s32 $0xFFFFE003, lr  }
0x1b: {  	s9 =	sadd.s32 $0xFFFFFEF7, lr;
	s5 =	simm.s32 $0xFFFFFFFF;
	p2 =	slt.u32 s8, $0xFFFFF086  }
0x1c: {  	p1 =	slt.u32 s9, $0xF7A;
	s5 =	simm.s32 @!p2 $0x0  }
0x1d: {  	s5 =	simm.s32 @p1 $0x1;
	p0 =	seq.s32 s7, s2  }
0x1e: {  	s7 =	smul.u32 @!p0 $0xF7A, s2;
	p2 =	seq.s32 @!p0 s5, $0x0  }
0x1f: {  	s9 =	smul.u32 $0xF7A, s1;
	s8 =	simm.s32 @!p0 $0x1BF5;
	p2 =	por !p2, p0  }
0x20: {  	[sflag:s8] =	ssyncset.s32 @!p0 $0xFFFFF086;
	s6 =	sadd.s32 @!p0 s3, s7;
	s7 =	simm.s32 @!p0 $0x108  }
0x21: {  	s3 =	sadd.s32 s3, s9;
	s6 =	sadd.s32 @!p0 $0x88, s6;
	s7 =	simm.s32 @p2 $0x1082  }
0x22: {  	[simem:s7], [sflag:s8] =	dma.local @!p0 [hbm:s6], $0xF7A  }
0x23: {  	s9 =	sor.u32 $0xD0000000, s2;
	s6 =	simm.s32 $0x108;
	_ =	swait.ge @!p0 [sflag:s8], $0x0  }
0x24: {  	s3 =	sadd.s32 $0x88, s3;
	s6 =	simm.s32 @!p1 $0x1082;
	[sflag:s4] =	ssyncset.s32 $0xFFFFF086  }
0x25: {  	[simem:s6], [sflag:s4] =	dma.local [hbm:s3], $0xF7A  }
0x26: {  	[smem:$0x3F94] =	sst s1;
	(tag) =	ssettag s2;
	_ =	strace s9  }
0x27: {  	s1 =	sld [smem:$0x3FA4]  }
0x28: {  	s2 =	sld [smem:$0x3FA5]  }
0x29: {  	s4 =	sld [smem:$0x3FA7]  }
0x2a: {  	p0 =	seq.s32 s5, $0x0;
	s5 =	sld [smem:$0x3FA8]  }
0x2b: {  	s6 =	sld [smem:$0x3FA9]  }
0x2c: {  	s7 =	sld [smem:$0x3FAA]  }
0x2d: {  	s3 =	simm.s32 $0x108;
	s8 =	sld [smem:$0x3FAB]  }
0x2e: {  	s3 =	simm.s32 @!p0 $0x1082;
	s9 =	sld [smem:$0x3FAC]  }
0x2f: {  	lr =	sadd.s32 s0, s3;
	s0 =	sld [smem:$0x3FA3]  }
0x30: {  	s3 =	sld [smem:$0x3FA6]  }
0x31: {  	[smem:$0x3FAF] =	sst s10  }
0x32: {  	s10 =	sld [smem:$0x3FAD];
	_ =	sdelay $0x3  }
0x33: {  	p0 =	seq.s32 s10, $0x1;
	s10 =	sld [smem:$0x3FAF];
	_ =	sdelay $0x3  }
0x34: {  	[smem:$0x3FAF] =	sst s10  }
0x35: {  	s10 =	sld [smem:$0x3FAE];
	_ =	sdelay $0x3  }
0x36: {  	p1 =	seq.s32 s10, $0x1;
	s10 =	sld [smem:$0x3FAF];
	_ =	sdelay $0x3  }
0x37: {  	[smem:$0x3FAF] =	sst s10  }
0x38: {  	s10 =	sld [smem:$0x3FB0]  }
0x39: {  	_ = 	snop;
	(pc) =	sbr.ind lr, $3  }
0x3a: {  	_ = 	snop  }
0x3b: {  	_ = 	snop  }
0x3c: {  	p2 =	seq.s32 s10, $0x1;
	s10 =	sld [smem:$0x3FAF]  }
0x3d: {  	_ =	shalt  }
0x3e: {  	_ =	shalt  }
0x3f: {  	_ =	shalt  }
0x40: {  	_ =	shalt  }
0x41: {  	_ =	shalt  }
0x42: {  	_ =	shalt  }
0x43: {  	_ =	shalt  }
0x44: {  	_ =	shalt  }
0x45: {  	_ =	shalt  }
0x46: {  	_ =	shalt  }
0x47: {  	_ =	shalt  }
0x48: {  	_ =	shalt  }
0x49: {  	_ =	shalt  }
0x4a: {  	_ =	shalt  }
0x4b: {  	_ =	shalt  }
0x4c: {  	_ =	shalt  }
0x4d: {  	_ =	shalt  }
0x4e: {  	_ =	shalt  }
0x4f: {  	_ =	shalt  }
0x50: {  	_ =	shalt  }
0x51: {  	_ =	shalt  }
0x52: {  	_ =	shalt  }
0x53: {  	_ =	shalt  }
0x54: {  	_ =	shalt  }
0x55: {  	_ =	shalt  }
0x56: {  	_ =	shalt  }
0x57: {  	_ =	shalt  }
0x58: {  	_ =	shalt  }
0x59: {  	_ =	shalt  }
0x5a: {  	_ =	shalt  }
0x5b: {  	_ =	shalt  }
0x5c: {  	_ =	shalt  }
0x5d: {  	_ =	shalt  }
0x5e: {  	_ =	shalt  }
0x5f: {  	_ =	shalt  }
0x60: {  	_ =	shalt  }
0x61: {  	_ =	shalt  }
0x62: {  	_ =	shalt  }
0x63: {  	_ =	shalt  }
0x64: {  	_ =	shalt  }
0x65: {  	_ =	shalt  }
0x66: {  	_ =	shalt  }
0x67: {  	_ =	shalt  }
0x68: {  	_ =	shalt  }
0x69: {  	_ =	shalt  }
0x6a: {  	_ =	shalt  }
0x6b: {  	_ =	shalt  }
0x6c: {  	_ =	shalt  }
0x6d: {  	_ =	shalt  }
0x6e: {  	_ =	shalt  }
0x6f: {  	_ =	shalt  }
0x70: {  	_ =	shalt  }
0x71: {  	_ =	shalt  }
0x72: {  	_ =	shalt  }
0x73: {  	_ =	shalt  }
0x74: {  	_ =	shalt  }
0x75: {  	_ =	shalt  }
0x76: {  	_ =	shalt  }
0x77: {  	_ =	shalt  }
0x78: {  	_ =	shalt  }
0x79: {  	_ =	shalt  }
0x7a: {  	_ =	shalt  }
0x7b: {  	_ =	shalt  }
0x7c: {  	_ =	shalt  }
0x7d: {  	_ =	shalt  }
0x7e: {  	_ =	shalt  }
0x7f: {  	_ =	shalt  }
0x80: {  	_ =	shalt  }
0x81: {  	_ =	shalt  }
0x82: {  	_ =	shalt  }
0x83: {  	_ =	shalt  }
0x84: {  	_ =	shalt  }
0x85: {  	_ =	shalt  }
0x86: {  	_ =	shalt  }
0x87: {  	_ =	shalt  }
.Lfunc_end0:
.L_simem_size_0:
called_computation_lowered:
.L_overlay_start_0:
0x88: {  	s2 =	sld [smem:$0x3FD9]  }
0x89: {  	s3 =	sld [smem:$0x3FFE];
	_ =	sdelay $0x1  }
0x8a: {  	s1 =	srdreg.scid  }
0x8b: {  	s0 =	sand.u32 $0x1, s1  }
0x8c: {  	s17 =	sshll.u32 s0, $0xA;
	s2 =	sadd.s32 s3, s2  }
0x8d: {  	s2 =	sadd.s32 s2, s17  }
0x8e: {  	[smem:$0x3FBB] =	sst s2  }
0x8f: {  	_ = 	snop  }
0x90: {  	s2 =	sld [smem:$0x3FD0];
	(tm) =	ssettm $0x1  }
0x91: {  	s18 =	sld [smem:$0x3FFB];
	_ =	sdelay $0x3  }
0x92: {  	_ =	strace s18  }
0x93: {  	s3 =	sld [smem:$0x3FFC];
	_ =	sdelay $0x3  }
0x94: {  	_ =	strace s3  }
0x95: {  	s3 =	sld [smem:$0x3FFD];
	_ =	sdelay $0x3  }
0x96: {  	_ =	strace s3  }
0x97: {  	_ =	strace $0x8FFFFFFF  }
0x98: {  	s19 =	sld [smem:$0x3FDB];
	_ =	sdelay $0x1  }
0x99: {  	s4 =	simm.s32 $_scs_section_size  }
0x9a: {  	s5 =	simm.s32 $_size__tile_overlayer_lowered;
	s6 =	simm.s32 $_tile_overlayer_lowered  }
0x9b: {  	s22 =	simm.s32 $0x1BFF;
	s21 =	sshll.u32 s6, $0x1;
	s3 =	sadd.s32 s4, s19  }
0x9c: {  	s7 =	simm.s32 $0x0;
	s20 =	sshll.u32 s5, $0x1;
	s5 =	sadd.s32 s21, s3  }
0x9d: {  	[timem:s7], [sflag:s22] =	dma.local [hbm:s5], s20  }
0x9e: {  	_ =	swait.ge [sflag:s22], s20  }
0x9f: {  	s4 =	ssub.s32 $0x0, s20;
	[sflag:s22] =	ssyncset.done $0x0  }
0xa0: {  	[sflag:s22] =	ssyncadd.s32 s4;
	_ =	sdelay $0x1  }
0xa1: {  	s23 =	simm.s32 $0x1B8B  }
0xa2: {  	_ =	swait.ge [sflag:s23], $0x1  }
0xa3: {  	[sflag:s23] =	ssyncset.done $0x0  }
0xa4: {  	s25 =	simm.s32 $0x1B8E;
	s24 =	sld [smem:$0x3FFE];
	[sflag:s23] =	ssyncadd.s32 $0xFFFFFFFF  }
0xa5: {  	s26 =	simm.s32 $execute0_lowered;
	[smem:$0x3FD2] =	sst s25  }
0xa6: {  	s5 =	sshll.u32 s26, $0x1;
	_ =	strace $0x80000046;
	[dreg:$0x1] =	wrdreg $0xFFFFFFFF  }
0xa7: {  	s28 =	simm.s32 $_size_execute0_lowered;
	s3 =	sadd.s32 s3, s5;
	[dreg:$0x0] =	wrdreg $0x0  }
0xa8: {  	s5 =	sshll.u32 s28, $0x1;
	[dreg:$0x2] =	wrdreg s3  }
0xa9: {  	[dreg:$0x3] =	wrdreg s5  }
0xaa: {  	[dreg:$0x4] =	wrdreg $0xC0  }
0xab: {  	_ =	task [dreg:s7], $0x5FFFF  }
0xac: {  	[dreg:$0x1] =	wrdreg $0xFFFFFFFF  }
0xad: {  	[dreg:$0x0] =	wrdreg $0x60  }
0xae: {  	[dreg:$0x2] =	wrdreg s24  }
0xaf: {  	[dreg:$0x3] =	wrdreg s2  }
0xb0: {  	[dreg:$0x4] =	wrdreg $0x40800  }
0xb1: {  	[dreg:$0x5] =	wrdreg $0x9  }
0xb2: {  	_ =	task.clear_ibuf [dreg:s7], $0x6FFFF;
	_ =	strace $0x90000046  }
0xb3: {  	s29 =	simm.s32 $0x9;
	_ =	strace $0x80000048  }
0xb4: {  	_ =	swait.ge [sflag:s29], $0x1  }
0xb5: {  	[sflag:s29] =	ssyncadd.s32 $0xFFFFFFFF  }
0xb6: {  	_ =	strace $0x90000048  }
0xb7: {  	_ =	sfence  }
0xb8: {  	s30 =	sld [smem:$0x0];
	_ =	sdelay $0x2  }
0xb9: {  	s31 =	sshll.u32 s1, $0xD;
	s1 =	sshrl.u32 s1, $0x2  }
0xba: {  	s3 =	sand.u32 $0x4000, s31;
	s1 =	sadd.s32 s1, s30  }
0xbb: {  	s0 =	sor.u32 s3, s0;
	s1 =	sshll.u32 s1, $0x11  }
0xbc: {  	s0 =	sor.u32 s1, s0  }
0xbd: {  	s0 =	sadd.s32 $0x8F2B, s0  }
0xbe: {  	[sflag:s0] =	ssyncadd.remote.s32 $0x1  }
0xbf: {  	_ =	sfence.sel $0xFFFF  }
0xc0: {  	[dreg:$0x0] =	wrdreg $0xFFFFFFFF;
	(pc) =	sbr.abs _section_cstart, $3  }
0xc1: {  	[dreg:$0x1] =	wrdreg $0xFFFFFFFF  }
0xc2: {  	_ =	task.clear_ibuf [dreg:s7], $0x2FFFF;
	_ =	strace $0x9FFFFFFF  }
0xc3: {  	(tm) =	ssettm $0x7FFFFFFF  }
tec
execute0_lowered:
.L_overlay_start_1:
0x0: {  	(tag) =	ssettag $0x1  }
0x1: {  	s5 =	rddreg [dreg:$0x0]  }
0x2: {  	s2 =	rddreg [dreg:$0x1]  }
0x3: {  	s3 =	rddreg [dreg:$0x2];
	s1 =	stileid.u32  }
0x4: {  	s0 =	rddreg [dreg:$0x3];
	s6 =	smul.u32 $0xA00, s1  }
0x5: {  	s7 =	srdreg.scid;
	s8 =	smul.u32 $0x2780, s1  }
0x6: {  	s4 =	simm.s32 $0x0;
	s7 =	sand.u32 $0x1, s7;
	s11 =	smul.u32 $0x4F000, s1  }
0x7: {  	[smem:$0x7FF] =	sst s4;
	s31 =	sshll.u32 s1, $0x6;
	s9 =	smul.u32 $0x27800, s7  }
0x8: {  	_ =	strace $0x80000047;
	s26 =	ssub.s32 $0x2, s7;
	s30 =	smul.u32 $0x500, s7  }
0x9: {  	s10 =	sadd.s32 s6, s5;
	s28 =	sshrl.u32 s26, $0x1;
	s29 =	sshrl.u32 s11, $0x2  }
0xa: {  	s6 =	sor.u32 $0x1C01, s31;
	s11 =	simm.s32 $0x1;
	s25 =	sadd.s32 s8, s9  }
0xb: {  	s8 =	sadd.s32 s8, s5;
	s9 =	ssub.s32 s26, s28;
	s13 =	sadd.s32 s29, s3  }
0xc: {  	s10 =	sadd.s32 s30, s10;
	s12 =	sadd.s32 s25, s5;
	s5 =	sadd.s32 $0xCE00, s8  }
0xd: {  	s8 =	smax.u32 s9, $0x1;
	s9 =	sadd.s32 $0x2E00, s10;
	s10 =	sshrl.u32 s13, $0x3  }
0xe: {  	s13 =	simm.s32 $0x0;
	s7 =	sadd.s32 $0x34600, s12;
	s12 =	simm.s32 $0x80  }
.LBB2_1:
0xf: {  	[spmem:s10], [sflag:s6] =	dma.local [hbm:s5], $0x2780  }
0x10: {  	_ =	swait.ge [sflag:s11], $0x2780  }
0x11: {  	[sflag:s11] =	ssyncset.done $0x0  }
0x12: {  	[sflag:s11] =	ssyncadd.s32 $0xFFFFD880  }
0x13: {  	[tilespmem:s12], [sflag:$0x1] =	stream.linear.gather [hbm4b:s2+s4], $0x4000, $0x38;
	[tilespmem:$0x17C80] =	vst v63  }
0x14: {  	_ =	swait.ge [sflag:s11], $0x4000  }
0x15: {  	[sflag:s11] =	ssyncset.done $0x0  }
0x16: {  	[sflag:s11] =	ssyncadd.s32 $0xFFFFC000  }
0x17: {  	s14 =	sadd.s32 $0x0, s9;
	[bflag:$0x0] =	sbarrier.arrive $0xFFFF  }
0x18: {  	[tilespmem:s4], [sflag:$0x1] =	stream.linear.gather [hbm4b:s14+s4], $0x80, $0x38;
	[tilespmem:$0x17C80] =	vst v63  }
0x19: {  	_ =	swait.ge [sflag:s11], $0x80  }
0x1a: {  	[sflag:s11] =	ssyncset.done $0x0  }
0x1b: {  	[sflag:s11] =	ssyncadd.s32 $0xFFFFFF80  }
0x1c: {  	[spmem:s3] =	stream.indirect.scatter.add.f32 [tilespmem:s12], [sflag:$0x1], $0x80, s4, s12, $0xb8;
	[tilespmem:$0x17C80] =	vst v63  }
0x1d: {  	_ =	swait.ge [sflag:s11], $0x4000  }
0x1e: {  	s15 =	simm.s32 $0x20;
	s14 =	simm.s32 $0x10;
	[sflag:s11] =	ssyncset.done $0x0  }
.LBB2_2:
0x1f: {  	s16 =	sadd.s32 s14, s9  }
0x20: {  	[sflag:s11] =	ssyncadd.s32 $0xFFFFC000;
	s14 =	smov.u32 s15;
	s17 =	sadd.s32 $0x10, s15  }
0x21: {  	[tilespmem:s4], [sflag:$0x1] =	stream.linear.gather [hbm4b:s16+s4], $0x80, $0x38;
	[tilespmem:$0x17C80] =	vst v63  }
0x22: {  	p0 =	sne.s32 s15, $0x4F0;
	_ =	swait.ge [sflag:s11], $0x80  }
.Ltmp0:
0x23: {  	[sflag:s11] =	ssyncset.done $0x0;
	(pc) =	sbr.rel @p0 .LBB2_2-.Ltmp0, $4  }
0x24: {  	[sflag:s11] =	ssyncadd.s32 $0xFFFFFF80  }
0x25: {  	[spmem:s3] =	stream.indirect.scatter.add.f32 [tilespmem:s12], [sflag:$0x1], $0x80, s4, s12, $0xb8;
	[tilespmem:$0x17C80] =	vst v63  }
0x26: {  	_ =	swait.ge [sflag:s11], $0x4000  }
0x27: {  	s15 =	smov.u32 s17;
	[sflag:s11] =	ssyncset.done $0x0  }
0x28: {  	s14 =	sadd.s32 s14, s9;
	[sflag:s11] =	ssyncadd.s32 $0xFFFFC000  }
0x29: {  	[tilespmem:s4], [sflag:$0x1] =	stream.linear.gather [hbm4b:s14+s4], $0x80, $0x38;
	[tilespmem:$0x17C80] =	vst v63  }
0x2a: {  	_ =	swait.ge [sflag:s11], $0x80  }
0x2b: {  	[sflag:s11] =	ssyncset.done $0x0  }
0x2c: {  	[sflag:s11] =	ssyncadd.s32 $0xFFFFFF80  }
0x2d: {  	[spmem:s3] =	stream.indirect.scatter.add.f32 [tilespmem:s12], [sflag:$0x1], $0x80, s4, s12, $0xb8;
	[tilespmem:$0x17C80] =	vst v63  }
0x2e: {  	_ =	swait.ge [sflag:s11], $0x4000  }
0x2f: {  	s13 =	sadd.s32 $0x1, s13;
	[sflag:s11] =	ssyncset.done $0x0  }
0x30: {  	p0 =	sne.s32 s13, s8;
	[sflag:s11] =	ssyncadd.s32 $0xFFFFC000  }
.Ltmp1:
0x31: {  	[bflag:$0x0] =	sbarrier.arrive $0xFFFF;
	(pc) =	sbr.rel @p0 .LBB2_1-.Ltmp1, $4  }
0x32: {  	[hbm:s7], [sflag:s6] =	dma.local [spmem:s10], $0x2780  }
0x33: {  	_ =	swait.ge [sflag:s11], $0x2780  }
0x34: {  	[sflag:s11] =	ssyncset.done $0x0  }
0x35: {  	[sflag:s11] =	ssyncadd.s32 $0xFFFFD880  }
0x36: {  	_ =	sfence.sel $0x180000  }
0x37: {  	[bflag:$0x0] =	sbarrier.arrive $0xFFFF  }
0x38: {  	p0 =	sne.s32 s1, $0x0;
	_ =	strace $0x90000047  }
0x39: {  	s0 =	sadd.s32 @!p0 $0x100000, s0;
	[bflag:$0x2] =	sbarrier.arrive $0xFFFF  }
0x3a: {  	[sflag:s0] =	ssyncadd.tile.s32 @!p0 $0x1;
	_ =	shalt  }
.Lfunc_end2:
_tile_overlayer_lowered:
.L_overlay_start_2:
0x3b: {  	(tag) =	ssettag $0x2  }
0x3c: {  	s0 =	rddreg [dreg:$0x0];
	s2 =	stileid.u32  }
0x3d: {  	s1 =	rddreg [dreg:$0x1];
	p0 =	sne.s32 s2, $0x0  }
0x3e: {  	s3 =	rddreg [dreg:$0x2];
	[bflag:$0x3] =	sbarrier.arrive $0xFFFF;
	s2 =	simm.s32 @!p0 $0x1C01  }
0x3f: {  	[timem:s3], [sflag:s2] =	dma.local @!p0 [hbm:s0], s1  }
0x40: {  	s0 =	simm.s32 @!p0 $0x1  }
0x41: {  	_ =	swait.ge @!p0 [sflag:s0], s1  }
0x42: {  	s1 =	ssub.s32 @!p0 $0x0, s1;
	[sflag:s0] =	ssyncset.done @!p0 $0x0  }
0x43: {  	[sflag:s0] =	ssyncadd.s32 @!p0 s1  }
0x44: {  	[bflag:$0x3] =	sbarrier.arrive $0xFFFF  }
0x45: {  	_ =	shalt  }

// kernel: kernel.13.cloned.1.call-start
scs
__scs_entry_jumppad:
0x0: {  	(pc) =	sbr.rel $0x88, $3  }
0x1: {  	(tag) =	ssettag $0x0;
	lr =	simm.s32 $0x1  }
0x2: {  	[smem:$0x3F94] =	sst lr;
	_ =	strace $0xD0000000  }
0x3: {  	_ = 	snop  }
0x4: {  	_ = 	snop  }
0x5: {  	_ = 	snop  }
0x6: {  	_ = 	snop  }
0x7: {  	_ = 	snop  }
__scs_overlays_trampoline_lowered:
0x8: {  	[smem:$0x3FA3] =	sst s0  }
0x9: {  	[smem:$0x3FA4] =	sst s1  }
0xa: {  	[smem:$0x3FA5] =	sst s2  }
0xb: {  	[smem:$0x3FA6] =	sst s3  }
0xc: {  	[smem:$0x3FA7] =	sst s4  }
0xd: {  	[smem:$0x3FA8] =	sst s5  }
0xe: {  	[smem:$0x3FA9] =	sst s6  }
0xf: {  	[smem:$0x3FAA] =	sst s7  }
0x10: {  	[smem:$0x3FAB] =	sst s8  }
0x11: {  	[smem:$0x3FAC] =	sst s9;
	s0 =	simm.s32 @!p0 $0x0  }
0x12: {  	s1 =	sld [smem:$0x3F92];
	s0 =	simm.s32 @p0 $0x1  }
0x13: {  	[smem:$0x3FAD] =	sst s0;
	s0 =	simm.s32 @!p1 $0x0  }
0x14: {  	s2 =	sld [smem:$0x3F91];
	s0 =	simm.s32 @p1 $0x1  }
0x15: {  	[smem:$0x3FAE] =	sst s0;
	s0 =	simm.s32 @!p2 $0x0  }
0x16: {  	s3 =	sld [smem:$0x3FDB];
	s0 =	simm.s32 @p2 $0x1  }
0x17: {  	s4 =	simm.s32 $0x1BF5;
	[smem:$0x3FB0] =	sst s0  }
0x18: {  	s0 =	sld [smem:$0x3F93];
	_ =	swait.ge [sflag:s4], $0x0  }
0x19: {  	s7 =	sld [smem:$0x3F94]  }
0x1a: {  	s8 =	sadd.s32 $0xFFFFE003, lr  }
0x1b: {  	s9 =	sadd.s32 $0xFFFFFEF7, lr;
	s5 =	simm.s32 $0xFFFFFFFF;
	p2 =	slt.u32 s8, $0xFFFFF086  }
0x1c: {  	p1 =	slt.u32 s9, $0xF7A;
	s5 =	simm.s32 @!p2 $0x0  }
0x1d: {  	s5 =	simm.s32 @p1 $0x1;
	p0 =	seq.s32 s7, s2  }
0x1e: {  	s7 =	smul.u32 @!p0 $0xF7A, s2;
	p2 =	seq.s32 @!p0 s5, $0x0  }
0x1f: {  	s9 =	smul.u32 $0xF7A, s1;
	s8 =	simm.s32 @!p0 $0x1BF5;
	p2 =	por !p2, p0  }
0x20: {  	[sflag:s8] =	ssyncset.s32 @!p0 $0xFFFFF086;
	s6 =	sadd.s32 @!p0 s3, s7;
	s7 =	simm.s32 @!p0 $0x108  }
0x21: {  	s3 =	sadd.s32 s3, s9;
	s6 =	sadd.s32 @!p0 $0x88, s6;
	s7 =	simm.s32 @p2 $0x1082  }
0x22: {  	[simem:s7], [sflag:s8] =	dma.local @!p0 [hbm:s6], $0xF7A  }
0x23: {  	s9 =	sor.u32 $0xD0000000, s2;
	s6 =	simm.s32 $0x108;
	_ =	swait.ge @!p0 [sflag:s8], $0x0  }
0x24: {  	s3 =	sadd.s32 $0x88, s3;
	s6 =	simm.s32 @!p1 $0x1082;
	[sflag:s4] =	ssyncset.s32 $0xFFFFF086  }
0x25: {  	[simem:s6], [sflag:s4] =	dma.local [hbm:s3], $0xF7A  }
0x26: {  	[smem:$0x3F94] =	sst s1;
	(tag) =	ssettag s2;
	_ =	strace s9  }
0x27: {  	s1 =	sld [smem:$0x3FA4]  }
0x28: {  	s2 =	sld [smem:$0x3FA5]  }
0x29: {  	s4 =	sld [smem:$0x3FA7]  }
0x2a: {  	p0 =	seq.s32 s5, $0x0;
	s5 =	sld [smem:$0x3FA8]  }
0x2b: {  	s6 =	sld [smem:$0x3FA9]  }
0x2c: {  	s7 =	sld [smem:$0x3FAA]  }
0x2d: {  	s3 =	simm.s32 $0x108;
	s8 =	sld [smem:$0x3FAB]  }
0x2e: {  	s3 =	simm.s32 @!p0 $0x1082;
	s9 =	sld [smem:$0x3FAC]  }
0x2f: {  	lr =	sadd.s32 s0, s3;
	s0 =	sld [smem:$0x3FA3]  }
0x30: {  	s3 =	sld [smem:$0x3FA6]  }
0x31: {  	[smem:$0x3FAF] =	sst s10  }
0x32: {  	s10 =	sld [smem:$0x3FAD];
	_ =	sdelay $0x3  }
0x33: {  	p0 =	seq.s32 s10, $0x1;
	s10 =	sld [smem:$0x3FAF];
	_ =	sdelay $0x3  }
0x34: {  	[smem:$0x3FAF] =	sst s10  }
0x35: {  	s10 =	sld [smem:$0x3FAE];
	_ =	sdelay $0x3  }
0x36: {  	p1 =	seq.s32 s10, $0x1;
	s10 =	sld [smem:$0x3FAF];
	_ =	sdelay $0x3  }
0x37: {  	[smem:$0x3FAF] =	sst s10  }
0x38: {  	s10 =	sld [smem:$0x3FB0]  }
0x39: {  	_ = 	snop;
	(pc) =	sbr.ind lr, $3  }
0x3a: {  	_ = 	snop  }
0x3b: {  	_ = 	snop  }
0x3c: {  	p2 =	seq.s32 s10, $0x1;
	s10 =	sld [smem:$0x3FAF]  }
0x3d: {  	_ =	shalt  }
0x3e: {  	_ =	shalt  }
0x3f: {  	_ =	shalt  }
0x40: {  	_ =	shalt  }
0x41: {  	_ =	shalt  }
0x42: {  	_ =	shalt  }
0x43: {  	_ =	shalt  }
0x44: {  	_ =	shalt  }
0x45: {  	_ =	shalt  }
0x46: {  	_ =	shalt  }
0x47: {  	_ =	shalt  }
0x48: {  	_ =	shalt  }
0x49: {  	_ =	shalt  }
0x4a: {  	_ =	shalt  }
0x4b: {  	_ =	shalt  }
0x4c: {  	_ =	shalt  }
0x4d: {  	_ =	shalt  }
0x4e: {  	_ =	shalt  }
0x4f: {  	_ =	shalt  }
0x50: {  	_ =	shalt  }
0x51: {  	_ =	shalt  }
0x52: {  	_ =	shalt  }
0x53: {  	_ =	shalt  }
0x54: {  	_ =	shalt  }
0x55: {  	_ =	shalt  }
0x56: {  	_ =	shalt  }
0x57: {  	_ =	shalt  }
0x58: {  	_ =	shalt  }
0x59: {  	_ =	shalt  }
0x5a: {  	_ =	shalt  }
0x5b: {  	_ =	shalt  }
0x5c: {  	_ =	shalt  }
0x5d: {  	_ =	shalt  }
0x5e: {  	_ =	shalt  }
0x5f: {  	_ =	shalt  }
0x60: {  	_ =	shalt  }
0x61: {  	_ =	shalt  }
0x62: {  	_ =	shalt  }
0x63: {  	_ =	shalt  }
0x64: {  	_ =	shalt  }
0x65: {  	_ =	shalt  }
0x66: {  	_ =	shalt  }
0x67: {  	_ =	shalt  }
0x68: {  	_ =	shalt  }
0x69: {  	_ =	shalt  }
0x6a: {  	_ =	shalt  }
0x6b: {  	_ =	shalt  }
0x6c: {  	_ =	shalt  }
0x6d: {  	_ =	shalt  }
0x6e: {  	_ =	shalt  }
0x6f: {  	_ =	shalt  }
0x70: {  	_ =	shalt  }
0x71: {  	_ =	shalt  }
0x72: {  	_ =	shalt  }
0x73: {  	_ =	shalt  }
0x74: {  	_ =	shalt  }
0x75: {  	_ =	shalt  }
0x76: {  	_ =	shalt  }
0x77: {  	_ =	shalt  }
0x78: {  	_ =	shalt  }
0x79: {  	_ =	shalt  }
0x7a: {  	_ =	shalt  }
0x7b: {  	_ =	shalt  }
0x7c: {  	_ =	shalt  }
0x7d: {  	_ =	shalt  }
0x7e: {  	_ =	shalt  }
0x7f: {  	_ =	shalt  }
0x80: {  	_ =	shalt  }
0x81: {  	_ =	shalt  }
0x82: {  	_ =	shalt  }
0x83: {  	_ =	shalt  }
0x84: {  	_ =	shalt  }
0x85: {  	_ =	shalt  }
0x86: {  	_ =	shalt  }
0x87: {  	_ =	shalt  }
.Lfunc_end0:
.L_simem_size_0:
called_computation.1_lowered:
.L_overlay_start_0:
0x88: {  	s2 =	sld [smem:$0x3FD9]  }
0x89: {  	s3 =	sld [smem:$0x3FFE];
	_ =	sdelay $0x1  }
0x8a: {  	s1 =	srdreg.scid  }
0x8b: {  	s0 =	sand.u32 $0x1, s1  }
0x8c: {  	s17 =	sshll.u32 s0, $0xA;
	s2 =	sadd.s32 s3, s2  }
0x8d: {  	s2 =	sadd.s32 s2, s17  }
0x8e: {  	[smem:$0x3FBB] =	sst s2  }
0x8f: {  	_ = 	snop  }
0x90: {  	(tm) =	ssettm $0x1  }
0x91: {  	s18 =	sld [smem:$0x3FFB];
	_ =	sdelay $0x3  }
0x92: {  	_ =	strace s18  }
0x93: {  	s2 =	sld [smem:$0x3FFC];
	_ =	sdelay $0x3  }
0x94: {  	_ =	strace s2  }
0x95: {  	s2 =	sld [smem:$0x3FFD];
	_ =	sdelay $0x3  }
0x96: {  	_ =	strace s2  }
0x97: {  	_ =	strace $0x8FFFFFFF  }
0x98: {  	s19 =	sld [smem:$0x3FDB];
	_ =	sdelay $0x1  }
0x99: {  	s20 =	simm.s32 $_scs_section_size  }
0x9a: {  	s4 =	simm.s32 $_size__tile_overlayer_lowered;
	s5 =	simm.s32 $_tile_overlayer_lowered  }
0x9b: {  	s6 =	simm.s32 $0x1BFF;
	s21 =	sshll.u32 s5, $0x1;
	s3 =	sadd.s32 s20, s19  }
0x9c: {  	s22 =	simm.s32 $0x0;
	s4 =	sshll.u32 s4, $0x1;
	s5 =	sadd.s32 s21, s3  }
0x9d: {  	[timem:s22], [sflag:s6] =	dma.local [hbm:s5], s4  }
0x9e: {  	_ =	swait.ge [sflag:s6], s4  }
0x9f: {  	s4 =	ssub.s32 $0x0, s4;
	[sflag:s6] =	ssyncset.done $0x0  }
0xa0: {  	[sflag:s6] =	ssyncadd.s32 s4;
	_ =	sdelay $0x1  }
0xa1: {  	s23 =	simm.s32 $0x1B8B  }
0xa2: {  	_ =	swait.ge [sflag:s23], $0x1  }
0xa3: {  	[sflag:s23] =	ssyncset.done $0x0  }
0xa4: {  	[sflag:s23] =	ssyncadd.s32 $0xFFFFFFFF  }
0xa5: {  	s4 =	sld [smem:$0x0]  }
0xa6: {  	s5 =	sand.u32 $0xFFFFFFFE, s1  }
0xa7: {  	p0 =	sne.s32 s1, s5  }
0xa8: {  	s5 =	sshll.u32 @p0 s5, $0xE  }
0xa9: {  	s5 =	sadd.s32 @p0 $0x11B8D, s5;
	s6 =	sshll.u32 @p0 s4, $0x11  }
0xaa: {  	s5 =	sor.u32 @p0 s6, s5  }
0xab: {  	[sflag:s5] =	ssyncadd.remote.s32 @p0 $0x1;
	_ =	sdelay $0x1  }
0xac: {  	s5 =	simm.s32 @p0 $0x1B8D  }
0xad: {  	_ =	swait.eq @p0 [sflag:s5], $0x1  }
0xae: {  	[sflag:s5] =	ssyncadd.s32 @p0 $0xFFFFFFFF  }
0xaf: {  	s6 =	sshll.u32 @!p0 s1, $0xE  }
0xb0: {  	s6 =	sor.u32 @!p0 $0x4000, s6;
	s5 =	simm.s32 @!p0 $0x1B8D  }
0xb1: {  	s4 =	sshll.u32 @!p0 s4, $0x11;
	s6 =	sadd.s32 @!p0 $0x11B8D, s6;
	_ =	swait.eq @!p0 [sflag:s5], $0x1  }
0xb2: {  	s4 =	sor.u32 @!p0 s4, s6;
	[sflag:s5] =	ssyncadd.s32 @!p0 $0xFFFFFFFF  }
0xb3: {  	s25 =	simm.s32 $0x1B8E;
	s24 =	sld [smem:$0x3FFE];
	[sflag:s4] =	ssyncadd.remote.s32 @!p0 $0x1  }
0xb4: {  	s26 =	simm.s32 $execute0_lowered;
	[smem:$0x3FD2] =	sst s25  }
0xb5: {  	s5 =	sshll.u32 s26, $0x1;
	_ =	strace $0x80000049;
	[dreg:$0x1] =	wrdreg $0xFFFFFFFF  }
0xb6: {  	s28 =	simm.s32 $_size_execute0_lowered;
	s3 =	sadd.s32 s3, s5;
	[dreg:$0x0] =	wrdreg $0x0  }
0xb7: {  	s5 =	sshll.u32 s28, $0x1;
	[dreg:$0x2] =	wrdreg s3  }
0xb8: {  	[dreg:$0x3] =	wrdreg s5  }
0xb9: {  	[dreg:$0x4] =	wrdreg $0xC0  }
0xba: {  	_ =	task [dreg:s22], $0x5FFFF  }
0xbb: {  	[dreg:$0x1] =	wrdreg $0xFFFFFFFF  }
0xbc: {  	[dreg:$0x0] =	wrdreg $0x60  }
0xbd: {  	[dreg:$0x2] =	wrdreg s24  }
0xbe: {  	[dreg:$0x3] =	wrdreg $0x82000  }
0xbf: {  	[dreg:$0x4] =	wrdreg $0xA  }
0xc0: {  	_ =	task.clear_ibuf [dreg:s22], $0x5FFFF;
	_ =	strace $0x90000049  }
0xc1: {  	s29 =	simm.s32 $0xA;
	_ =	strace $0x8000004B  }
0xc2: {  	_ =	swait.ge [sflag:s29], $0x1  }
0xc3: {  	[sflag:s29] =	ssyncadd.s32 $0xFFFFFFFF  }
0xc4: {  	_ =	strace $0x9000004B  }
0xc5: {  	_ =	sfence  }
0xc6: {  	s30 =	sld [smem:$0x0];
	_ =	sdelay $0x2  }
0xc7: {  	s31 =	sshll.u32 s1, $0xD;
	s1 =	sshrl.u32 s1, $0x2  }
0xc8: {  	s4 =	sand.u32 $0x4000, s31;
	s1 =	sadd.s32 s1, s30  }
0xc9: {  	s0 =	sor.u32 s4, s0;
	s1 =	sshll.u32 s1, $0x11  }
0xca: {  	s0 =	sor.u32 s1, s0  }
0xcb: {  	s0 =	sadd.s32 $0x8F2B, s0  }
0xcc: {  	[sflag:s0] =	ssyncadd.remote.s32 $0x1  }
0xcd: {  	_ =	sfence.sel $0xFFFF  }
0xce: {  	[dreg:$0x0] =	wrdreg $0xFFFFFFFF;
	(pc) =	sbr.abs _section_cstart, $3  }
0xcf: {  	[dreg:$0x1] =	wrdreg $0xFFFFFFFF  }
0xd0: {  	_ =	task.clear_ibuf [dreg:s22], $0x2FFFF;
	_ =	strace $0x9FFFFFFF  }
0xd1: {  	(tm) =	ssettm $0x7FFFFFFF  }
tec
execute0_lowered:
.L_overlay_start_1:
0x0: {  	(tag) =	ssettag $0x1  }
0x1: {  	s5 =	rddreg [dreg:$0x0]  }
0x2: {  	s1 =	rddreg [dreg:$0x1]  }
0x3: {  	s3 =	simm.s32 $0x0;
	s2 =	stileid.u32;
	s6 =	srdreg.scid  }
0x4: {  	s21 =	simm.s32 $0x100;
	s28 =	simm.s32 $0x2;
	s29 =	simm.s32 $0x0  }
0x5: {  	[smem:$0x7FF] =	sst s3;
	s4 =	sadd.s32 $0x8D600, s5;
	s7 =	smul.u32 $0x2780, s2  }
0x6: {  	s10 =	sand.u32 $0x1, s6;
	s19 =	sadd.s32 $0x83600, s5;
	s9 =	smul.u32 $0x4F000, s2  }
0x7: {  	s18 =	sadd.s32 $0x2E00, s5;
	s11 =	sshll.u32 s2, $0x1;
	s14 =	smul.u32 $0x5000, s2  }
0x8: {  	s23 =	sshll.u32 s2, $0x6;
	_ =	strace $0x8000004A;
	s6 =	smul.u32 $0x27800, s10  }
0x9: {  	s22 =	ssub.s32 $0x2, s10;
	s11 =	sor.u32 s10, s11;
	s16 =	smul.u32 $0x2800, s10  }
0xa: {  	s8 =	sadd.s32 s7, s5;
	s12 =	sshrl.u32 s22, $0x1;
	s9 =	sshrl.u32 s9, $0x2  }
0xb: {  	s11 =	smul.u32 $0x2800, s11;
	s6 =	sadd.s32 s7, s6;
	s12 =	ssub.s32 s22, s12  }
0xc: {  	s7 =	sor.u32 $0x1C03, s23;
	s26 =	sadd.s32 s16, s14;
	s22 =	simm.s32 $0x80  }
0xd: {  	s23 =	simm.s32 $0x200;
	s13 =	sadd.s32 s6, s5;
	s5 =	sadd.s32 s9, s1  }
0xe: {  	s6 =	sadd.s32 $0xCE00, s8;
	s24 =	sshrl.u32 s11, $0x3;
	s15 =	sor.u32 $0x80, s11  }
0xf: {  	s17 =	sor.u32 $0x100, s11;
	s11 =	smax.u32 s12, $0x1;
	s31 =	sor.u32 $0x200, s26  }
0x10: {  	s20 =	sor.u32 $0x180, s26;
	s26 =	simm.s32 $0x4200;
	s8 =	sadd.s32 s19, s24  }
0x11: {  	s9 =	sadd.s32 s18, s24;
	s10 =	sadd.s32 $0xB4800, s13;
	s25 =	sshrl.u32 s15, $0x3  }
.Ltmp0:
0x12: {  	s30 =	sshrl.u32 s17, $0x3;
	s17 =	sshrl.u32 s31, $0x3;
	(pc) =	sbr.rel .LBB2_1-.Ltmp0, $4  }
0x13: {  	s20 =	sshrl.u32 s20, $0x3;
	s24 =	simm.s32 $0x1;
	s12 =	sadd.s32 s19, s25  }
0x14: {  	s13 =	sadd.s32 s18, s25;
	s14 =	sadd.s32 s19, s30;
	s15 =	sadd.s32 s18, s30  }
0x15: {  	s16 =	sadd.s32 s17, s18;
	s17 =	sadd.s32 s17, s19;
	s18 =	sadd.s32 s20, s18  }
0x16: {  	s19 =	sadd.s32 s20, s19;
	s20 =	simm.s32 $0x3;
	s25 =	simm.s32 $0x180  }
.LBB2_4:
0x17: {  	_ =	swait.ge [sflag:s28], $0x4000  }
0x18: {  	s29 =	sadd.s32 $0x1, s29;
	[sflag:s28] =	ssyncset.done $0x0  }
0x19: {  	p0 =	sne.s32 s29, s11;
	[sflag:s28] =	ssyncadd.s32 $0xFFFFC000  }
.Ltmp1:
0x1a: {  	[bflag:$0x0] =	sbarrier.arrive $0xFFFF;
	(pc) =	sbr.rel @!p0 .LBB2_5-.Ltmp1, $4  }
0x1b: {  	[hbm:s10], [sflag:s7] =	dma.local [spmem:s30], $0x2780  }
0x1c: {  	_ =	swait.ge [sflag:s20], $0x2780  }
0x1d: {  	[sflag:s20] =	ssyncset.done $0x0  }
0x1e: {  	[sflag:s20] =	ssyncadd.s32 $0xFFFFD880  }
.LBB2_1:
0x1f: {  	s30 =	sshrl.u32 s5, $0x3  }
0x20: {  	[spmem:s30], [sflag:s7] =	dma.local [hbm:s6], $0x2780  }
0x21: {  	_ =	swait.ge [sflag:s20], $0x2780  }
0x22: {  	[sflag:s20] =	ssyncset.done $0x0  }
0x23: {  	[sflag:s20] =	ssyncadd.s32 $0xFFFFD880  }
0x24: {  	[bflag:$0x0] =	sbarrier.arrive $0xFFFF  }
0x25: {  	[tilespmem:s3], [sflag:$0x3] =	stream.linear.gather [hbm4b:s8+s3], $0x80, $0x38;
	[tilespmem:$0x1BE00] =	vst v63  }
0x26: {  	_ =	swait.ge [sflag:s20], $0x80  }
0x27: {  	[sflag:s20] =	ssyncset.done $0x0  }
0x28: {  	[sflag:s20] =	ssyncadd.s32 $0xFFFFFF80  }
0x29: {  	[tilespmem:s21], [sflag:$0x3] =	stream.linear.gather [hbm4b:s9+s3], $0x80, $0x38;
	[tilespmem:$0x1BE00] =	vst v63  }
0x2a: {  	_ =	swait.ge [sflag:s20], $0x80  }
0x2b: {  	[sflag:s20] =	ssyncset.done $0x0  }
0x2c: {  	[sflag:s20] =	ssyncadd.s32 $0xFFFFFF80  }
0x2d: {  	[tilespmem:s23], [sflag:$0x1] =	stream.indirect.gather [hbm4b:s4+s22], $0x80, s3, s22, $0xb8;
	[tilespmem:$0x1BE00] =	vst v63  }
0x2e: {  	_ =	swait.ge [sflag:s24], $0x4000  }
0x2f: {  	[sflag:s24] =	ssyncset.done $0x0  }
0x30: {  	[sflag:s24] =	ssyncadd.s32 $0xFFFFC000  }
0x31: {  	[spmem:s1] =	stream.indirect.scatter.add.f32 [tilespmem:s23], [sflag:$0x1], $0x80, s21, s22, $0xb8;
	[tilespmem:$0x1BE00] =	vst v63  }
0x32: {  	_ = 	snop  }
0x33: {  	[tilespmem:s22], [sflag:$0x3] =	stream.linear.gather [hbm4b:s12+s3], $0x80, $0x38;
	[tilespmem:$0x1BE00] =	vst v63  }
0x34: {  	_ =	swait.ge [sflag:s20], $0x80  }
0x35: {  	[sflag:s20] =	ssyncset.done $0x0  }
0x36: {  	[sflag:s20] =	ssyncadd.s32 $0xFFFFFF80  }
0x37: {  	[tilespmem:s25], [sflag:$0x3] =	stream.linear.gather [hbm4b:s13+s3], $0x80, $0x38;
	[tilespmem:$0x1BE00] =	vst v63  }
0x38: {  	_ =	swait.ge [sflag:s20], $0x80  }
0x39: {  	[sflag:s20] =	ssyncset.done $0x0  }
0x3a: {  	[sflag:s20] =	ssyncadd.s32 $0xFFFFFF80  }
0x3b: {  	[tilespmem:s26], [sflag:$0x2] =	stream.indirect.gather [hbm4b:s4+s22], $0x80, s22, s22, $0xb8;
	[tilespmem:$0x1BE00] =	vst v63  }
0x3c: {  	_ =	swait.ge [sflag:s28], $0x4000  }
0x3d: {  	[sflag:s28] =	ssyncset.done $0x0  }
0x3e: {  	[sflag:s28] =	ssyncadd.s32 $0xFFFFC000  }
0x3f: {  	[spmem:s1] =	stream.indirect.scatter.add.f32 [tilespmem:s26], [sflag:$0x2], $0x80, s25, s22, $0xb8;
	[tilespmem:$0x1BE00] =	vst v63  }
0x40: {  	_ =	swait.ge [sflag:s24], $0x4000  }
0x41: {  	[sflag:s24] =	ssyncset.done $0x0  }
0x42: {  	[sflag:s24] =	ssyncadd.s32 $0xFFFFC000  }
0x43: {  	[tilespmem:s3], [sflag:$0x3] =	stream.linear.gather [hbm4b:s14+s3], $0x80, $0x38;
	[tilespmem:$0x1BE00] =	vst v63  }
0x44: {  	_ =	swait.ge [sflag:s20], $0x80  }
0x45: {  	[sflag:s20] =	ssyncset.done $0x0  }
0x46: {  	[sflag:s20] =	ssyncadd.s32 $0xFFFFFF80  }
0x47: {  	[tilespmem:s21], [sflag:$0x3] =	stream.linear.gather [hbm4b:s15+s3], $0x80, $0x38;
	[tilespmem:$0x1BE00] =	vst v63  }
0x48: {  	_ =	swait.ge [sflag:s20], $0x80  }
0x49: {  	[sflag:s20] =	ssyncset.done $0x0  }
0x4a: {  	s31 =	simm.s32 $0x0;
	[sflag:s20] =	ssyncadd.s32 $0xFFFFFF80  }
0x4b: {  	[tilespmem:s23], [sflag:$0x1] =	stream.indirect.gather [hbm4b:s4+s22], $0x80, s3, s22, $0xb8;
	[tilespmem:$0x1BE00] =	vst v63  }
.LBB2_2:
0x4c: {  	_ =	swait.ge [sflag:s24], $0x4000  }
0x4d: {  	[sflag:s24] =	ssyncset.done $0x0  }
0x4e: {  	[sflag:s24] =	ssyncadd.s32 $0xFFFFC000  }
0x4f: {  	[spmem:s1] =	stream.indirect.scatter.add.f32 [tilespmem:s23], [sflag:$0x1], $0x80, s21, s22, $0xb8;
	[tilespmem:$0x1BE00] =	vst v63  }
0x50: {  	_ =	swait.ge [sflag:s28], $0x4000  }
0x51: {  	[sflag:s28] =	ssyncset.done $0x0  }
0x52: {  	s0 =	sadd.s32 s31, s19;
	[sflag:s28] =	ssyncadd.s32 $0xFFFFC000  }
0x53: {  	[tilespmem:s22], [sflag:$0x3] =	stream.linear.gather [hbm4b:s0+s3], $0x80, $0x38;
	[tilespmem:$0x1BE00] =	vst v63  }
0x54: {  	_ =	swait.ge [sflag:s20], $0x80  }
0x55: {  	[sflag:s20] =	ssyncset.done $0x0  }
0x56: {  	s0 =	sadd.s32 s31, s18;
	[sflag:s20] =	ssyncadd.s32 $0xFFFFFF80  }
0x57: {  	[tilespmem:s25], [sflag:$0x3] =	stream.linear.gather [hbm4b:s0+s3], $0x80, $0x38;
	[tilespmem:$0x1BE00] =	vst v63  }
0x58: {  	_ =	swait.ge [sflag:s20], $0x80  }
0x59: {  	[sflag:s20] =	ssyncset.done $0x0  }
0x5a: {  	[sflag:s20] =	ssyncadd.s32 $0xFFFFFF80  }
0x5b: {  	[tilespmem:s26], [sflag:$0x2] =	stream.indirect.gather [hbm4b:s4+s22], $0x80, s22, s22, $0xb8;
	[tilespmem:$0x1BE00] =	vst v63  }
0x5c: {  	_ =	swait.ge [sflag:s28], $0x4000  }
0x5d: {  	p0 =	seq.s32 s31, $0x4C0;
	[sflag:s28] =	ssyncset.done $0x0  }
.Ltmp2:
0x5e: {  	[sflag:s28] =	ssyncadd.s32 $0xFFFFC000;
	(pc) =	sbr.rel @p0 .LBB2_4-.Ltmp2, $4  }
0x5f: {  	[spmem:s1] =	stream.indirect.scatter.add.f32 [tilespmem:s26], [sflag:$0x2], $0x80, s25, s22, $0xb8;
	[tilespmem:$0x1BE00] =	vst v63  }
0x60: {  	_ =	swait.ge [sflag:s24], $0x4000  }
0x61: {  	[sflag:s24] =	ssyncset.done $0x0  }
0x62: {  	[sflag:s24] =	ssyncadd.s32 $0xFFFFC000  }
0x63: {  	s0 =	sadd.s32 s31, s17  }
0x64: {  	[tilespmem:s3], [sflag:$0x3] =	stream.linear.gather [hbm4b:s0+s3], $0x80, $0x38;
	[tilespmem:$0x1BE00] =	vst v63  }
0x65: {  	_ =	swait.ge [sflag:s20], $0x80  }
0x66: {  	[sflag:s20] =	ssyncset.done $0x0  }
0x67: {  	s0 =	sadd.s32 s31, s16;
	[sflag:s20] =	ssyncadd.s32 $0xFFFFFF80  }
0x68: {  	[tilespmem:s21], [sflag:$0x3] =	stream.linear.gather [hbm4b:s0+s3], $0x80, $0x38;
	[tilespmem:$0x1BE00] =	vst v63  }
.Ltmp3:
0x69: {  	_ = 	snop;
	(pc) =	sbr.rel .LBB2_2-.Ltmp3, $4  }
0x6a: {  	_ =	swait.ge [sflag:s20], $0x80  }
0x6b: {  	[sflag:s20] =	ssyncset.done $0x0  }
0x6c: {  	s31 =	sadd.s32 $0x20, s31;
	[sflag:s20] =	ssyncadd.s32 $0xFFFFFF80  }
0x6d: {  	[tilespmem:s23], [sflag:$0x1] =	stream.indirect.gather [hbm4b:s4+s22], $0x80, s3, s22, $0xb8;
	[tilespmem:$0x1BE00] =	vst v63  }
.LBB2_5:
0x6e: {  	_ =	sfence.sel $0x180000  }
0x6f: {  	[bflag:$0x0] =	sbarrier.arrive $0xFFFF  }
0x70: {  	_ =	strace $0x9000004A  }
0x71: {  	[bflag:$0x2] =	sbarrier.arrive $0xFFFF  }
0x72: {  	p0 =	sne.s32 s2, $0x0;
	s0 =	rddreg [dreg:$0x2]  }
0x73: {  	s0 =	sadd.s32 @!p0 $0x100000, s0  }
0x74: {  	[sflag:s0] =	ssyncadd.tile.s32 @!p0 $0x1;
	_ =	shalt  }
.Lfunc_end2:
_tile_overlayer_lowered:
.L_overlay_start_2:
0x75: {  	(tag) =	ssettag $0x2  }
0x76: {  	s0 =	rddreg [dreg:$0x0];
	s2 =	stileid.u32  }
0x77: {  	s1 =	rddreg [dreg:$0x1];
	p0 =	sne.s32 s2, $0x0  }
0x78: {  	s3 =	rddreg [dreg:$0x2];
	[bflag:$0x3] =	sbarrier.arrive $0xFFFF;
	s2 =	simm.s32 @!p0 $0x1C03  }
0x79: {  	[timem:s3], [sflag:s2] =	dma.local @!p0 [hbm:s0], s1  }
0x7a: {  	s0 =	simm.s32 @!p0 $0x3  }
0x7b: {  	_ =	swait.ge @!p0 [sflag:s0], s1  }
0x7c: {  	s1 =	ssub.s32 @!p0 $0x0, s1;
	[sflag:s0] =	ssyncset.done @!p0 $0x0  }
0x7d: {  	[sflag:s0] =	ssyncadd.s32 @!p0 s1  }
0x7e: {  	[bflag:$0x3] =	sbarrier.arrive $0xFFFF  }
0x7f: {  	_ =	shalt  }

// kernel: kernel.16.cloned.1.call-start
scs
__scs_entry_jumppad:
0x0: {  	(pc) =	sbr.rel $0x88, $3  }
0x1: {  	(tag) =	ssettag $0x0;
	lr =	simm.s32 $0x1  }
0x2: {  	[smem:$0x3F94] =	sst lr;
	_ =	strace $0xD0000000  }
0x3: {  	_ = 	snop  }
0x4: {  	_ = 	snop  }
0x5: {  	_ = 	snop  }
0x6: {  	_ = 	snop  }
0x7: {  	_ = 	snop  }
__scs_overlays_trampoline_lowered:
0x8: {  	[smem:$0x3FA3] =	sst s0  }
0x9: {  	[smem:$0x3FA4] =	sst s1  }
0xa: {  	[smem:$0x3FA5] =	sst s2  }
0xb: {  	[smem:$0x3FA6] =	sst s3  }
0xc: {  	[smem:$0x3FA7] =	sst s4  }
0xd: {  	[smem:$0x3FA8] =	sst s5  }
0xe: {  	[smem:$0x3FA9] =	sst s6  }
0xf: {  	[smem:$0x3FAA] =	sst s7  }
0x10: {  	[smem:$0x3FAB] =	sst s8  }
0x11: {  	[smem:$0x3FAC] =	sst s9;
	s0 =	simm.s32 @!p0 $0x0  }
0x12: {  	s1 =	sld [smem:$0x3F92];
	s0 =	simm.s32 @p0 $0x1  }
0x13: {  	[smem:$0x3FAD] =	sst s0;
	s0 =	simm.s32 @!p1 $0x0  }
0x14: {  	s2 =	sld [smem:$0x3F91];
	s0 =	simm.s32 @p1 $0x1  }
0x15: {  	[smem:$0x3FAE] =	sst s0;
	s0 =	simm.s32 @!p2 $0x0  }
0x16: {  	s3 =	sld [smem:$0x3FDB];
	s0 =	simm.s32 @p2 $0x1  }
0x17: {  	s4 =	simm.s32 $0x1BF5;
	[smem:$0x3FB0] =	sst s0  }
0x18: {  	s0 =	sld [smem:$0x3F93];
	_ =	swait.ge [sflag:s4], $0x0  }
0x19: {  	s7 =	sld [smem:$0x3F94]  }
0x1a: {  	s8 =	sadd.s32 $0xFFFFE003, lr  }
0x1b: {  	s9 =	sadd.s32 $0xFFFFFEF7, lr;
	s5 =	simm.s32 $0xFFFFFFFF;
	p2 =	slt.u32 s8, $0xFFFFF086  }
0x1c: {  	p1 =	slt.u32 s9, $0xF7A;
	s5 =	simm.s32 @!p2 $0x0  }
0x1d: {  	s5 =	simm.s32 @p1 $0x1;
	p0 =	seq.s32 s7, s2  }
0x1e: {  	s7 =	smul.u32 @!p0 $0xF7A, s2;
	p2 =	seq.s32 @!p0 s5, $0x0  }
0x1f: {  	s9 =	smul.u32 $0xF7A, s1;
	s8 =	simm.s32 @!p0 $0x1BF5;
	p2 =	por !p2, p0  }
0x20: {  	[sflag:s8] =	ssyncset.s32 @!p0 $0xFFFFF086;
	s6 =	sadd.s32 @!p0 s3, s7;
	s7 =	simm.s32 @!p0 $0x108  }
0x21: {  	s3 =	sadd.s32 s3, s9;
	s6 =	sadd.s32 @!p0 $0x88, s6;
	s7 =	simm.s32 @p2 $0x1082  }
0x22: {  	[simem:s7], [sflag:s8] =	dma.local @!p0 [hbm:s6], $0xF7A  }
0x23: {  	s9 =	sor.u32 $0xD0000000, s2;
	s6 =	simm.s32 $0x108;
	_ =	swait.ge @!p0 [sflag:s8], $0x0  }
0x24: {  	s3 =	sadd.s32 $0x88, s3;
	s6 =	simm.s32 @!p1 $0x1082;
	[sflag:s4] =	ssyncset.s32 $0xFFFFF086  }
0x25: {  	[simem:s6], [sflag:s4] =	dma.local [hbm:s3], $0xF7A  }
0x26: {  	[smem:$0x3F94] =	sst s1;
	(tag) =	ssettag s2;
	_ =	strace s9  }
0x27: {  	s1 =	sld [smem:$0x3FA4]  }
0x28: {  	s2 =	sld [smem:$0x3FA5]  }
0x29: {  	s4 =	sld [smem:$0x3FA7]  }
0x2a: {  	p0 =	seq.s32 s5, $0x0;
	s5 =	sld [smem:$0x3FA8]  }
0x2b: {  	s6 =	sld [smem:$0x3FA9]  }
0x2c: {  	s7 =	sld [smem:$0x3FAA]  }
0x2d: {  	s3 =	simm.s32 $0x108;
	s8 =	sld [smem:$0x3FAB]  }
0x2e: {  	s3 =	simm.s32 @!p0 $0x1082;
	s9 =	sld [smem:$0x3FAC]  }
0x2f: {  	lr =	sadd.s32 s0, s3;
	s0 =	sld [smem:$0x3FA3]  }
0x30: {  	s3 =	sld [smem:$0x3FA6]  }
0x31: {  	[smem:$0x3FAF] =	sst s10  }
0x32: {  	s10 =	sld [smem:$0x3FAD];
	_ =	sdelay $0x3  }
0x33: {  	p0 =	seq.s32 s10, $0x1;
	s10 =	sld [smem:$0x3FAF];
	_ =	sdelay $0x3  }
0x34: {  	[smem:$0x3FAF] =	sst s10  }
0x35: {  	s10 =	sld [smem:$0x3FAE];
	_ =	sdelay $0x3  }
0x36: {  	p1 =	seq.s32 s10, $0x1;
	s10 =	sld [smem:$0x3FAF];
	_ =	sdelay $0x3  }
0x37: {  	[smem:$0x3FAF] =	sst s10  }
0x38: {  	s10 =	sld [smem:$0x3FB0]  }
0x39: {  	_ = 	snop;
	(pc) =	sbr.ind lr, $3  }
0x3a: {  	_ = 	snop  }
0x3b: {  	_ = 	snop  }
0x3c: {  	p2 =	seq.s32 s10, $0x1;
	s10 =	sld [smem:$0x3FAF]  }
0x3d: {  	_ =	shalt  }
0x3e: {  	_ =	shalt  }
0x3f: {  	_ =	shalt  }
0x40: {  	_ =	shalt  }
0x41: {  	_ =	shalt  }
0x42: {  	_ =	shalt  }
0x43: {  	_ =	shalt  }
0x44: {  	_ =	shalt  }
0x45: {  	_ =	shalt  }
0x46: {  	_ =	shalt  }
0x47: {  	_ =	shalt  }
0x48: {  	_ =	shalt  }
0x49: {  	_ =	shalt  }
0x4a: {  	_ =	shalt  }
0x4b: {  	_ =	shalt  }
0x4c: {  	_ =	shalt  }
0x4d: {  	_ =	shalt  }
0x4e: {  	_ =	shalt  }
0x4f: {  	_ =	shalt  }
0x50: {  	_ =	shalt  }
0x51: {  	_ =	shalt  }
0x52: {  	_ =	shalt  }
0x53: {  	_ =	shalt  }
0x54: {  	_ =	shalt  }
0x55: {  	_ =	shalt  }
0x56: {  	_ =	shalt  }
0x57: {  	_ =	shalt  }
0x58: {  	_ =	shalt  }
0x59: {  	_ =	shalt  }
0x5a: {  	_ =	shalt  }
0x5b: {  	_ =	shalt  }
0x5c: {  	_ =	shalt  }
0x5d: {  	_ =	shalt  }
0x5e: {  	_ =	shalt  }
0x5f: {  	_ =	shalt  }
0x60: {  	_ =	shalt  }
0x61: {  	_ =	shalt  }
0x62: {  	_ =	shalt  }
0x63: {  	_ =	shalt  }
0x64: {  	_ =	shalt  }
0x65: {  	_ =	shalt  }
0x66: {  	_ =	shalt  }
0x67: {  	_ =	shalt  }
0x68: {  	_ =	shalt  }
0x69: {  	_ =	shalt  }
0x6a: {  	_ =	shalt  }
0x6b: {  	_ =	shalt  }
0x6c: {  	_ =	shalt  }
0x6d: {  	_ =	shalt  }
0x6e: {  	_ =	shalt  }
0x6f: {  	_ =	shalt  }
0x70: {  	_ =	shalt  }
0x71: {  	_ =	shalt  }
0x72: {  	_ =	shalt  }
0x73: {  	_ =	shalt  }
0x74: {  	_ =	shalt  }
0x75: {  	_ =	shalt  }
0x76: {  	_ =	shalt  }
0x77: {  	_ =	shalt  }
0x78: {  	_ =	shalt  }
0x79: {  	_ =	shalt  }
0x7a: {  	_ =	shalt  }
0x7b: {  	_ =	shalt  }
0x7c: {  	_ =	shalt  }
0x7d: {  	_ =	shalt  }
0x7e: {  	_ =	shalt  }
0x7f: {  	_ =	shalt  }
0x80: {  	_ =	shalt  }
0x81: {  	_ =	shalt  }
0x82: {  	_ =	shalt  }
0x83: {  	_ =	shalt  }
0x84: {  	_ =	shalt  }
0x85: {  	_ =	shalt  }
0x86: {  	_ =	shalt  }
0x87: {  	_ =	shalt  }
.Lfunc_end0:
.L_simem_size_0:
called_computation.2_lowered:
.L_overlay_start_0:
0x88: {  	s2 =	sld [smem:$0x3FD9]  }
0x89: {  	s3 =	sld [smem:$0x3FFE];
	_ =	sdelay $0x1  }
0x8a: {  	s1 =	srdreg.scid  }
0x8b: {  	s0 =	sand.u32 $0x1, s1  }
0x8c: {  	s16 =	sshll.u32 s0, $0xA;
	s2 =	sadd.s32 s3, s2  }
0x8d: {  	s2 =	sadd.s32 s2, s16  }
0x8e: {  	[smem:$0x3FBB] =	sst s2  }
0x8f: {  	_ = 	snop  }
0x90: {  	(tm) =	ssettm $0x1  }
0x91: {  	s17 =	sld [smem:$0x3FFB];
	_ =	sdelay $0x3  }
0x92: {  	_ =	strace s17  }
0x93: {  	s2 =	sld [smem:$0x3FFC];
	_ =	sdelay $0x3  }
0x94: {  	_ =	strace s2  }
0x95: {  	s2 =	sld [smem:$0x3FFD];
	_ =	sdelay $0x3  }
0x96: {  	_ =	strace s2  }
0x97: {  	_ =	strace $0x8FFFFFFF  }
0x98: {  	s18 =	sld [smem:$0x3FDB];
	_ =	sdelay $0x1  }
0x99: {  	s19 =	simm.s32 $_scs_section_size  }
0x9a: {  	s4 =	simm.s32 $_size__tile_overlayer_lowered;
	s5 =	simm.s32 $_tile_overlayer_lowered  }
0x9b: {  	s22 =	simm.s32 $0x1BFF;
	s21 =	sshll.u32 s5, $0x1;
	s2 =	sadd.s32 s19, s18  }
0x9c: {  	s6 =	simm.s32 $0x0;
	s20 =	sshll.u32 s4, $0x1;
	s4 =	sadd.s32 s21, s2  }
0x9d: {  	[timem:s6], [sflag:s22] =	dma.local [hbm:s4], s20  }
0x9e: {  	_ =	swait.ge [sflag:s22], s20  }
0x9f: {  	s3 =	ssub.s32 $0x0, s20;
	[sflag:s22] =	ssyncset.done $0x0  }
0xa0: {  	[sflag:s22] =	ssyncadd.s32 s3;
	_ =	sdelay $0x1  }
0xa1: {  	s23 =	simm.s32 $0x1B8B  }
0xa2: {  	_ =	swait.ge [sflag:s23], $0x1  }
0xa3: {  	[sflag:s23] =	ssyncset.done $0x0  }
0xa4: {  	s25 =	simm.s32 $0x1B8E;
	s24 =	sld [smem:$0x3FFE];
	[sflag:s23] =	ssyncadd.s32 $0xFFFFFFFF  }
0xa5: {  	s26 =	simm.s32 $execute0_lowered;
	[smem:$0x3FD2] =	sst s25  }
0xa6: {  	s4 =	sshll.u32 s26, $0x1;
	_ =	strace $0x8000004C;
	[dreg:$0x1] =	wrdreg $0xFFFFFFFF  }
0xa7: {  	s28 =	simm.s32 $_size_execute0_lowered;
	s2 =	sadd.s32 s2, s4;
	[dreg:$0x0] =	wrdreg $0x0  }
0xa8: {  	s4 =	sshll.u32 s28, $0x1;
	[dreg:$0x2] =	wrdreg s2  }
0xa9: {  	[dreg:$0x3] =	wrdreg s4  }
0xaa: {  	[dreg:$0x4] =	wrdreg $0xC0  }
0xab: {  	_ =	task [dreg:s6], $0x5FFFF  }
0xac: {  	[dreg:$0x1] =	wrdreg $0xFFFFFFFF  }
0xad: {  	[dreg:$0x0] =	wrdreg $0x60  }
0xae: {  	[dreg:$0x2] =	wrdreg s24  }
0xaf: {  	[dreg:$0x3] =	wrdreg $0x82000  }
0xb0: {  	[dreg:$0x4] =	wrdreg $0x9  }
0xb1: {  	_ =	task.clear_ibuf [dreg:s6], $0x5FFFF;
	_ =	strace $0x9000004C  }
0xb2: {  	s29 =	simm.s32 $0x9;
	_ =	strace $0x8000004E  }
0xb3: {  	_ =	swait.ge [sflag:s29], $0x1  }
0xb4: {  	[sflag:s29] =	ssyncadd.s32 $0xFFFFFFFF  }
0xb5: {  	_ =	strace $0x9000004E  }
0xb6: {  	_ =	sfence  }
0xb7: {  	s30 =	sld [smem:$0x0];
	_ =	sdelay $0x2  }
0xb8: {  	s31 =	sshll.u32 s1, $0xD;
	s1 =	sshrl.u32 s1, $0x2  }
0xb9: {  	s3 =	sand.u32 $0x4000, s31;
	s1 =	sadd.s32 s1, s30  }
0xba: {  	s0 =	sor.u32 s3, s0;
	s1 =	sshll.u32 s1, $0x11  }
0xbb: {  	s0 =	sor.u32 s1, s0  }
0xbc: {  	s0 =	sadd.s32 $0x8F2B, s0  }
0xbd: {  	[sflag:s0] =	ssyncadd.remote.s32 $0x1  }
0xbe: {  	_ =	sfence.sel $0xFFFF  }
0xbf: {  	[dreg:$0x0] =	wrdreg $0xFFFFFFFF;
	(pc) =	sbr.abs _section_cstart, $3  }
0xc0: {  	[dreg:$0x1] =	wrdreg $0xFFFFFFFF  }
0xc1: {  	_ =	task.clear_ibuf [dreg:s6], $0x2FFFF;
	_ =	strace $0x9FFFFFFF  }
0xc2: {  	(tm) =	ssettm $0x7FFFFFFF  }
0xc3: {  	_ =	shalt  }
tec
execute0_lowered:
.L_overlay_start_1:
0x0: {  	(tag) =	ssettag $0x1  }
0x1: {  	s5 =	rddreg [dreg:$0x0]  }
0x2: {  	s1 =	rddreg [dreg:$0x1]  }
0x3: {  	s3 =	simm.s32 $0x0;
	s2 =	stileid.u32;
	s6 =	srdreg.scid  }
0x4: {  	s21 =	simm.s32 $0x100;
	s28 =	simm.s32 $0x2;
	s29 =	simm.s32 $0x0  }
0x5: {  	[smem:$0x7FF] =	sst s3;
	s4 =	sadd.s32 $0x5B800, s5;
	s7 =	smul.u32 $0x2780, s2  }
0x6: {  	s10 =	sand.u32 $0x1, s6;
	s19 =	sadd.s32 $0x83600, s5;
	s9 =	smul.u32 $0x4F000, s2  }
0x7: {  	s18 =	sadd.s32 $0x2E00, s5;
	s11 =	sshll.u32 s2, $0x1;
	s14 =	smul.u32 $0x5000, s2  }
0x8: {  	s23 =	sshll.u32 s2, $0x6;
	_ =	strace $0x8000004D;
	s6 =	smul.u32 $0x27800, s10  }
0x9: {  	s22 =	ssub.s32 $0x2, s10;
	s11 =	sor.u32 s10, s11;
	s16 =	smul.u32 $0x2800, s10  }
0xa: {  	s8 =	sadd.s32 s7, s5;
	s12 =	sshrl.u32 s22, $0x1;
	s9 =	sshrl.u32 s9, $0x2  }
0xb: {  	s11 =	smul.u32 $0x2800, s11;
	s6 =	sadd.s32 s7, s6;
	s12 =	ssub.s32 s22, s12  }
0xc: {  	s7 =	sor.u32 $0x1C03, s23;
	s26 =	sadd.s32 s16, s14;
	s22 =	simm.s32 $0x80  }
0xd: {  	s23 =	simm.s32 $0x200;
	s13 =	sadd.s32 s6, s5;
	s5 =	sadd.s32 s9, s1  }
0xe: {  	s6 =	sadd.s32 $0xCE00, s8;
	s24 =	sshrl.u32 s11, $0x3;
	s15 =	sor.u32 $0x80, s11  }
0xf: {  	s17 =	sor.u32 $0x100, s11;
	s11 =	smax.u32 s12, $0x1;
	s31 =	sor.u32 $0x200, s26  }
0x10: {  	s20 =	sor.u32 $0x180, s26;
	s26 =	simm.s32 $0x4200;
	s8 =	sadd.s32 s19, s24  }
0x11: {  	s9 =	sadd.s32 s18, s24;
	s10 =	sadd.s32 $0xB4800, s13;
	s25 =	sshrl.u32 s15, $0x3  }
.Ltmp0:
0x12: {  	s30 =	sshrl.u32 s17, $0x3;
	s17 =	sshrl.u32 s31, $0x3;
	(pc) =	sbr.rel .LBB2_1-.Ltmp0, $4  }
0x13: {  	s20 =	sshrl.u32 s20, $0x3;
	s24 =	simm.s32 $0x1;
	s12 =	sadd.s32 s19, s25  }
0x14: {  	s13 =	sadd.s32 s18, s25;
	s14 =	sadd.s32 s19, s30;
	s15 =	sadd.s32 s18, s30  }
0x15: {  	s16 =	sadd.s32 s17, s18;
	s17 =	sadd.s32 s17, s19;
	s18 =	sadd.s32 s20, s18  }
0x16: {  	s19 =	sadd.s32 s20, s19;
	s20 =	simm.s32 $0x3;
	s25 =	simm.s32 $0x180  }
.LBB2_4:
0x17: {  	_ =	swait.ge [sflag:s28], $0x4000  }
0x18: {  	s29 =	sadd.s32 $0x1, s29;
	[sflag:s28] =	ssyncset.done $0x0  }
0x19: {  	p0 =	sne.s32 s29, s11;
	[sflag:s28] =	ssyncadd.s32 $0xFFFFC000  }
.Ltmp1:
0x1a: {  	[bflag:$0x0] =	sbarrier.arrive $0xFFFF;
	(pc) =	sbr.rel @!p0 .LBB2_5-.Ltmp1, $4  }
0x1b: {  	[hbm:s10], [sflag:s7] =	dma.local [spmem:s30], $0x2780  }
0x1c: {  	_ =	swait.ge [sflag:s20], $0x2780  }
0x1d: {  	[sflag:s20] =	ssyncset.done $0x0  }
0x1e: {  	[sflag:s20] =	ssyncadd.s32 $0xFFFFD880  }
.LBB2_1:
0x1f: {  	s30 =	sshrl.u32 s5, $0x3  }
0x20: {  	[spmem:s30], [sflag:s7] =	dma.local [hbm:s6], $0x2780  }
0x21: {  	_ =	swait.ge [sflag:s20], $0x2780  }
0x22: {  	[sflag:s20] =	ssyncset.done $0x0  }
0x23: {  	[sflag:s20] =	ssyncadd.s32 $0xFFFFD880  }
0x24: {  	[bflag:$0x0] =	sbarrier.arrive $0xFFFF  }
0x25: {  	[tilespmem:s3], [sflag:$0x3] =	stream.linear.gather [hbm4b:s8+s3], $0x80, $0x38;
	[tilespmem:$0x1BE00] =	vst v63  }
0x26: {  	_ =	swait.ge [sflag:s20], $0x80  }
0x27: {  	[sflag:s20] =	ssyncset.done $0x0  }
0x28: {  	[sflag:s20] =	ssyncadd.s32 $0xFFFFFF80  }
0x29: {  	[tilespmem:s21], [sflag:$0x3] =	stream.linear.gather [hbm4b:s9+s3], $0x80, $0x38;
	[tilespmem:$0x1BE00] =	vst v63  }
0x2a: {  	_ =	swait.ge [sflag:s20], $0x80  }
0x2b: {  	[sflag:s20] =	ssyncset.done $0x0  }
0x2c: {  	[sflag:s20] =	ssyncadd.s32 $0xFFFFFF80  }
0x2d: {  	[tilespmem:s23], [sflag:$0x1] =	stream.indirect.gather [hbm4b:s4+s22], $0x80, s3, s22, $0xb8;
	[tilespmem:$0x1BE00] =	vst v63  }
0x2e: {  	_ =	swait.ge [sflag:s24], $0x4000  }
0x2f: {  	[sflag:s24] =	ssyncset.done $0x0  }
0x30: {  	[sflag:s24] =	ssyncadd.s32 $0xFFFFC000  }
0x31: {  	[spmem:s1] =	stream.indirect.scatter.add.f32 [tilespmem:s23], [sflag:$0x1], $0x80, s21, s22, $0xb8;
	[tilespmem:$0x1BE00] =	vst v63  }
0x32: {  	_ = 	snop  }
0x33: {  	[tilespmem:s22], [sflag:$0x3] =	stream.linear.gather [hbm4b:s12+s3], $0x80, $0x38;
	[tilespmem:$0x1BE00] =	vst v63  }
0x34: {  	_ =	swait.ge [sflag:s20], $0x80  }
0x35: {  	[sflag:s20] =	ssyncset.done $0x0  }
0x36: {  	[sflag:s20] =	ssyncadd.s32 $0xFFFFFF80  }
0x37: {  	[tilespmem:s25], [sflag:$0x3] =	stream.linear.gather [hbm4b:s13+s3], $0x80, $0x38;
	[tilespmem:$0x1BE00] =	vst v63  }
0x38: {  	_ =	swait.ge [sflag:s20], $0x80  }
0x39: {  	[sflag:s20] =	ssyncset.done $0x0  }
0x3a: {  	[sflag:s20] =	ssyncadd.s32 $0xFFFFFF80  }
0x3b: {  	[tilespmem:s26], [sflag:$0x2] =	stream.indirect.gather [hbm4b:s4+s22], $0x80, s22, s22, $0xb8;
	[tilespmem:$0x1BE00] =	vst v63  }
0x3c: {  	_ =	swait.ge [sflag:s28], $0x4000  }
0x3d: {  	[sflag:s28] =	ssyncset.done $0x0  }
0x3e: {  	[sflag:s28] =	ssyncadd.s32 $0xFFFFC000  }
0x3f: {  	[spmem:s1] =	stream.indirect.scatter.add.f32 [tilespmem:s26], [sflag:$0x2], $0x80, s25, s22, $0xb8;
	[tilespmem:$0x1BE00] =	vst v63  }
0x40: {  	_ =	swait.ge [sflag:s24], $0x4000  }
0x41: {  	[sflag:s24] =	ssyncset.done $0x0  }
0x42: {  	[sflag:s24] =	ssyncadd.s32 $0xFFFFC000  }
0x43: {  	[tilespmem:s3], [sflag:$0x3] =	stream.linear.gather [hbm4b:s14+s3], $0x80, $0x38;
	[tilespmem:$0x1BE00] =	vst v63  }
0x44: {  	_ =	swait.ge [sflag:s20], $0x80  }
0x45: {  	[sflag:s20] =	ssyncset.done $0x0  }
0x46: {  	[sflag:s20] =	ssyncadd.s32 $0xFFFFFF80  }
0x47: {  	[tilespmem:s21], [sflag:$0x3] =	stream.linear.gather [hbm4b:s15+s3], $0x80, $0x38;
	[tilespmem:$0x1BE00] =	vst v63  }
0x48: {  	_ =	swait.ge [sflag:s20], $0x80  }
0x49: {  	[sflag:s20] =	ssyncset.done $0x0  }
0x4a: {  	s31 =	simm.s32 $0x0;
	[sflag:s20] =	ssyncadd.s32 $0xFFFFFF80  }
0x4b: {  	[tilespmem:s23], [sflag:$0x1] =	stream.indirect.gather [hbm4b:s4+s22], $0x80, s3, s22, $0xb8;
	[tilespmem:$0x1BE00] =	vst v63  }
.LBB2_2:
0x4c: {  	_ =	swait.ge [sflag:s24], $0x4000  }
0x4d: {  	[sflag:s24] =	ssyncset.done $0x0  }
0x4e: {  	[sflag:s24] =	ssyncadd.s32 $0xFFFFC000  }
0x4f: {  	[spmem:s1] =	stream.indirect.scatter.add.f32 [tilespmem:s23], [sflag:$0x1], $0x80, s21, s22, $0xb8;
	[tilespmem:$0x1BE00] =	vst v63  }
0x50: {  	_ =	swait.ge [sflag:s28], $0x4000  }
0x51: {  	[sflag:s28] =	ssyncset.done $0x0  }
0x52: {  	s0 =	sadd.s32 s31, s19;
	[sflag:s28] =	ssyncadd.s32 $0xFFFFC000  }
0x53: {  	[tilespmem:s22], [sflag:$0x3] =	stream.linear.gather [hbm4b:s0+s3], $0x80, $0x38;
	[tilespmem:$0x1BE00] =	vst v63  }
0x54: {  	_ =	swait.ge [sflag:s20], $0x80  }
0x55: {  	[sflag:s20] =	ssyncset.done $0x0  }
0x56: {  	s0 =	sadd.s32 s31, s18;
	[sflag:s20] =	ssyncadd.s32 $0xFFFFFF80  }
0x57: {  	[tilespmem:s25], [sflag:$0x3] =	stream.linear.gather [hbm4b:s0+s3], $0x80, $0x38;
	[tilespmem:$0x1BE00] =	vst v63  }
0x58: {  	_ =	swait.ge [sflag:s20], $0x80  }
0x59: {  	[sflag:s20] =	ssyncset.done $0x0  }
0x5a: {  	[sflag:s20] =	ssyncadd.s32 $0xFFFFFF80  }
0x5b: {  	[tilespmem:s26], [sflag:$0x2] =	stream.indirect.gather [hbm4b:s4+s22], $0x80, s22, s22, $0xb8;
	[tilespmem:$0x1BE00] =	vst v63  }
0x5c: {  	_ =	swait.ge [sflag:s28], $0x4000  }
0x5d: {  	p0 =	seq.s32 s31, $0x4C0;
	[sflag:s28] =	ssyncset.done $0x0  }
.Ltmp2:
0x5e: {  	[sflag:s28] =	ssyncadd.s32 $0xFFFFC000;
	(pc) =	sbr.rel @p0 .LBB2_4-.Ltmp2, $4  }
0x5f: {  	[spmem:s1] =	stream.indirect.scatter.add.f32 [tilespmem:s26], [sflag:$0x2], $0x80, s25, s22, $0xb8;
	[tilespmem:$0x1BE00] =	vst v63  }
0x60: {  	_ =	swait.ge [sflag:s24], $0x4000  }
0x61: {  	[sflag:s24] =	ssyncset.done $0x0  }
0x62: {  	[sflag:s24] =	ssyncadd.s32 $0xFFFFC000  }
0x63: {  	s0 =	sadd.s32 s31, s17  }
0x64: {  	[tilespmem:s3], [sflag:$0x3] =	stream.linear.gather [hbm4b:s0+s3], $0x80, $0x38;
	[tilespmem:$0x1BE00] =	vst v63  }
0x65: {  	_ =	swait.ge [sflag:s20], $0x80  }
0x66: {  	[sflag:s20] =	ssyncset.done $0x0  }
0x67: {  	s0 =	sadd.s32 s31, s16;
	[sflag:s20] =	ssyncadd.s32 $0xFFFFFF80  }
0x68: {  	[tilespmem:s21], [sflag:$0x3] =	stream.linear.gather [hbm4b:s0+s3], $0x80, $0x38;
	[tilespmem:$0x1BE00] =	vst v63  }
.Ltmp3:
0x69: {  	_ = 	snop;
	(pc) =	sbr.rel .LBB2_2-.Ltmp3, $4  }
0x6a: {  	_ =	swait.ge [sflag:s20], $0x80  }
0x6b: {  	[sflag:s20] =	ssyncset.done $0x0  }
0x6c: {  	s31 =	sadd.s32 $0x20, s31;
	[sflag:s20] =	ssyncadd.s32 $0xFFFFFF80  }
0x6d: {  	[tilespmem:s23], [sflag:$0x1] =	stream.indirect.gather [hbm4b:s4+s22], $0x80, s3, s22, $0xb8;
	[tilespmem:$0x1BE00] =	vst v63  }
.LBB2_5:
0x6e: {  	_ =	sfence.sel $0x180000  }
0x6f: {  	[bflag:$0x0] =	sbarrier.arrive $0xFFFF  }
0x70: {  	_ =	strace $0x9000004D  }
0x71: {  	[bflag:$0x2] =	sbarrier.arrive $0xFFFF  }
0x72: {  	p0 =	sne.s32 s2, $0x0;
	s0 =	rddreg [dreg:$0x2]  }
0x73: {  	s0 =	sadd.s32 @!p0 $0x100000, s0  }
0x74: {  	[sflag:s0] =	ssyncadd.tile.s32 @!p0 $0x1;
	_ =	shalt  }
.Lfunc_end2:
_tile_overlayer_lowered:
.L_overlay_start_2:
0x75: {  	(tag) =	ssettag $0x2  }
0x76: {  	s0 =	rddreg [dreg:$0x0];
	s2 =	stileid.u32  }
0x77: {  	s1 =	rddreg [dreg:$0x1];
	p0 =	sne.s32 s2, $0x0  }
0x78: {  	s3 =	rddreg [dreg:$0x2];
	[bflag:$0x3] =	sbarrier.arrive $0xFFFF;
	s2 =	simm.s32 @!p0 $0x1C03  }
0x79: {  	[timem:s3], [sflag:s2] =	dma.local @!p0 [hbm:s0], s1  }
0x7a: {  	s0 =	simm.s32 @!p0 $0x3  }
0x7b: {  	_ =	swait.ge @!p0 [sflag:s0], s1  }
0x7c: {  	s1 =	ssub.s32 @!p0 $0x0, s1;
	[sflag:s0] =	ssyncset.done @!p0 $0x0  }
0x7d: {  	[sflag:s0] =	ssyncadd.s32 @!p0 s1  }
0x7e: {  	[bflag:$0x3] =	sbarrier.arrive $0xFFFF  }
0x7f: {  	_ =	shalt  }

// kernel: kernel.19.cloned.1.call-start
scs
__scs_entry_jumppad:
0x0: {  	(pc) =	sbr.rel $0x88, $3  }
0x1: {  	(tag) =	ssettag $0x0;
	lr =	simm.s32 $0x1  }
0x2: {  	[smem:$0x3F94] =	sst lr;
	_ =	strace $0xD0000000  }
0x3: {  	_ = 	snop  }
0x4: {  	_ = 	snop  }
0x5: {  	_ = 	snop  }
0x6: {  	_ = 	snop  }
0x7: {  	_ = 	snop  }
__scs_overlays_trampoline_lowered:
0x8: {  	[smem:$0x3FA3] =	sst s0  }
0x9: {  	[smem:$0x3FA4] =	sst s1  }
0xa: {  	[smem:$0x3FA5] =	sst s2  }
0xb: {  	[smem:$0x3FA6] =	sst s3  }
0xc: {  	[smem:$0x3FA7] =	sst s4  }
0xd: {  	[smem:$0x3FA8] =	sst s5  }
0xe: {  	[smem:$0x3FA9] =	sst s6  }
0xf: {  	[smem:$0x3FAA] =	sst s7  }
0x10: {  	[smem:$0x3FAB] =	sst s8  }
0x11: {  	[smem:$0x3FAC] =	sst s9;
	s0 =	simm.s32 @!p0 $0x0  }
0x12: {  	s1 =	sld [smem:$0x3F92];
	s0 =	simm.s32 @p0 $0x1  }
0x13: {  	[smem:$0x3FAD] =	sst s0;
	s0 =	simm.s32 @!p1 $0x0  }
0x14: {  	s2 =	sld [smem:$0x3F91];
	s0 =	simm.s32 @p1 $0x1  }
0x15: {  	[smem:$0x3FAE] =	sst s0;
	s0 =	simm.s32 @!p2 $0x0  }
0x16: {  	s3 =	sld [smem:$0x3FDB];
	s0 =	simm.s32 @p2 $0x1  }
0x17: {  	s4 =	simm.s32 $0x1BF5;
	[smem:$0x3FB0] =	sst s0  }
0x18: {  	s0 =	sld [smem:$0x3F93];
	_ =	swait.ge [sflag:s4], $0x0  }
0x19: {  	s7 =	sld [smem:$0x3F94]  }
0x1a: {  	s8 =	sadd.s32 $0xFFFFE003, lr  }
0x1b: {  	s9 =	sadd.s32 $0xFFFFFEF7, lr;
	s5 =	simm.s32 $0xFFFFFFFF;
	p2 =	slt.u32 s8, $0xFFFFF086  }
0x1c: {  	p1 =	slt.u32 s9, $0xF7A;
	s5 =	simm.s32 @!p2 $0x0  }
0x1d: {  	s5 =	simm.s32 @p1 $0x1;
	p0 =	seq.s32 s7, s2  }
0x1e: {  	s7 =	smul.u32 @!p0 $0xF7A, s2;
	p2 =	seq.s32 @!p0 s5, $0x0  }
0x1f: {  	s9 =	smul.u32 $0xF7A, s1;
	s8 =	simm.s32 @!p0 $0x1BF5;
	p2 =	por !p2, p0  }
0x20: {  	[sflag:s8] =	ssyncset.s32 @!p0 $0xFFFFF086;
	s6 =	sadd.s32 @!p0 s3, s7;
	s7 =	simm.s32 @!p0 $0x108  }
0x21: {  	s3 =	sadd.s32 s3, s9;
	s6 =	sadd.s32 @!p0 $0x88, s6;
	s7 =	simm.s32 @p2 $0x1082  }
0x22: {  	[simem:s7], [sflag:s8] =	dma.local @!p0 [hbm:s6], $0xF7A  }
0x23: {  	s9 =	sor.u32 $0xD0000000, s2;
	s6 =	simm.s32 $0x108;
	_ =	swait.ge @!p0 [sflag:s8], $0x0  }
0x24: {  	s3 =	sadd.s32 $0x88, s3;
	s6 =	simm.s32 @!p1 $0x1082;
	[sflag:s4] =	ssyncset.s32 $0xFFFFF086  }
0x25: {  	[simem:s6], [sflag:s4] =	dma.local [hbm:s3], $0xF7A  }
0x26: {  	[smem:$0x3F94] =	sst s1;
	(tag) =	ssettag s2;
	_ =	strace s9  }
0x27: {  	s1 =	sld [smem:$0x3FA4]  }
0x28: {  	s2 =	sld [smem:$0x3FA5]  }
0x29: {  	s4 =	sld [smem:$0x3FA7]  }
0x2a: {  	p0 =	seq.s32 s5, $0x0;
	s5 =	sld [smem:$0x3FA8]  }
0x2b: {  	s6 =	sld [smem:$0x3FA9]  }
0x2c: {  	s7 =	sld [smem:$0x3FAA]  }
0x2d: {  	s3 =	simm.s32 $0x108;
	s8 =	sld [smem:$0x3FAB]  }
0x2e: {  	s3 =	simm.s32 @!p0 $0x1082;
	s9 =	sld [smem:$0x3FAC]  }
0x2f: {  	lr =	sadd.s32 s0, s3;
	s0 =	sld [smem:$0x3FA3]  }
0x30: {  	s3 =	sld [smem:$0x3FA6]  }
0x31: {  	[smem:$0x3FAF] =	sst s10  }
0x32: {  	s10 =	sld [smem:$0x3FAD];
	_ =	sdelay $0x3  }
0x33: {  	p0 =	seq.s32 s10, $0x1;
	s10 =	sld [smem:$0x3FAF];
	_ =	sdelay $0x3  }
0x34: {  	[smem:$0x3FAF] =	sst s10  }
0x35: {  	s10 =	sld [smem:$0x3FAE];
	_ =	sdelay $0x3  }
0x36: {  	p1 =	seq.s32 s10, $0x1;
	s10 =	sld [smem:$0x3FAF];
	_ =	sdelay $0x3  }
0x37: {  	[smem:$0x3FAF] =	sst s10  }
0x38: {  	s10 =	sld [smem:$0x3FB0]  }
0x39: {  	_ = 	snop;
	(pc) =	sbr.ind lr, $3  }
0x3a: {  	_ = 	snop  }
0x3b: {  	_ = 	snop  }
0x3c: {  	p2 =	seq.s32 s10, $0x1;
	s10 =	sld [smem:$0x3FAF]  }
0x3d: {  	_ =	shalt  }
0x3e: {  	_ =	shalt  }
0x3f: {  	_ =	shalt  }
0x40: {  	_ =	shalt  }
0x41: {  	_ =	shalt  }
0x42: {  	_ =	shalt  }
0x43: {  	_ =	shalt  }
0x44: {  	_ =	shalt  }
0x45: {  	_ =	shalt  }
0x46: {  	_ =	shalt  }
0x47: {  	_ =	shalt  }
0x48: {  	_ =	shalt  }
0x49: {  	_ =	shalt  }
0x4a: {  	_ =	shalt  }
0x4b: {  	_ =	shalt  }
0x4c: {  	_ =	shalt  }
0x4d: {  	_ =	shalt  }
0x4e: {  	_ =	shalt  }
0x4f: {  	_ =	shalt  }
0x50: {  	_ =	shalt  }
0x51: {  	_ =	shalt  }
0x52: {  	_ =	shalt  }
0x53: {  	_ =	shalt  }
0x54: {  	_ =	shalt  }
0x55: {  	_ =	shalt  }
0x56: {  	_ =	shalt  }
0x57: {  	_ =	shalt  }
0x58: {  	_ =	shalt  }
0x59: {  	_ =	shalt  }
0x5a: {  	_ =	shalt  }
0x5b: {  	_ =	shalt  }
0x5c: {  	_ =	shalt  }
0x5d: {  	_ =	shalt  }
0x5e: {  	_ =	shalt  }
0x5f: {  	_ =	shalt  }
0x60: {  	_ =	shalt  }
0x61: {  	_ =	shalt  }
0x62: {  	_ =	shalt  }
0x63: {  	_ =	shalt  }
0x64: {  	_ =	shalt  }
0x65: {  	_ =	shalt  }
0x66: {  	_ =	shalt  }
0x67: {  	_ =	shalt  }
0x68: {  	_ =	shalt  }
0x69: {  	_ =	shalt  }
0x6a: {  	_ =	shalt  }
0x6b: {  	_ =	shalt  }
0x6c: {  	_ =	shalt  }
0x6d: {  	_ =	shalt  }
0x6e: {  	_ =	shalt  }
0x6f: {  	_ =	shalt  }
0x70: {  	_ =	shalt  }
0x71: {  	_ =	shalt  }
0x72: {  	_ =	shalt  }
0x73: {  	_ =	shalt  }
0x74: {  	_ =	shalt  }
0x75: {  	_ =	shalt  }
0x76: {  	_ =	shalt  }
0x77: {  	_ =	shalt  }
0x78: {  	_ =	shalt  }
0x79: {  	_ =	shalt  }
0x7a: {  	_ =	shalt  }
0x7b: {  	_ =	shalt  }
0x7c: {  	_ =	shalt  }
0x7d: {  	_ =	shalt  }
0x7e: {  	_ =	shalt  }
0x7f: {  	_ =	shalt  }
0x80: {  	_ =	shalt  }
0x81: {  	_ =	shalt  }
0x82: {  	_ =	shalt  }
0x83: {  	_ =	shalt  }
0x84: {  	_ =	shalt  }
0x85: {  	_ =	shalt  }
0x86: {  	_ =	shalt  }
0x87: {  	_ =	shalt  }
.Lfunc_end0:
.L_simem_size_0:
called_computation.3_lowered:
.L_overlay_start_0:
0x88: {  	s2 =	sld [smem:$0x3FD9]  }
0x89: {  	s3 =	sld [smem:$0x3FFE];
	_ =	sdelay $0x1  }
0x8a: {  	s1 =	srdreg.scid  }
0x8b: {  	s0 =	sand.u32 $0x1, s1  }
0x8c: {  	s17 =	sshll.u32 s0, $0xA;
	s2 =	sadd.s32 s3, s2  }
0x8d: {  	s2 =	sadd.s32 s2, s17  }
0x8e: {  	[smem:$0x3FBB] =	sst s2  }
0x8f: {  	_ = 	snop  }
0x90: {  	s2 =	sld [smem:$0x3FBE];
	(tm) =	ssettm $0x1  }
0x91: {  	s18 =	sld [smem:$0x3FFB];
	_ =	sdelay $0x3  }
0x92: {  	_ =	strace s18  }
0x93: {  	s3 =	sld [smem:$0x3FFC];
	_ =	sdelay $0x3  }
0x94: {  	_ =	strace s3  }
0x95: {  	s3 =	sld [smem:$0x3FFD];
	_ =	sdelay $0x3  }
0x96: {  	_ =	strace s3  }
0x97: {  	_ =	strace $0x8FFFFFFF  }
0x98: {  	s19 =	sld [smem:$0x3FDB];
	_ =	sdelay $0x1  }
0x99: {  	s4 =	simm.s32 $_scs_section_size  }
0x9a: {  	s5 =	simm.s32 $_size__tile_overlayer_lowered;
	s6 =	simm.s32 $_tile_overlayer_lowered  }
0x9b: {  	s22 =	simm.s32 $0x1BFF;
	s21 =	sshll.u32 s6, $0x1;
	s3 =	sadd.s32 s4, s19  }
0x9c: {  	s7 =	simm.s32 $0x0;
	s20 =	sshll.u32 s5, $0x1;
	s5 =	sadd.s32 s21, s3  }
0x9d: {  	[timem:s7], [sflag:s22] =	dma.local [hbm:s5], s20  }
0x9e: {  	_ =	swait.ge [sflag:s22], s20  }
0x9f: {  	s4 =	ssub.s32 $0x0, s20;
	[sflag:s22] =	ssyncset.done $0x0  }
0xa0: {  	[sflag:s22] =	ssyncadd.s32 s4;
	_ =	sdelay $0x1  }
0xa1: {  	s23 =	simm.s32 $0x1B8B  }
0xa2: {  	_ =	swait.ge [sflag:s23], $0x1  }
0xa3: {  	[sflag:s23] =	ssyncset.done $0x0  }
0xa4: {  	s25 =	simm.s32 $0x1B8E;
	s24 =	sld [smem:$0x3FFE];
	[sflag:s23] =	ssyncadd.s32 $0xFFFFFFFF  }
0xa5: {  	s26 =	simm.s32 $execute0_lowered;
	[smem:$0x3FD2] =	sst s25  }
0xa6: {  	s5 =	sshll.u32 s26, $0x1;
	_ =	strace $0x8000004F;
	[dreg:$0x1] =	wrdreg $0xFFFFFFFF  }
0xa7: {  	s28 =	simm.s32 $_size_execute0_lowered;
	s3 =	sadd.s32 s3, s5;
	[dreg:$0x0] =	wrdreg $0x0  }
0xa8: {  	s5 =	sshll.u32 s28, $0x1;
	[dreg:$0x2] =	wrdreg s3  }
0xa9: {  	[dreg:$0x3] =	wrdreg s5  }
0xaa: {  	[dreg:$0x4] =	wrdreg $0xC0  }
0xab: {  	_ =	task [dreg:s7], $0x5FFFF  }
0xac: {  	[dreg:$0x1] =	wrdreg $0xFFFFFFFF  }
0xad: {  	[dreg:$0x0] =	wrdreg $0x60  }
0xae: {  	[dreg:$0x2] =	wrdreg s24  }
0xaf: {  	[dreg:$0x3] =	wrdreg s2  }
0xb0: {  	[dreg:$0x4] =	wrdreg $0x9  }
0xb1: {  	_ =	task.clear_ibuf [dreg:s7], $0x5FFFF;
	_ =	strace $0x9000004F  }
0xb2: {  	s29 =	simm.s32 $0x9;
	_ =	strace $0x80000051  }
0xb3: {  	_ =	swait.ge [sflag:s29], $0x1  }
0xb4: {  	[sflag:s29] =	ssyncadd.s32 $0xFFFFFFFF  }
0xb5: {  	_ =	strace $0x90000051  }
0xb6: {  	_ =	sfence  }
0xb7: {  	s30 =	sld [smem:$0x0];
	_ =	sdelay $0x2  }
0xb8: {  	s31 =	sshll.u32 s1, $0xD;
	s1 =	sshrl.u32 s1, $0x2  }
0xb9: {  	s3 =	sand.u32 $0x4000, s31;
	s1 =	sadd.s32 s1, s30  }
0xba: {  	s0 =	sor.u32 s3, s0;
	s1 =	sshll.u32 s1, $0x11  }
0xbb: {  	s0 =	sor.u32 s1, s0  }
0xbc: {  	s0 =	sadd.s32 $0x8F2B, s0  }
0xbd: {  	[sflag:s0] =	ssyncadd.remote.s32 $0x1  }
0xbe: {  	_ =	sfence.sel $0xFFFF  }
0xbf: {  	[dreg:$0x0] =	wrdreg $0xFFFFFFFF;
	(pc) =	sbr.abs _section_cstart, $3  }
0xc0: {  	[dreg:$0x1] =	wrdreg $0xFFFFFFFF  }
0xc1: {  	_ =	task.clear_ibuf [dreg:s7], $0x2FFFF;
	_ =	strace $0x9FFFFFFF  }
0xc2: {  	(tm) =	ssettm $0x7FFFFFFF  }
0xc3: {  	_ =	shalt  }
tec
execute0_lowered:
.L_overlay_start_1:
0x0: {  	(tag) =	ssettag $0x1  }
0x1: {  	s0 =	rddreg [dreg:$0x0]  }
0x2: {  	s3 =	simm.s32 $0x0;
	s1 =	srdreg.scid;
	s2 =	stileid.u32  }
0x3: {  	s15 =	simm.s32 $0x14200;
	s16 =	simm.s32 $0x3;
	s17 =	simm.s32 $0x100  }
0x4: {  	s18 =	simm.s32 $0x80;
	s19 =	simm.s32 $0x200;
	s20 =	simm.s32 $0x8200  }
0x5: {  	s21 =	simm.s32 $0x180;
	s22 =	simm.s32 $0x4200;
	s23 =	simm.s32 $0xC200  }
0x6: {  	s24 =	simm.s32 $0x1;
	s25 =	simm.s32 $0x10200;
	s26 =	simm.s32 $0x2  }
0x7: {  	s28 =	simm.s32 $0x0;
	[smem:$0x7FF] =	sst s3;
	s1 =	sand.u32 $0x1, s1  }
0x8: {  	s2 =	sshll.u32 s2, $0x1;
	s4 =	sadd.s32 $0x2E00, s0;
	s5 =	sadd.s32 $0x2A000, s0  }
0x9: {  	s7 =	sadd.s32 $0x103800, s0;
	s8 =	sadd.s32 $0x109C00, s0;
	s2 =	sor.u32 s1, s2  }
0xa: {  	s9 =	sadd.s32 $0x110000, s0;
	s1 =	ssub.s32 $0x2, s1;
	s6 =	smul.u32 $0x1900, s2  }
0xb: {  	_ =	strace $0x80000050;
	s10 =	sshrl.u32 s1, $0x1;
	s12 =	smul.u32 $0xC8000, s2  }
0xc: {  	s30 =	ssub.s32 s1, s10;
	s31 =	sshrl.u32 s6, $0x3;
	s13 =	sadd.s32 $0x100, s6  }
0xd: {  	s14 =	smax.u32 s30, $0x1;
	s10 =	sadd.s32 s7, s31;
	s11 =	sadd.s32 s8, s31  }
.LBB2_1:
0xe: {  	s0 =	rddreg [dreg:$0x1]  }
0xf: {  	[tilespmem:s15], [sflag:$0x3] =	stream.linear.gather [hbm4b:s0+s3], $0x80, $0x38;
	[tilespmem:$0x14280] =	vst v63  }
0x10: {  	_ =	swait.ge [sflag:s16], $0x80  }
0x11: {  	[sflag:s16] =	ssyncset.done $0x0  }
0x12: {  	[sflag:s16] =	ssyncadd.s32 $0xFFFFFF80  }
0x13: {  	v0 =	vld [tilespmem:$0x14200]  }
0x14: {  	v1 =	vld [tilespmem:$0x14210]  }
0x15: {  	v2 =	vld [tilespmem:$0x14220]  }
0x16: {  	v3 =	vld [tilespmem:$0x14230]  }
0x17: {  	v4 =	vld [tilespmem:$0x14240]  }
0x18: {  	v5 =	vld [tilespmem:$0x14250]  }
0x19: {  	v6 =	vld [tilespmem:$0x14260]  }
0x1a: {  	v7 =	vld [tilespmem:$0x14270];
	[tilespmem:s3], [sflag:$0x3] =	stream.linear.gather [hbm4b:s10+s3], $0x80, $0x38  }
0x1b: {  	_ =	swait.ge [sflag:s16], $0x80  }
0x1c: {  	[sflag:s16] =	ssyncset.done $0x0  }
0x1d: {  	[sflag:s16] =	ssyncadd.s32 $0xFFFFFF80  }
0x1e: {  	[tilespmem:s17], [sflag:$0x3] =	stream.linear.gather [hbm4b:s11+s3], $0x80, $0x38;
	[tilespmem:$0x14280] =	vst v63  }
0x1f: {  	_ =	swait.ge [sflag:s16], $0x80  }
0x20: {  	[sflag:s16] =	ssyncset.done $0x0  }
0x21: {  	[sflag:s16] =	ssyncadd.s32 $0xFFFFFF80  }
0x22: {  	[tilespmem:s19], [sflag:$0x1] =	stream.indirect.gather [hbm4b:s4+s18], $0x80, s3, s18, $0xb8;
	[tilespmem:$0x14280] =	vst v63  }
0x23: {  	s29 =	simm.s32 $0x0  }
0x24: {  	[tilespmem:s20], [sflag:$0x1] =	stream.indirect.gather [hbm4b:s5+s18], $0x80, s17, s18, $0xb8;
	[tilespmem:$0x14280] =	vst v63  }
.LBB2_2:
0x25: {  	s31 =	sshll.u32 s29, $0x8  }
0x26: {  	s0 =	sadd.s32 s31, s6  }
0x27: {  	s30 =	sadd.s32 $0x80, s0  }
0x28: {  	s0 =	sshrl.u32 s30, $0x3  }
0x29: {  	s2 =	simm.s32 $0x0;
	s1 =	sadd.s32 s7, s0  }
0x2a: {  	[tilespmem:s18], [sflag:$0x3] =	stream.linear.gather [hbm4b:s1+s2], $0x80, $0x38;
	[tilespmem:$0x14280] =	vst v63  }
0x2b: {  	_ =	swait.ge [sflag:s16], $0x80  }
0x2c: {  	[sflag:s16] =	ssyncset.done $0x0  }
0x2d: {  	s0 =	sadd.s32 s8, s0;
	[sflag:s16] =	ssyncadd.s32 $0xFFFFFF80  }
0x2e: {  	[tilespmem:s21], [sflag:$0x3] =	stream.linear.gather [hbm4b:s0+s2], $0x80, $0x38;
	[tilespmem:$0x14280] =	vst v63  }
0x2f: {  	_ =	swait.ge [sflag:s16], $0x80  }
0x30: {  	[sflag:s16] =	ssyncset.done $0x0  }
0x31: {  	[sflag:s16] =	ssyncadd.s32 $0xFFFFFF80  }
0x32: {  	[tilespmem:s22], [sflag:$0x2] =	stream.indirect.gather [hbm4b:s4+s18], $0x80, s18, s18, $0xb8;
	[tilespmem:$0x14280] =	vst v63  }
0x33: {  	_ = 	snop  }
0x34: {  	[tilespmem:s23], [sflag:$0x2] =	stream.indirect.gather [hbm4b:s5+s18], $0x80, s21, s18, $0xb8;
	[tilespmem:$0x14280] =	vst v63  }
0x35: {  	_ =	swait.ge [sflag:s24], $0x4000  }
0x36: {  	[sflag:s24] =	ssyncset.done $0x0  }
0x37: {  	[sflag:s24] =	ssyncadd.s32 $0xFFFFC000  }
0x38: {  	_ =	swait.ge [sflag:s24], $0x4000  }
0x39: {  	[sflag:s24] =	ssyncset.done $0x0  }
0x3a: {  	s0 =	simm.s32 $0x0;
	[sflag:s24] =	ssyncadd.s32 $0xFFFFC000  }
0x3b: {  	v8 =	vld [tilespmem:s0+$0x200]  }
0x3c: {  	v9 =	vld [tilespmem:s0+$0x8200]  }
0x3d: {  	v10 =	vld [tilespmem:s0+$0x210]  }
0x3e: {  	v11 =	vld [tilespmem:s0+$0x8210]  }
0x3f: {  	v12 =	vld [tilespmem:s0+$0x220]  }
0x40: {  	v13 =	vld [tilespmem:s0+$0x8220]  }
0x41: {  	v14 =	vld [tilespmem:s0+$0x8230];
	v8 =	vadd.f32 v9, v8  }
0x42: {  	v9 =	vld [tilespmem:s0+$0x230]  }
0x43: {  	v15 =	vld [tilespmem:s0+$0x240];
	v10 =	vadd.f32 v11, v10;
	v8 =	vmax.f32 v8, $0.0e+00  }
0x44: {  	v16 =	vld [tilespmem:s0+$0x8240];
	v8 =	vmul.f32 v8, v0  }
0x45: {  	v17 =	vld [tilespmem:s0+$0x250];
	v11 =	vadd.f32 v13, v12;
	v10 =	vmax.f32 v10, $0.0e+00  }
0x46: {  	v18 =	vld [tilespmem:s0+$0x8250];
	v10 =	vmul.f32 v10, v1;
	v12 =	vadd.f32 $0.0e+00, v8  }
0x47: {  	v11 =	vmax.f32 v11, $0.0e+00;
	v8 =	vld [tilespmem:s0+$0x260];
	v13 =	vadd.f32 v14, v9  }
0x48: {  	v10 =	vadd.f32 v10, v12;
	v12 =	vmul.f32 v11, v2;
	v11 =	vld [tilespmem:s0+$0x8260]  }
0x49: {  	v15 =	vadd.f32 v16, v15;
	v9 =	vld [tilespmem:s0+$0x270];
	v14 =	vmax.f32 v13, $0.0e+00  }
0x4a: {  	s1 =	simm.s32 $0x80;
	v14 =	vmul.f32 v14, v3;
	v13 =	vadd.f32 v12, v10;
	v12 =	vld [tilespmem:s0+$0x8270]  }
0x4b: {  	s2 =	simm.s32 $0x400;
	v16 =	vmax.f32 v15, $0.0e+00;
	v15 =	vadd.f32 v18, v17;
	v10 =	vld [tilespmem:s1+$0x200]  }
.LBB2_3:
0x4c: {  	p0 =	sne.s32 s2, $0xFE00;
	v17 =	vld [tilespmem:s1+$0x8200];
	v13 =	vadd.f32 v14, v13;
	v14 =	vmul.f32 v16, v4  }
0x4d: {  	v16 =	vld [tilespmem:s1+$0x210];
	v15 =	vmax.f32 v15, $0.0e+00;
	v8 =	vadd.f32 v11, v8  }
0x4e: {  	v11 =	vld [tilespmem:s1+$0x8210];
	v13 =	vadd.f32 v14, v13;
	v14 =	vmul.f32 v15, v5  }
0x4f: {  	v15 =	vld [tilespmem:s1+$0x220];
	v8 =	vmax.f32 v8, $0.0e+00;
	v9 =	vadd.f32 v12, v9  }
0x50: {  	v12 =	vld [tilespmem:s1+$0x8220];
	v13 =	vadd.f32 v14, v13;
	v8 =	vmul.f32 v8, v6  }
0x51: {  	v10 =	vadd.f32 v17, v10;
	v14 =	vld [tilespmem:s1+$0x230];
	v9 =	vmax.f32 v9, $0.0e+00  }
0x52: {  	v17 =	vld [tilespmem:s1+$0x8230];
	v8 =	vadd.f32 v8, v13;
	v9 =	vmul.f32 v9, v7  }
0x53: {  	v10 =	vmax.f32 v10, $0.0e+00;
	v11 =	vadd.f32 v11, v16;
	v13 =	vld [tilespmem:s1+$0x240]  }
0x54: {  	v10 =	vmul.f32 v10, v0;
	v16 =	vld [tilespmem:s1+$0x8240];
	v8 =	vadd.f32 v9, v8  }
0x55: {  	v9 =	vmax.f32 v11, $0.0e+00;
	v11 =	vadd.f32 v12, v15;
	v15 =	vld [tilespmem:s1+$0x250]  }
0x56: {  	v10 =	vadd.f32 $0.0e+00, v10;
	v9 =	vmul.f32 v9, v1;
	v18 =	vld [tilespmem:s1+$0x8250];
	[tilespmem:s0+$0x10200] =	vst v8;
	s0 =	smov.u32 s1  }
.Ltmp0:
0x57: {  	v11 =	vmax.f32 v11, $0.0e+00;
	v12 =	vadd.f32 v17, v14;
	v8 =	vld [tilespmem:s0+$0x260];
	(pc) =	sbr.rel @p0 .LBB2_3-.Ltmp0, $4  }
0x58: {  	v10 =	vadd.f32 v9, v10;
	v14 =	vmul.f32 v11, v2;
	v11 =	vld [tilespmem:s0+$0x8260]  }
0x59: {  	v12 =	vmax.f32 v12, $0.0e+00;
	v16 =	vadd.f32 v16, v13;
	v9 =	vld [tilespmem:s0+$0x270]  }
0x5a: {  	s1 =	sshra.s32 s2, $0x2;
	v13 =	vadd.f32 v14, v10;
	v14 =	vmul.f32 v12, v3;
	v12 =	vld [tilespmem:s0+$0x8270]  }
0x5b: {  	s2 =	sadd.s32 $0x200, s2;
	v10 =	vld [tilespmem:s1+$0x200];
	v16 =	vmax.f32 v16, $0.0e+00;
	v15 =	vadd.f32 v18, v15  }
0x5c: {  	v17 =	vld [tilespmem:s1+$0x8200];
	v13 =	vadd.f32 v14, v13;
	v14 =	vmul.f32 v16, v4  }
0x5d: {  	v16 =	vld [tilespmem:s1+$0x210];
	v15 =	vmax.f32 v15, $0.0e+00;
	v8 =	vadd.f32 v11, v8  }
0x5e: {  	v11 =	vld [tilespmem:s1+$0x8210];
	v13 =	vadd.f32 v14, v13;
	v14 =	vmul.f32 v15, v5  }
0x5f: {  	v15 =	vld [tilespmem:s1+$0x220];
	v8 =	vmax.f32 v8, $0.0e+00;
	v9 =	vadd.f32 v12, v9  }
0x60: {  	v12 =	vld [tilespmem:s1+$0x8220];
	v13 =	vadd.f32 v14, v13;
	v8 =	vmul.f32 v8, v6  }
0x61: {  	v14 =	vld [tilespmem:s1+$0x230];
	v10 =	vadd.f32 v17, v10;
	v9 =	vmax.f32 v9, $0.0e+00  }
0x62: {  	v17 =	vld [tilespmem:s1+$0x8230];
	v8 =	vadd.f32 v8, v13;
	v9 =	vmul.f32 v9, v7  }
0x63: {  	v13 =	vld [tilespmem:s1+$0x240];
	v11 =	vadd.f32 v11, v16;
	v10 =	vmax.f32 v10, $0.0e+00  }
0x64: {  	v16 =	vld [tilespmem:s1+$0x8240];
	v10 =	vmul.f32 v10, v0;
	v8 =	vadd.f32 v9, v8  }
0x65: {  	v9 =	vld [tilespmem:s1+$0x250];
	v11 =	vmax.f32 v11, $0.0e+00;
	v12 =	vadd.f32 v12, v15  }
0x66: {  	v15 =	vld [tilespmem:s1+$0x8250];
	v11 =	vmul.f32 v11, v1;
	v10 =	vadd.f32 $0.0e+00, v10;
	[tilespmem:s0+$0x10200] =	vst v8  }
0x67: {  	v8 =	vmax.f32 v12, $0.0e+00;
	v12 =	vadd.f32 v17, v14;
	v14 =	vld [tilespmem:s1+$0x260]  }
0x68: {  	v8 =	vmul.f32 v8, v2;
	v10 =	vadd.f32 v11, v10;
	v11 =	vld [tilespmem:s1+$0x8260]  }
0x69: {  	v13 =	vadd.f32 v16, v13;
	v16 =	vld [tilespmem:s1+$0x270];
	v12 =	vmax.f32 v12, $0.0e+00  }
0x6a: {  	v8 =	vadd.f32 v8, v10;
	v10 =	vmul.f32 v12, v3;
	v12 =	vld [tilespmem:s1+$0x8270]  }
0x6b: {  	v13 =	vmax.f32 v13, $0.0e+00;
	v9 =	vadd.f32 v15, v9  }
0x6c: {  	v8 =	vadd.f32 v10, v8;
	v10 =	vmul.f32 v13, v4  }
0x6d: {  	v9 =	vmax.f32 v9, $0.0e+00;
	v11 =	vadd.f32 v11, v14  }
0x6e: {  	v9 =	vmul.f32 v9, v5;
	v8 =	vadd.f32 v10, v8  }
0x6f: {  	v10 =	vmax.f32 v11, $0.0e+00;
	v11 =	vadd.f32 v12, v16  }
0x70: {  	v8 =	vadd.f32 v9, v8;
	v9 =	vmul.f32 v10, v6  }
0x71: {  	v10 =	vmax.f32 v11, $0.0e+00  }
0x72: {  	v8 =	vadd.f32 v9, v8;
	v9 =	vmul.f32 v10, v7  }
0x73: {  	s2 =	sshll.u32 s29, $0xF  }
0x74: {  	s0 =	sadd.s32 s12, s2;
	v8 =	vadd.f32 v9, v8  }
0x75: {  	s0 =	sshrl.u32 s0, $0x3  }
0x76: {  	p0 =	seq.s32 s29, $0x18;
	s0 =	sadd.s32 s9, s0;
	[tilespmem:s1+$0x10200] =	vst v8  }
0x77: {  	[hbm4b:s0+s3] =	stream.linear.scatter [tilespmem:s25], [sflag:$0x3], $0x4000, $0x38;
	[tilespmem:$0x14280] =	vst v63  }
0x78: {  	s0 =	sadd.s32 @!p0 s31, s13;
	_ =	swait.ge [sflag:s16], $0x4000  }
0x79: {  	s0 =	sshrl.u32 @!p0 s0, $0x3;
	[sflag:s16] =	ssyncset.done $0x0  }
0x7a: {  	s2 =	simm.s32 @!p0 $0x0;
	s1 =	sadd.s32 @!p0 s7, s0;
	[sflag:s16] =	ssyncadd.s32 $0xFFFFC000  }
0x7b: {  	[tilespmem:s2], [sflag:$0x3] =	stream.linear.gather @!p0 [hbm4b:s1+s2], $0x80, $0x38;
	[tilespmem:$0x14280] =	vst v63  }
0x7c: {  	s1 =	simm.s32 @!p0 $0x3  }
0x7d: {  	_ =	swait.ge @!p0 [sflag:s1], $0x80  }
0x7e: {  	[sflag:s1] =	ssyncset.done @!p0 $0x0  }
0x7f: {  	s31 =	simm.s32 @!p0 $0x100;
	s0 =	sadd.s32 @!p0 s8, s0;
	[sflag:s1] =	ssyncadd.s32 @!p0 $0xFFFFFF80  }
0x80: {  	[tilespmem:s31], [sflag:$0x3] =	stream.linear.gather @!p0 [hbm4b:s0+s2], $0x80, $0x38;
	[tilespmem:$0x14280] =	vst v63  }
0x81: {  	_ =	swait.ge @!p0 [sflag:s1], $0x80  }
0x82: {  	[sflag:s1] =	ssyncset.done @!p0 $0x0  }
0x83: {  	s0 =	simm.s32 @!p0 $0x80;
	[sflag:s1] =	ssyncadd.s32 @!p0 $0xFFFFFF80;
	s1 =	simm.s32 @!p0 $0x200  }
0x84: {  	[tilespmem:s1], [sflag:$0x1] =	stream.indirect.gather @!p0 [hbm4b:s4+s0], $0x80, s2, s0, $0xb8;
	[tilespmem:$0x14280] =	vst v63  }
0x85: {  	s1 =	simm.s32 @!p0 $0x8200  }
0x86: {  	[tilespmem:s1], [sflag:$0x1] =	stream.indirect.gather @!p0 [hbm4b:s5+s0], $0x80, s31, s0, $0xb8;
	[tilespmem:$0x14280] =	vst v63  }
0x87: {  	_ =	swait.ge [sflag:s26], $0x4000  }
0x88: {  	[sflag:s26] =	ssyncset.done $0x0  }
0x89: {  	[sflag:s26] =	ssyncadd.s32 $0xFFFFC000  }
0x8a: {  	_ =	swait.ge [sflag:s26], $0x4000  }
0x8b: {  	[sflag:s26] =	ssyncset.done $0x0  }
0x8c: {  	s0 =	simm.s32 $0x0;
	[sflag:s26] =	ssyncadd.s32 $0xFFFFC000  }
0x8d: {  	v8 =	vld [tilespmem:s0+$0x4200]  }
0x8e: {  	v9 =	vld [tilespmem:s0+$0xC200]  }
0x8f: {  	v10 =	vld [tilespmem:s0+$0x4210]  }
0x90: {  	v11 =	vld [tilespmem:s0+$0xC210]  }
0x91: {  	v12 =	vld [tilespmem:s0+$0x4220]  }
0x92: {  	v13 =	vld [tilespmem:s0+$0xC220]  }
0x93: {  	v14 =	vld [tilespmem:s0+$0xC230];
	v8 =	vadd.f32 v9, v8  }
0x94: {  	v9 =	vld [tilespmem:s0+$0x4230]  }
0x95: {  	v15 =	vld [tilespmem:s0+$0x4240];
	v10 =	vadd.f32 v11, v10;
	v8 =	vmax.f32 v8, $0.0e+00  }
0x96: {  	v16 =	vld [tilespmem:s0+$0xC240];
	v8 =	vmul.f32 v8, v0  }
0x97: {  	v17 =	vld [tilespmem:s0+$0x4250];
	v11 =	vadd.f32 v13, v12;
	v10 =	vmax.f32 v10, $0.0e+00  }
0x98: {  	v18 =	vld [tilespmem:s0+$0xC250];
	v10 =	vmul.f32 v10, v1;
	v12 =	vadd.f32 $0.0e+00, v8  }
0x99: {  	v11 =	vmax.f32 v11, $0.0e+00;
	v8 =	vld [tilespmem:s0+$0x4260];
	v13 =	vadd.f32 v14, v9  }
0x9a: {  	v10 =	vadd.f32 v10, v12;
	v12 =	vmul.f32 v11, v2;
	v11 =	vld [tilespmem:s0+$0xC260]  }
0x9b: {  	v15 =	vadd.f32 v16, v15;
	v9 =	vld [tilespmem:s0+$0x4270];
	v14 =	vmax.f32 v13, $0.0e+00  }
0x9c: {  	s1 =	simm.s32 $0x80;
	v14 =	vmul.f32 v14, v3;
	v13 =	vadd.f32 v12, v10;
	v12 =	vld [tilespmem:s0+$0xC270]  }
0x9d: {  	s2 =	simm.s32 $0x400;
	v16 =	vmax.f32 v15, $0.0e+00;
	v15 =	vadd.f32 v18, v17;
	v10 =	vld [tilespmem:s1+$0x4200]  }
.LBB2_5:
0x9e: {  	p0 =	sne.s32 s2, $0xFE00;
	v17 =	vld [tilespmem:s1+$0xC200];
	v13 =	vadd.f32 v14, v13;
	v14 =	vmul.f32 v16, v4  }
0x9f: {  	v16 =	vld [tilespmem:s1+$0x4210];
	v15 =	vmax.f32 v15, $0.0e+00;
	v8 =	vadd.f32 v11, v8  }
0xa0: {  	v11 =	vld [tilespmem:s1+$0xC210];
	v13 =	vadd.f32 v14, v13;
	v14 =	vmul.f32 v15, v5  }
0xa1: {  	v15 =	vld [tilespmem:s1+$0x4220];
	v8 =	vmax.f32 v8, $0.0e+00;
	v9 =	vadd.f32 v12, v9  }
0xa2: {  	v12 =	vld [tilespmem:s1+$0xC220];
	v13 =	vadd.f32 v14, v13;
	v8 =	vmul.f32 v8, v6  }
0xa3: {  	v10 =	vadd.f32 v17, v10;
	v14 =	vld [tilespmem:s1+$0x4230];
	v9 =	vmax.f32 v9, $0.0e+00  }
0xa4: {  	v17 =	vld [tilespmem:s1+$0xC230];
	v8 =	vadd.f32 v8, v13;
	v9 =	vmul.f32 v9, v7  }
0xa5: {  	v10 =	vmax.f32 v10, $0.0e+00;
	v11 =	vadd.f32 v11, v16;
	v13 =	vld [tilespmem:s1+$0x4240]  }
0xa6: {  	v10 =	vmul.f32 v10, v0;
	v16 =	vld [tilespmem:s1+$0xC240];
	v8 =	vadd.f32 v9, v8  }
0xa7: {  	v9 =	vmax.f32 v11, $0.0e+00;
	v11 =	vadd.f32 v12, v15;
	v15 =	vld [tilespmem:s1+$0x4250]  }
0xa8: {  	v10 =	vadd.f32 $0.0e+00, v10;
	v9 =	vmul.f32 v9, v1;
	v18 =	vld [tilespmem:s1+$0xC250];
	[tilespmem:s0+$0x10200] =	vst v8;
	s0 =	smov.u32 s1  }
.Ltmp1:
0xa9: {  	v11 =	vmax.f32 v11, $0.0e+00;
	v12 =	vadd.f32 v17, v14;
	v8 =	vld [tilespmem:s0+$0x4260];
	(pc) =	sbr.rel @p0 .LBB2_5-.Ltmp1, $4  }
0xaa: {  	v10 =	vadd.f32 v9, v10;
	v14 =	vmul.f32 v11, v2;
	v11 =	vld [tilespmem:s0+$0xC260]  }
0xab: {  	v12 =	vmax.f32 v12, $0.0e+00;
	v16 =	vadd.f32 v16, v13;
	v9 =	vld [tilespmem:s0+$0x4270]  }
0xac: {  	s1 =	sshra.s32 s2, $0x2;
	v13 =	vadd.f32 v14, v10;
	v14 =	vmul.f32 v12, v3;
	v12 =	vld [tilespmem:s0+$0xC270]  }
0xad: {  	s2 =	sadd.s32 $0x200, s2;
	v10 =	vld [tilespmem:s1+$0x4200];
	v16 =	vmax.f32 v16, $0.0e+00;
	v15 =	vadd.f32 v18, v15  }
0xae: {  	v17 =	vld [tilespmem:s1+$0xC200];
	v13 =	vadd.f32 v14, v13;
	v40 =	vmul.f32 v16, v4  }
0xaf: {  	v41 =	vld [tilespmem:s1+$0x4210];
	v15 =	vmax.f32 v15, $0.0e+00;
	v8 =	vadd.f32 v11, v8  }
0xb0: {  	v42 =	vld [tilespmem:s1+$0xC210];
	v13 =	vadd.f32 v40, v13;
	v43 =	vmul.f32 v15, v5  }
0xb1: {  	v44 =	vld [tilespmem:s1+$0x4220];
	v8 =	vmax.f32 v8, $0.0e+00;
	v9 =	vadd.f32 v12, v9  }
0xb2: {  	v45 =	vld [tilespmem:s1+$0xC220];
	v13 =	vadd.f32 v43, v13;
	v8 =	vmul.f32 v8, v6  }
0xb3: {  	v46 =	vld [tilespmem:s1+$0x4230];
	v10 =	vadd.f32 v17, v10;
	v9 =	vmax.f32 v9, $0.0e+00  }
0xb4: {  	v47 =	vld [tilespmem:s1+$0xC230];
	v8 =	vadd.f32 v8, v13;
	v9 =	vmul.f32 v9, v7  }
0xb5: {  	v48 =	vld [tilespmem:s1+$0x4240];
	v11 =	vadd.f32 v42, v41;
	v10 =	vmax.f32 v10, $0.0e+00  }
0xb6: {  	v49 =	vld [tilespmem:s1+$0xC240];
	v10 =	vmul.f32 v10, v0;
	v8 =	vadd.f32 v9, v8  }
0xb7: {  	v50 =	vld [tilespmem:s1+$0x4250];
	v12 =	vadd.f32 v45, v44;
	v11 =	vmax.f32 v11, $0.0e+00  }
0xb8: {  	v51 =	vld [tilespmem:s1+$0xC250];
	v11 =	vmul.f32 v11, v1;
	v10 =	vadd.f32 $0.0e+00, v10;
	[tilespmem:s0+$0x10200] =	vst v8  }
0xb9: {  	v52 =	vadd.f32 v47, v46;
	v8 =	vmax.f32 v12, $0.0e+00;
	v53 =	vld [tilespmem:s1+$0x4260]  }
0xba: {  	v8 =	vmul.f32 v8, v2;
	v54 =	vld [tilespmem:s1+$0xC260];
	v10 =	vadd.f32 v11, v10  }
0xbb: {  	v13 =	vadd.f32 v49, v48;
	v12 =	vmax.f32 v52, $0.0e+00;
	v55 =	vld [tilespmem:s1+$0x4270]  }
0xbc: {  	v56 =	vmul.f32 v12, v3;
	v57 =	vld [tilespmem:s1+$0xC270];
	v8 =	vadd.f32 v8, v10  }
0xbd: {  	v13 =	vmax.f32 v13, $0.0e+00;
	v9 =	vadd.f32 v51, v50  }
0xbe: {  	v58 =	vmul.f32 v13, v4;
	v8 =	vadd.f32 v56, v8  }
0xbf: {  	v9 =	vmax.f32 v9, $0.0e+00;
	v11 =	vadd.f32 v54, v53  }
0xc0: {  	v9 =	vmul.f32 v9, v5;
	v8 =	vadd.f32 v58, v8  }
0xc1: {  	v60 =	vadd.f32 v57, v55;
	v59 =	vmax.f32 v11, $0.0e+00  }
0xc2: {  	v61 =	vmul.f32 v59, v6;
	v8 =	vadd.f32 v9, v8  }
0xc3: {  	v62 =	vmax.f32 v60, $0.0e+00  }
0xc4: {  	v63 =	vmul.f32 v62, v7;
	v8 =	vadd.f32 v61, v8;
	_ =	sdelay $0x1  }
0xc5: {  	s29 =	sadd.s32 $0x1, s29;
	v8 =	vadd.f32 v63, v8  }
0xc6: {  	s31 =	sshll.u32 s30, $0x4;
	p0 =	sne.s32 s29, $0x19  }
.Ltmp2:
0xc7: {  	s0 =	sadd.s32 s9, s31;
	[tilespmem:s1+$0x10200] =	vst v8;
	(pc) =	sbr.rel @p0 .LBB2_2-.Ltmp2, $4  }
0xc8: {  	[hbm4b:s0+s3] =	stream.linear.scatter [tilespmem:s25], [sflag:$0x3], $0x4000, $0x38;
	[tilespmem:$0x14280] =	vst v63  }
0xc9: {  	_ =	swait.ge [sflag:s16], $0x4000  }
0xca: {  	[sflag:s16] =	ssyncset.done $0x0  }
0xcb: {  	[sflag:s16] =	ssyncadd.s32 $0xFFFFC000  }
0xcc: {  	s28 =	sadd.s32 $0x1, s28  }
0xcd: {  	p0 =	sne.s32 s28, s14  }
.Ltmp3:
0xce: {  	_ = 	snop;
	(pc) =	sbr.rel @p0 .LBB2_1-.Ltmp3, $1  }
0xcf: {  	_ =	sdelay $0x3  }
0xd0: {  	_ =	sfence.sel $0x180000  }
0xd1: {  	[bflag:$0x0] =	sbarrier.arrive $0xFFFF  }
0xd2: {  	_ =	strace $0x90000050  }
0xd3: {  	s0 =	stileid.u32;
	[bflag:$0x2] =	sbarrier.arrive $0xFFFF  }
0xd4: {  	p0 =	sne.s32 s0, $0x0;
	s0 =	rddreg [dreg:$0x2]  }
0xd5: {  	s0 =	sadd.s32 @!p0 $0x100000, s0  }
0xd6: {  	[sflag:s0] =	ssyncadd.tile.s32 @!p0 $0x1;
	_ =	shalt  }
.Lfunc_end2:
_tile_overlayer_lowered:
.L_overlay_start_2:
0xd7: {  	(tag) =	ssettag $0x2  }
0xd8: {  	s0 =	rddreg [dreg:$0x0];
	s2 =	stileid.u32  }
0xd9: {  	s1 =	rddreg [dreg:$0x1];
	p0 =	sne.s32 s2, $0x0  }
0xda: {  	s3 =	rddreg [dreg:$0x2];
	[bflag:$0x3] =	sbarrier.arrive $0xFFFF;
	s2 =	simm.s32 @!p0 $0x1C03  }
0xdb: {  	[timem:s3], [sflag:s2] =	dma.local @!p0 [hbm:s0], s1  }
0xdc: {  	s0 =	simm.s32 @!p0 $0x3  }
0xdd: {  	_ =	swait.ge @!p0 [sflag:s0], s1  }
0xde: {  	s1 =	ssub.s32 @!p0 $0x0, s1;
	[sflag:s0] =	ssyncset.done @!p0 $0x0  }
0xdf: {  	[sflag:s0] =	ssyncadd.s32 @!p0 s1  }
0xe0: {  	[bflag:$0x3] =	sbarrier.arrive $0xFFFF  }
0xe1: {  	_ =	shalt  }

</sc_bundles>
